<compile_context>
chip_gen: v7x
topology: tpu7x:2x2x1
jax: 0.10.2.dev20260603
libtpu: 0.0.44.dev20260713+nightly
codegen_flags: <defaults>
</compile_context>

<pallas_src>
import jax
import jax.numpy as jnp
from jax import lax
from jax.experimental import pallas as pl
from jax.experimental.pallas import tpu as pltpu
from jax.experimental.pallas import tpu_sc as plsc

K = 1024
HW = 128 * 256
NBKT = 4096
BKT_SHIFT = 20
ONE_F32_BITS = 0x3F800000


def _key_body(cav_ref, ego_ref, out_ref):
    cav = cav_ref[0, 0]
    ego = ego_ref[0, 0]
    r = jnp.maximum(cav[0] - ego[0], cav[1] - ego[1])
    bits = lax.bitcast_convert_type(r, jnp.uint32)
    neg = bits >= jnp.uint32(0x80000000)
    out_ref[0] = jnp.where(neg, ~bits, bits | jnp.uint32(0x80000000))


def _scan_hist(hist_ref, nbkt, need):
    lane = lax.iota(jnp.int32, 16)
    nvr = nbkt // 16
    ngrp = nvr // 16
    z = jnp.int32(0)

    def gstep(gg, carry):
        T, gstar, Tstar, found = carry
        g = (ngrp - 1) - gg
        acc = jnp.zeros((16,), jnp.int32)
        for t in range(16):
            acc = acc + hist_ref[pl.ds((g * 16 + t) * 16, 16)]
        s = jnp.sum(acc)
        cross = (1 - found) * jnp.where(T + s >= need, 1, 0)
        return (T + s,
                jnp.where(cross == 1, g, gstar),
                jnp.where(cross == 1, T, Tstar),
                jnp.where(T + s >= need, 1, found))

    _, gstar, Tg, _ = lax.fori_loop(0, ngrp, gstep, (z, z, z, z))

    def vstep(tt, carry):
        T, jstar, Tstar, found = carry
        j = gstar * 16 + (15 - tt)
        v = hist_ref[pl.ds(j * 16, 16)]
        s = jnp.sum(v)
        cross = (1 - found) * jnp.where(T + s >= need, 1, 0)
        return (T + s,
                jnp.where(cross == 1, j, jstar),
                jnp.where(cross == 1, T, Tstar),
                jnp.where(T + s >= need, 1, found))

    _, jstar, Tstar, _ = lax.fori_loop(0, 16, vstep, (Tg, z, z, z))

    v = hist_ref[pl.ds(jstar * 16, 16)]
    cs = plsc.cumsum(lax.rev(v, (0,)))
    m0 = jnp.min(jnp.where(cs >= need - Tstar, lane, 16))
    i = 15 - m0
    cge = Tstar + jnp.max(jnp.where(lane == m0, cs, 0))
    M = jnp.max(jnp.where(lane == i, v, 0))
    Bx = jstar * 16 + i
    return Bx, cge - M


HHW = HW // 2
CPAD = HHW + 128


def _sc_mask_body(keys_hbm, out_hbm, key_v, h1_v, h1b_v, cbuf_v, mvec_v,
                  sh_hist, sh_cbuf, sh_m):
    s = lax.axis_index("s")
    c = lax.axis_index("c")
    pair = c * 8 + s // 2
    half = s % 2

    zero16_i = jnp.zeros((16,), jnp.int32)
    ones16_i = jnp.ones((16,), jnp.int32)
    NV = HHW // 16
    U = 16

    def zh(i, carry):
        h1_v[pl.ds(i * 16, 16)] = zero16_i
        return carry

    lax.fori_loop(0, NBKT // 16, zh, 0)

    pltpu.sync_copy(keys_hbm.at[pair, pl.ds(half * HHW, HHW)], key_v)

    def hpass1(jo, carry):
        for u in range(U):
            key = key_v[pl.ds((jo * U + u) * 16, 16)]
            bkt = (key >> jnp.uint32(BKT_SHIFT)).astype(jnp.int32)
            plsc.addupdate_scatter(h1_v, [bkt], ones16_i)
        return carry

    lax.fori_loop(0, NV // U, hpass1, 0)

    pltpu.sync_copy(h1_v, sh_hist.at[s])
    plsc.subcore_barrier()
    pltpu.sync_copy(sh_hist.at[s - 2 * half + 1], h1b_v)

    def hmerge(i, carry):
        d = pl.ds(i * 16, 16)
        h1_v[d] = h1_v[d] + h1b_v[d]
        return carry

    lax.fori_loop(0, NBKT // 16, hmerge, 0)
    B1, gt1 = _scan_hist(h1_v, NBKT, K)

    def cpass(jo, off):
        for u in range(U):
            key = key_v[pl.ds((jo * U + u) * 16, 16)]
            m = (key >> jnp.uint32(BKT_SHIFT)).astype(jnp.int32) == B1
            cnt = plsc.all_reduce_population_count(m)[0]
            plsc.store_compressed(cbuf_v.at[pl.ds(off, 16)], key, mask=m)
            off = off + cnt
        return off

    M = lax.fori_loop(0, NV // U, cpass, jnp.int32(0))
    cbuf_v[pl.ds(M, 16)] = jnp.zeros((16,), jnp.uint32)

    pltpu.sync_copy(cbuf_v.at[pl.ds(0, CPAD)], sh_cbuf.at[s])
    mvec_v[pl.ds(0, 16)] = M + zero16_i
    pltpu.sync_copy(mvec_v, sh_m.at[s])
    plsc.subcore_barrier()
    pltpu.sync_copy(sh_m.at[s - 2 * half + 1], mvec_v)
    plsc.subcore_barrier()
    pltpu.sync_copy(sh_cbuf.at[s - 2 * half + 1],
                    cbuf_v.at[pl.ds(CPAD, CPAD)])
    Mb = mvec_v[pl.ds(0, 16)][0]

    nva = (M + 15) // 16
    nvb = (Mb + 15) // 16
    prefix0 = B1.astype(jnp.uint32) << jnp.uint32(BKT_SHIFT)

    def refine(it, prefix):
        cand = prefix | (jnp.uint32(1) << (jnp.uint32(BKT_SHIFT - 1) -
                                           it.astype(jnp.uint32)))

        def cntloop(j, acc):
            kv = cbuf_v[pl.ds(j * 16, 16)]
            return acc + jnp.where(kv >= cand, 1, 0)

        def cntloop_b(j, acc):
            kv = cbuf_v[pl.ds(CPAD + j * 16, 16)]
            return acc + jnp.where(kv >= cand, 1, 0)

        accv = lax.fori_loop(0, nva, cntloop, jnp.zeros((16,), jnp.int32))
        accv = lax.fori_loop(0, nvb, cntloop_b, accv)
        cnt = jnp.sum(accv) + gt1
        return jnp.where(cnt >= K, cand, prefix)

    thr = lax.fori_loop(0, BKT_SHIFT, refine, prefix0)

    def mpass(jo, carry):
        for u in range(U):
            d = pl.ds((jo * U + u) * 16, 16)
            key = key_v[d]
            key_v[d] = jnp.where(key >= thr, jnp.uint32(ONE_F32_BITS),
                                 jnp.uint32(0))
        return carry

    lax.fori_loop(0, NV // U, mpass, 0)
    pltpu.sync_copy(key_v, out_hbm.at[pair, pl.ds(half * HHW, HHW)])


def _sc_masks(keys):
    f = pl.kernel(
        _sc_mask_body,
        out_type=jax.ShapeDtypeStruct((16, HW), jnp.uint32),
        mesh=plsc.VectorSubcoreMesh(core_axis_name="c", subcore_axis_name="s",
                                    num_cores=2, num_subcores=16),
        compiler_params=pltpu.CompilerParams(needs_layout_passes=False),
        scratch_types=[
            pltpu.VMEM((HHW,), jnp.uint32),
            pltpu.VMEM((NBKT,), jnp.int32),
            pltpu.VMEM((NBKT,), jnp.int32),
            pltpu.VMEM((2 * CPAD,), jnp.uint32),
            pltpu.VMEM((128,), jnp.int32),
            pltpu.VMEM_SHARED((16, NBKT), jnp.int32),
            pltpu.VMEM_SHARED((16, CPAD), jnp.uint32),
            pltpu.VMEM_SHARED((16, 128), jnp.int32),
        ],
    )
    return f(keys)


def _apply_body(mask_ref, x_ref, m_ref, o_ref):
    p = pl.program_id(0)
    b = p // 5
    l = p - b * 5
    xv = x_ref[...]
    mplane = m_ref[...]
    mv = (mask_ref[b, l] != 0).astype(jnp.float32)
    o_ref[...] = jnp.where(l == 0, xv, xv * (mplane * mv)[:, None, :, :])


def kernel(x, psm, mask):
    B, L, C, H, W = x.shape

    keys = pl.pallas_call(
        _key_body,
        grid=(B * (L - 1),),
        in_specs=[
            pl.BlockSpec((1, 1, 2, H, W), lambda p: (p // 4, p % 4 + 1, 0, 0, 0)),
            pl.BlockSpec((1, 1, 2, H, W), lambda p: (p // 4, 0, 0, 0, 0)),
        ],
        out_specs=pl.BlockSpec((1, H, W), lambda p: (p, 0, 0)),
        out_shape=jax.ShapeDtypeStruct((B * (L - 1), H, W), jnp.uint32),
    )(psm, psm)

    mask16 = _sc_masks(keys.reshape(B * (L - 1), H * W))
    mplane = lax.bitcast_convert_type(mask16, jnp.float32).reshape(16, H, W)

    CB = 64
    xf = x.reshape(B * L, C, H, W)
    out = pl.pallas_call(
        _apply_body,
        grid=(B * L, C // CB),
        in_specs=[
            pl.BlockSpec(memory_space=pltpu.SMEM),
            pl.BlockSpec((1, CB, H, W), lambda p, c: (p, c, 0, 0)),
            pl.BlockSpec((1, H, W),
                         lambda p, c: (jnp.clip(p - p // 5 - 1, 0, 15), 0, 0)),
        ],
        out_specs=pl.BlockSpec((1, CB, H, W), lambda p, c: (p, c, 0, 0)),
        out_shape=jax.ShapeDtypeStruct((B * L, C, H, W), jnp.float32),
    )(mask, xf, mplane)
    return out.reshape(B, L, C, H, W)

# --- scband reference (transcript-rebuilt; emitter-appended) ---
"""Pipeline reference for scband-psm-query-54185307406444 (READ-ONLY COPY).

The authoritative reference and input builder live on the scoring server;
editing this copy changes nothing except your own understanding.
"""

import jax, jax.numpy as jnp
import numpy as np

ANCHOR_NUMS = 2
DIM = 256
COMM_VOLUME = 20


def _filter(ego_psm, cav_psm):
    # residual psm between cav and ego
    residual = cav_psm - ego_psm
    # max over anchor/channel dim with keepdim -> [1, H, W]
    F_flat = jnp.max(jax.nn.sigmoid(residual), axis=0, keepdims=True)
    # eval-mode k: min(2**comm_volume / 4 / dim, numel)
    k = min(int(2 ** COMM_VOLUME / 4 / DIM), F_flat.size)
    vals, _ = jax.lax.top_k(F_flat.reshape(-1), k)
    threshold = jnp.min(vals)
    return (F_flat >= threshold).astype(jnp.float32)


def setup_inputs(seed: int = 0) -> dict:
    key = jax.random.key(seed)
    k1, k2 = jax.random.split(key)
    x = jax.random.normal(k1, (4, 5, 128, 128, 256), dtype=jnp.float32)
    psm = jax.random.normal(k2, (4, 5, 2, 128, 256), dtype=jnp.float32)
    mask = jnp.ones((4, 5), dtype=jnp.int32)
    return {"x": x, "psm": psm, "mask": mask}


def reference(x, psm, mask):
    B, L, C, H, W = x.shape
    filter_feature_list = []
    for b in range(B):
        ego_psm = psm[b][0]
        batch_feature = []
        for i in range(L):
            if i == 0:
                batch_feature.append(x[b][i])
            else:
                fm = _filter(ego_psm, psm[b][i])
                m = (mask[b][i] != 0).astype(jnp.float32)
                # mask==0 -> zeros (identical to torch branch appending zeros)
                batch_feature.append(x[b][i] * fm * m)
        filter_feature_list.append(jnp.stack(batch_feature, axis=0))
    filter_feature = jnp.stack(filter_feature_list, axis=0)
    return filter_feature

if __name__ == "__main__":
    import jax
    _d = setup_inputs()
    print(jax.jit(kernel)(*tuple(_d.values())))

</pallas_src>

<mosaic_0001>
#map = affine_map<(d0, d1) -> (0, 0)>
module attributes {stable_mosaic.version = 14 : i64} {
  func.func @_sc_mask_body(%arg0: i32, %arg1: i32, %arg2: memref<16x32768xi32, #tpu.memory_space<hbm>>, %arg3: memref<16x32768xi32, #tpu.memory_space<hbm>>, %arg4: memref<16384xi32, #tpu.memory_space<vmem>>, %arg5: memref<4096xi32, #tpu.memory_space<vmem>>, %arg6: memref<4096xi32, #tpu.memory_space<vmem>>, %arg7: memref<33024xi32, #tpu.memory_space<vmem>>, %arg8: memref<128xi32, #tpu.memory_space<vmem>>, %arg9: memref<16x4096xi32, #tpu.memory_space<vmem_shared>>, %arg10: memref<16x16512xi32, #tpu.memory_space<vmem_shared>>, %arg11: memref<16x128xi32, #tpu.memory_space<vmem_shared>>) attributes {dimension_semantics = [#tpu.dimension_semantics<core_parallel>, #tpu.dimension_semantics<subcore_parallel>], iteration_bounds = array<i64: 2, 16>, scalar_prefetch = 0 : i64, scratch_operands = 8 : i64, tpu.core_type = #tpu.core_type<sc_vector_subcore>, window_params = [{transform_indices = #map}, {transform_indices = #map}]} {
    %mul3A = arith.constant 8 : i32
    %mul3A_0 = arith.muli %arg0, %mul3A : i32
    %jit3A = arith.constant 2 : i32
    %div3A = arith.divsi %arg1, %jit3A : i32
    %sign3A = arith.constant 0 : i32
    %sign3A_1 = arith.cmpi sgt, %arg1, %sign3A : i32
    %sign3A_2 = arith.extui %sign3A_1 : i1 to i32
    %sign3A_3 = arith.constant 0 : i32
    %sign3A_4 = arith.cmpi slt, %arg1, %sign3A_3 : i32
    %sign3A_5 = arith.extui %sign3A_4 : i1 to i32
    %sign3A_6 = arith.subi %sign3A_2, %sign3A_5 : i32
    %sign3A_7 = arith.constant 0 : i32
    %sign3A_8 = arith.cmpi sgt, %jit3A, %sign3A_7 : i32
    %sign3A_9 = arith.extui %sign3A_8 : i1 to i32
    %sign3A_10 = arith.constant 0 : i32
    %sign3A_11 = arith.cmpi slt, %jit3A, %sign3A_10 : i32
    %sign3A_12 = arith.extui %sign3A_11 : i1 to i32
    %sign3A_13 = arith.subi %sign3A_9, %sign3A_12 : i32
    %ne3A = arith.cmpi ne, %sign3A_6, %sign3A_13 : i32
    %rem3A = arith.remsi %arg1, %jit3A : i32
    %ne3A_14 = arith.constant 0 : i32
    %ne3A_15 = arith.cmpi ne, %rem3A, %ne3A_14 : i32
    %and3A = arith.andi %ne3A, %ne3A_15 : i1
    %sub3A = arith.constant 1 : i32
    %sub3A_16 = arith.subi %div3A, %sub3A : i32
    %select_n3A = arith.select %and3A, %sub3A_16, %div3A : i32
    %add3A = arith.addi %mul3A_0, %select_n3A : i32
    %jit3A_17 = arith.constant 2 : i32
    %eq3A = arith.constant 0 : i32
    %eq3A_18 = arith.cmpi eq, %jit3A_17, %eq3A : i32
    %jit3A_19 = arith.constant 1 : i32
    %select_n3A_20 = arith.select %eq3A_18, %jit3A_19, %jit3A_17 : i32
    %rem3A_21 = arith.remsi %arg1, %select_n3A_20 : i32
    %ne3A_22 = arith.constant 0 : i32
    %ne3A_23 = arith.cmpi ne, %rem3A_21, %ne3A_22 : i32
    %lt3A = arith.constant 0 : i32
    %lt3A_24 = arith.cmpi slt, %rem3A_21, %lt3A : i32
    %lt3A_25 = arith.constant 0 : i32
    %lt3A_26 = arith.cmpi slt, %select_n3A_20, %lt3A_25 : i32
    %ne3A_27 = arith.xori %lt3A_24, %lt3A_26 : i1
    %and3A_28 = arith.andi %ne3A_27, %ne3A_23 : i1
    %add3A_29 = arith.addi %rem3A_21, %select_n3A_20 : i32
    %select_n3A_30 = arith.select %and3A_28, %add3A_29, %rem3A_21 : i32
    %broadcast_in_dim3A = arith.constant 0 : i32
    %broadcast_in_dim3A_31 = vector.broadcast %broadcast_in_dim3A : i32 to vector<16xi32>
    %broadcast_in_dim3A_32 = arith.constant 1 : i32
    %broadcast_in_dim3A_33 = vector.broadcast %broadcast_in_dim3A_32 : i32 to vector<16xi32>
    %scan3A = arith.constant 0 : i32
    %scan3A_34 = arith.constant 0 : i32
    %scan3A_35 = arith.constant 256 : i32
    %scan3A_36 = arith.addi %scan3A_34, %scan3A_35 : i32
    %scan3A_37 = arith.constant 1 : i32
    scf.for %scan3A_226 = %scan3A_34 to %scan3A_36 step %scan3A_37  : i32 {
      %mul3A_227 = arith.constant 16 : i32
      %mul3A_228 = arith.muli %scan3A_226, %mul3A_227 : i32
      %swap3A_229 = arith.index_cast %mul3A_228 : i32 to index
      %swap3A_230 = tpu.vector_load %arg5[%swap3A_229] {strides = array<i32>} : memref<4096xi32, #tpu.memory_space<vmem>>, vector<16xi32>,
      tpu.vector_store %arg5[%swap3A_229], %broadcast_in_dim3A_31 {strides = array<i32>} : memref<4096xi32, #tpu.memory_space<vmem>>, vector<16xi32>,
    }
    %scan3A_38 = arith.constant 256 : i32
    %mul3A_39 = arith.constant 16384 : i32
    %mul3A_40 = arith.muli %select_n3A_30, %mul3A_39 : i32
    "tpu.region"() ({
      %run_scoped3A = tpu.sem_alloc : memref<!tpu.dma_semaphore, #tpu.memory_space<semaphore_mem>>
      %dma_start3A = tpu.memref_slice %arg2[%add3A, %mul3A_40] : memref<16x32768xi32, #tpu.memory_space<hbm>> -> memref<1x16384xi32, #tpu.memory_space<hbm>>
      %dma_start3A_226 = tpu.memref_squeeze %dma_start3A : memref<1x16384xi32, #tpu.memory_space<hbm>> -> memref<16384xi32, #tpu.memory_space<hbm>>
      %dma_start3A_227 = tpu.memref_slice %arg2[%add3A, %mul3A_40] : memref<16x32768xi32, #tpu.memory_space<hbm>> -> memref<1x16384xi32, #tpu.memory_space<hbm>>
      %dma_start3A_228 = tpu.memref_squeeze %dma_start3A_227 : memref<1x16384xi32, #tpu.memory_space<hbm>> -> memref<16384xi32, #tpu.memory_space<hbm>>
      tpu.enqueue_dma source(%dma_start3A_228 : memref<16384xi32, #tpu.memory_space<hbm>>) target(%arg4 : memref<16384xi32, #tpu.memory_space<vmem>>) target_semaphore(%run_scoped3A : memref<!tpu.dma_semaphore, #tpu.memory_space<semaphore_mem>>)
      %dma_wait3A = tpu.memref_slice %arg2[%add3A, %mul3A_40] : memref<16x32768xi32, #tpu.memory_space<hbm>> -> memref<1x16384xi32, #tpu.memory_space<hbm>>
      %dma_wait3A_229 = tpu.memref_squeeze %dma_wait3A : memref<1x16384xi32, #tpu.memory_space<hbm>> -> memref<16384xi32, #tpu.memory_space<hbm>>
      %dma_wait3A_230 = tpu.memref_slice %arg2[%add3A, %mul3A_40] : memref<16x32768xi32, #tpu.memory_space<hbm>> -> memref<1x16384xi32, #tpu.memory_space<hbm>>
      %dma_wait3A_231 = tpu.memref_squeeze %dma_wait3A_230 : memref<1x16384xi32, #tpu.memory_space<hbm>> -> memref<16384xi32, #tpu.memory_space<hbm>>
      tpu.wait_dma2 semaphore(%run_scoped3A : memref<!tpu.dma_semaphore, #tpu.memory_space<semaphore_mem>>) src(%dma_wait3A_231 : memref<16384xi32, #tpu.memory_space<hbm>>) dst(%arg4 : memref<16384xi32, #tpu.memory_space<vmem>>)
      tpu.yield
    }) : () -> ()
    %scan3A_41 = arith.constant 0 : i32
    %scan3A_42 = arith.constant 0 : i32
    %scan3A_43 = arith.constant 64 : i32
    %scan3A_44 = arith.addi %scan3A_42, %scan3A_43 : i32
    %scan3A_45 = arith.constant 1 : i32
    scf.for %scan3A_226 = %scan3A_42 to %scan3A_44 step %scan3A_45  : i32 {
      %mul3A_227 = arith.constant 16 : i32
      %mul3A_228 = arith.muli %scan3A_226, %mul3A_227 : i32
      %add3A_229 = arith.constant 0 : i32
      %add3A_230 = arith.addi %mul3A_228, %add3A_229 : i32
      %mul3A_231 = arith.constant 16 : i32
      %mul3A_232 = arith.muli %add3A_230, %mul3A_231 : i32
      %get3A_233 = arith.index_cast %mul3A_232 : i32 to index
      %get3A_234 = tpu.vector_load %arg4[%get3A_233] {strides = array<i32>} : memref<16384xi32, #tpu.memory_space<vmem>>, vector<16xi32>,
      %shift_right_logical3A = arith.constant 20 : i32
      %shift_right_logical3A_235 = vector.broadcast %shift_right_logical3A : i32 to vector<16xi32>
      %shift_right_logical3A_236 = arith.shrui %get3A_234, %shift_right_logical3A_235 : vector<16xi32>
      tpu.vector_store_idx %arg5[%shift_right_logical3A_236], %broadcast_in_dim3A_33 {add = true} : memref<4096xi32, #tpu.memory_space<vmem>>[vector<16xi32>], vector<16xi32>,
      %mul3A_237 = arith.constant 16 : i32
      %mul3A_238 = arith.muli %scan3A_226, %mul3A_237 : i32
      %add3A_239 = arith.constant 1 : i32
      %add3A_240 = arith.addi %mul3A_238, %add3A_239 : i32
      %mul3A_241 = arith.constant 16 : i32
      %mul3A_242 = arith.muli %add3A_240, %mul3A_241 : i32
      %get3A_243 = arith.index_cast %mul3A_242 : i32 to index
      %get3A_244 = tpu.vector_load %arg4[%get3A_243] {strides = array<i32>} : memref<16384xi32, #tpu.memory_space<vmem>>, vector<16xi32>,
      %shift_right_logical3A_245 = arith.constant 20 : i32
      %shift_right_logical3A_246 = vector.broadcast %shift_right_logical3A_245 : i32 to vector<16xi32>
      %shift_right_logical3A_247 = arith.shrui %get3A_244, %shift_right_logical3A_246 : vector<16xi32>
      tpu.vector_store_idx %arg5[%shift_right_logical3A_247], %broadcast_in_dim3A_33 {add = true} : memref<4096xi32, #tpu.memory_space<vmem>>[vector<16xi32>], vector<16xi32>,
      %mul3A_248 = arith.constant 16 : i32
      %mul3A_249 = arith.muli %scan3A_226, %mul3A_248 : i32
      %add3A_250 = arith.constant 2 : i32
      %add3A_251 = arith.addi %mul3A_249, %add3A_250 : i32
      %mul3A_252 = arith.constant 16 : i32
      %mul3A_253 = arith.muli %add3A_251, %mul3A_252 : i32
      %get3A_254 = arith.index_cast %mul3A_253 : i32 to index
      %get3A_255 = tpu.vector_load %arg4[%get3A_254] {strides = array<i32>} : memref<16384xi32, #tpu.memory_space<vmem>>, vector<16xi32>,
      %shift_right_logical3A_256 = arith.constant 20 : i32
      %shift_right_logical3A_257 = vector.broadcast %shift_right_logical3A_256 : i32 to vector<16xi32>
      %shift_right_logical3A_258 = arith.shrui %get3A_255, %shift_right_logical3A_257 : vector<16xi32>
      tpu.vector_store_idx %arg5[%shift_right_logical3A_258], %broadcast_in_dim3A_33 {add = true} : memref<4096xi32, #tpu.memory_space<vmem>>[vector<16xi32>], vector<16xi32>,
      %mul3A_259 = arith.constant 16 : i32
      %mul3A_260 = arith.muli %scan3A_226, %mul3A_259 : i32
      %add3A_261 = arith.constant 3 : i32
      %add3A_262 = arith.addi %mul3A_260, %add3A_261 : i32
      %mul3A_263 = arith.constant 16 : i32
      %mul3A_264 = arith.muli %add3A_262, %mul3A_263 : i32
      %get3A_265 = arith.index_cast %mul3A_264 : i32 to index
      %get3A_266 = tpu.vector_load %arg4[%get3A_265] {strides = array<i32>} : memref<16384xi32, #tpu.memory_space<vmem>>, vector<16xi32>,
      %shift_right_logical3A_267 = arith.constant 20 : i32
      %shift_right_logical3A_268 = vector.broadcast %shift_right_logical3A_267 : i32 to vector<16xi32>
      %shift_right_logical3A_269 = arith.shrui %get3A_266, %shift_right_logical3A_268 : vector<16xi32>
      tpu.vector_store_idx %arg5[%shift_right_logical3A_269], %broadcast_in_dim3A_33 {add = true} : memref<4096xi32, #tpu.memory_space<vmem>>[vector<16xi32>], vector<16xi32>,
      %mul3A_270 = arith.constant 16 : i32
      %mul3A_271 = arith.muli %scan3A_226, %mul3A_270 : i32
      %add3A_272 = arith.constant 4 : i32
      %add3A_273 = arith.addi %mul3A_271, %add3A_272 : i32
      %mul3A_274 = arith.constant 16 : i32
      %mul3A_275 = arith.muli %add3A_273, %mul3A_274 : i32
      %get3A_276 = arith.index_cast %mul3A_275 : i32 to index
      %get3A_277 = tpu.vector_load %arg4[%get3A_276] {strides = array<i32>} : memref<16384xi32, #tpu.memory_space<vmem>>, vector<16xi32>,
      %shift_right_logical3A_278 = arith.constant 20 : i32
      %shift_right_logical3A_279 = vector.broadcast %shift_right_logical3A_278 : i32 to vector<16xi32>
      %shift_right_logical3A_280 = arith.shrui %get3A_277, %shift_right_logical3A_279 : vector<16xi32>
      tpu.vector_store_idx %arg5[%shift_right_logical3A_280], %broadcast_in_dim3A_33 {add = true} : memref<4096xi32, #tpu.memory_space<vmem>>[vector<16xi32>], vector<16xi32>,
      %mul3A_281 = arith.constant 16 : i32
      %mul3A_282 = arith.muli %scan3A_226, %mul3A_281 : i32
      %add3A_283 = arith.constant 5 : i32
      %add3A_284 = arith.addi %mul3A_282, %add3A_283 : i32
      %mul3A_285 = arith.constant 16 : i32
      %mul3A_286 = arith.muli %add3A_284, %mul3A_285 : i32
      %get3A_287 = arith.index_cast %mul3A_286 : i32 to index
      %get3A_288 = tpu.vector_load %arg4[%get3A_287] {strides = array<i32>} : memref<16384xi32, #tpu.memory_space<vmem>>, vector<16xi32>,
      %shift_right_logical3A_289 = arith.constant 20 : i32
      %shift_right_logical3A_290 = vector.broadcast %shift_right_logical3A_289 : i32 to vector<16xi32>
      %shift_right_logical3A_291 = arith.shrui %get3A_288, %shift_right_logical3A_290 : vector<16xi32>
      tpu.vector_store_idx %arg5[%shift_right_logical3A_291], %broadcast_in_dim3A_33 {add = true} : memref<4096xi32, #tpu.memory_space<vmem>>[vector<16xi32>], vector<16xi32>,
      %mul3A_292 = arith.constant 16 : i32
      %mul3A_293 = arith.muli %scan3A_226, %mul3A_292 : i32
      %add3A_294 = arith.constant 6 : i32
      %add3A_295 = arith.addi %mul3A_293, %add3A_294 : i32
      %mul3A_296 = arith.constant 16 : i32
      %mul3A_297 = arith.muli %add3A_295, %mul3A_296 : i32
      %get3A_298 = arith.index_cast %mul3A_297 : i32 to index
      %get3A_299 = tpu.vector_load %arg4[%get3A_298] {strides = array<i32>} : memref<16384xi32, #tpu.memory_space<vmem>>, vector<16xi32>,
      %shift_right_logical3A_300 = arith.constant 20 : i32
      %shift_right_logical3A_301 = vector.broadcast %shift_right_logical3A_300 : i32 to vector<16xi32>
      %shift_right_logical3A_302 = arith.shrui %get3A_299, %shift_right_logical3A_301 : vector<16xi32>
      tpu.vector_store_idx %arg5[%shift_right_logical3A_302], %broadcast_in_dim3A_33 {add = true} : memref<4096xi32, #tpu.memory_space<vmem>>[vector<16xi32>], vector<16xi32>,
      %mul3A_303 = arith.constant 16 : i32
      %mul3A_304 = arith.muli %scan3A_226, %mul3A_303 : i32
      %add3A_305 = arith.constant 7 : i32
      %add3A_306 = arith.addi %mul3A_304, %add3A_305 : i32
      %mul3A_307 = arith.constant 16 : i32
      %mul3A_308 = arith.muli %add3A_306, %mul3A_307 : i32
      %get3A_309 = arith.index_cast %mul3A_308 : i32 to index
      %get3A_310 = tpu.vector_load %arg4[%get3A_309] {strides = array<i32>} : memref<16384xi32, #tpu.memory_space<vmem>>, vector<16xi32>,
      %shift_right_logical3A_311 = arith.constant 20 : i32
      %shift_right_logical3A_312 = vector.broadcast %shift_right_logical3A_311 : i32 to vector<16xi32>
      %shift_right_logical3A_313 = arith.shrui %get3A_310, %shift_right_logical3A_312 : vector<16xi32>
      tpu.vector_store_idx %arg5[%shift_right_logical3A_313], %broadcast_in_dim3A_33 {add = true} : memref<4096xi32, #tpu.memory_space<vmem>>[vector<16xi32>], vector<16xi32>,
      %mul3A_314 = arith.constant 16 : i32
      %mul3A_315 = arith.muli %scan3A_226, %mul3A_314 : i32
      %add3A_316 = arith.constant 8 : i32
      %add3A_317 = arith.addi %mul3A_315, %add3A_316 : i32
      %mul3A_318 = arith.constant 16 : i32
      %mul3A_319 = arith.muli %add3A_317, %mul3A_318 : i32
      %get3A_320 = arith.index_cast %mul3A_319 : i32 to index
      %get3A_321 = tpu.vector_load %arg4[%get3A_320] {strides = array<i32>} : memref<16384xi32, #tpu.memory_space<vmem>>, vector<16xi32>,
      %shift_right_logical3A_322 = arith.constant 20 : i32
      %shift_right_logical3A_323 = vector.broadcast %shift_right_logical3A_322 : i32 to vector<16xi32>
      %shift_right_logical3A_324 = arith.shrui %get3A_321, %shift_right_logical3A_323 : vector<16xi32>
      tpu.vector_store_idx %arg5[%shift_right_logical3A_324], %broadcast_in_dim3A_33 {add = true} : memref<4096xi32, #tpu.memory_space<vmem>>[vector<16xi32>], vector<16xi32>,
      %mul3A_325 = arith.constant 16 : i32
      %mul3A_326 = arith.muli %scan3A_226, %mul3A_325 : i32
      %add3A_327 = arith.constant 9 : i32
      %add3A_328 = arith.addi %mul3A_326, %add3A_327 : i32
      %mul3A_329 = arith.constant 16 : i32
      %mul3A_330 = arith.muli %add3A_328, %mul3A_329 : i32
      %get3A_331 = arith.index_cast %mul3A_330 : i32 to index
      %get3A_332 = tpu.vector_load %arg4[%get3A_331] {strides = array<i32>} : memref<16384xi32, #tpu.memory_space<vmem>>, vector<16xi32>,
      %shift_right_logical3A_333 = arith.constant 20 : i32
      %shift_right_logical3A_334 = vector.broadcast %shift_right_logical3A_333 : i32 to vector<16xi32>
      %shift_right_logical3A_335 = arith.shrui %get3A_332, %shift_right_logical3A_334 : vector<16xi32>
      tpu.vector_store_idx %arg5[%shift_right_logical3A_335], %broadcast_in_dim3A_33 {add = true} : memref<4096xi32, #tpu.memory_space<vmem>>[vector<16xi32>], vector<16xi32>,
      %mul3A_336 = arith.constant 16 : i32
      %mul3A_337 = arith.muli %scan3A_226, %mul3A_336 : i32
      %add3A_338 = arith.constant 10 : i32
      %add3A_339 = arith.addi %mul3A_337, %add3A_338 : i32
      %mul3A_340 = arith.constant 16 : i32
      %mul3A_341 = arith.muli %add3A_339, %mul3A_340 : i32
      %get3A_342 = arith.index_cast %mul3A_341 : i32 to index
      %get3A_343 = tpu.vector_load %arg4[%get3A_342] {strides = array<i32>} : memref<16384xi32, #tpu.memory_space<vmem>>, vector<16xi32>,
      %shift_right_logical3A_344 = arith.constant 20 : i32
      %shift_right_logical3A_345 = vector.broadcast %shift_right_logical3A_344 : i32 to vector<16xi32>
      %shift_right_logical3A_346 = arith.shrui %get3A_343, %shift_right_logical3A_345 : vector<16xi32>
      tpu.vector_store_idx %arg5[%shift_right_logical3A_346], %broadcast_in_dim3A_33 {add = true} : memref<4096xi32, #tpu.memory_space<vmem>>[vector<16xi32>], vector<16xi32>,
      %mul3A_347 = arith.constant 16 : i32
      %mul3A_348 = arith.muli %scan3A_226, %mul3A_347 : i32
      %add3A_349 = arith.constant 11 : i32
      %add3A_350 = arith.addi %mul3A_348, %add3A_349 : i32
      %mul3A_351 = arith.constant 16 : i32
      %mul3A_352 = arith.muli %add3A_350, %mul3A_351 : i32
      %get3A_353 = arith.index_cast %mul3A_352 : i32 to index
      %get3A_354 = tpu.vector_load %arg4[%get3A_353] {strides = array<i32>} : memref<16384xi32, #tpu.memory_space<vmem>>, vector<16xi32>,
      %shift_right_logical3A_355 = arith.constant 20 : i32
      %shift_right_logical3A_356 = vector.broadcast %shift_right_logical3A_355 : i32 to vector<16xi32>
      %shift_right_logical3A_357 = arith.shrui %get3A_354, %shift_right_logical3A_356 : vector<16xi32>
      tpu.vector_store_idx %arg5[%shift_right_logical3A_357], %broadcast_in_dim3A_33 {add = true} : memref<4096xi32, #tpu.memory_space<vmem>>[vector<16xi32>], vector<16xi32>,
      %mul3A_358 = arith.constant 16 : i32
      %mul3A_359 = arith.muli %scan3A_226, %mul3A_358 : i32
      %add3A_360 = arith.constant 12 : i32
      %add3A_361 = arith.addi %mul3A_359, %add3A_360 : i32
      %mul3A_362 = arith.constant 16 : i32
      %mul3A_363 = arith.muli %add3A_361, %mul3A_362 : i32
      %get3A_364 = arith.index_cast %mul3A_363 : i32 to index
      %get3A_365 = tpu.vector_load %arg4[%get3A_364] {strides = array<i32>} : memref<16384xi32, #tpu.memory_space<vmem>>, vector<16xi32>,
      %shift_right_logical3A_366 = arith.constant 20 : i32
      %shift_right_logical3A_367 = vector.broadcast %shift_right_logical3A_366 : i32 to vector<16xi32>
      %shift_right_logical3A_368 = arith.shrui %get3A_365, %shift_right_logical3A_367 : vector<16xi32>
      tpu.vector_store_idx %arg5[%shift_right_logical3A_368], %broadcast_in_dim3A_33 {add = true} : memref<4096xi32, #tpu.memory_space<vmem>>[vector<16xi32>], vector<16xi32>,
      %mul3A_369 = arith.constant 16 : i32
      %mul3A_370 = arith.muli %scan3A_226, %mul3A_369 : i32
      %add3A_371 = arith.constant 13 : i32
      %add3A_372 = arith.addi %mul3A_370, %add3A_371 : i32
      %mul3A_373 = arith.constant 16 : i32
      %mul3A_374 = arith.muli %add3A_372, %mul3A_373 : i32
      %get3A_375 = arith.index_cast %mul3A_374 : i32 to index
      %get3A_376 = tpu.vector_load %arg4[%get3A_375] {strides = array<i32>} : memref<16384xi32, #tpu.memory_space<vmem>>, vector<16xi32>,
      %shift_right_logical3A_377 = arith.constant 20 : i32
      %shift_right_logical3A_378 = vector.broadcast %shift_right_logical3A_377 : i32 to vector<16xi32>
      %shift_right_logical3A_379 = arith.shrui %get3A_376, %shift_right_logical3A_378 : vector<16xi32>
      tpu.vector_store_idx %arg5[%shift_right_logical3A_379], %broadcast_in_dim3A_33 {add = true} : memref<4096xi32, #tpu.memory_space<vmem>>[vector<16xi32>], vector<16xi32>,
      %mul3A_380 = arith.constant 16 : i32
      %mul3A_381 = arith.muli %scan3A_226, %mul3A_380 : i32
      %add3A_382 = arith.constant 14 : i32
      %add3A_383 = arith.addi %mul3A_381, %add3A_382 : i32
      %mul3A_384 = arith.constant 16 : i32
      %mul3A_385 = arith.muli %add3A_383, %mul3A_384 : i32
      %get3A_386 = arith.index_cast %mul3A_385 : i32 to index
      %get3A_387 = tpu.vector_load %arg4[%get3A_386] {strides = array<i32>} : memref<16384xi32, #tpu.memory_space<vmem>>, vector<16xi32>,
      %shift_right_logical3A_388 = arith.constant 20 : i32
      %shift_right_logical3A_389 = vector.broadcast %shift_right_logical3A_388 : i32 to vector<16xi32>
      %shift_right_logical3A_390 = arith.shrui %get3A_387, %shift_right_logical3A_389 : vector<16xi32>
      tpu.vector_store_idx %arg5[%shift_right_logical3A_390], %broadcast_in_dim3A_33 {add = true} : memref<4096xi32, #tpu.memory_space<vmem>>[vector<16xi32>], vector<16xi32>,
      %mul3A_391 = arith.constant 16 : i32
      %mul3A_392 = arith.muli %scan3A_226, %mul3A_391 : i32
      %add3A_393 = arith.constant 15 : i32
      %add3A_394 = arith.addi %mul3A_392, %add3A_393 : i32
      %mul3A_395 = arith.constant 16 : i32
      %mul3A_396 = arith.muli %add3A_394, %mul3A_395 : i32
      %get3A_397 = arith.index_cast %mul3A_396 : i32 to index
      %get3A_398 = tpu.vector_load %arg4[%get3A_397] {strides = array<i32>} : memref<16384xi32, #tpu.memory_space<vmem>>, vector<16xi32>,
      %shift_right_logical3A_399 = arith.constant 20 : i32
      %shift_right_logical3A_400 = vector.broadcast %shift_right_logical3A_399 : i32 to vector<16xi32>
      %shift_right_logical3A_401 = arith.shrui %get3A_398, %shift_right_logical3A_400 : vector<16xi32>
      tpu.vector_store_idx %arg5[%shift_right_logical3A_401], %broadcast_in_dim3A_33 {add = true} : memref<4096xi32, #tpu.memory_space<vmem>>[vector<16xi32>], vector<16xi32>,
    }
    %scan3A_46 = arith.constant 64 : i32
    "tpu.region"() ({
      %run_scoped3A = tpu.sem_alloc : memref<!tpu.dma_semaphore, #tpu.memory_space<semaphore_mem>>
      %dma_start3A = arith.constant 0 : i32
      %dma_start3A_226 = tpu.memref_slice %arg9[%arg1, %dma_start3A] : memref<16x4096xi32, #tpu.memory_space<vmem_shared>> -> memref<1x4096xi32, #tpu.memory_space<vmem_shared>>
      %dma_start3A_227 = tpu.memref_squeeze %dma_start3A_226 : memref<1x4096xi32, #tpu.memory_space<vmem_shared>> -> memref<4096xi32, #tpu.memory_space<vmem_shared>>
      %dma_start3A_228 = arith.constant 0 : i32
      %dma_start3A_229 = tpu.memref_slice %arg9[%arg1, %dma_start3A_228] : memref<16x4096xi32, #tpu.memory_space<vmem_shared>> -> memref<1x4096xi32, #tpu.memory_space<vmem_shared>>
      %dma_start3A_230 = tpu.memref_squeeze %dma_start3A_229 : memref<1x4096xi32, #tpu.memory_space<vmem_shared>> -> memref<4096xi32, #tpu.memory_space<vmem_shared>>
      tpu.enqueue_dma source(%arg5 : memref<4096xi32, #tpu.memory_space<vmem>>) target(%dma_start3A_230 : memref<4096xi32, #tpu.memory_space<vmem_shared>>) target_semaphore(%run_scoped3A : memref<!tpu.dma_semaphore, #tpu.memory_space<semaphore_mem>>)
      %dma_wait3A = arith.constant 0 : i32
      %dma_wait3A_231 = tpu.memref_slice %arg9[%arg1, %dma_wait3A] : memref<16x4096xi32, #tpu.memory_space<vmem_shared>> -> memref<1x4096xi32, #tpu.memory_space<vmem_shared>>
      %dma_wait3A_232 = tpu.memref_squeeze %dma_wait3A_231 : memref<1x4096xi32, #tpu.memory_space<vmem_shared>> -> memref<4096xi32, #tpu.memory_space<vmem_shared>>
      %dma_wait3A_233 = arith.constant 0 : i32
      %dma_wait3A_234 = tpu.memref_slice %arg9[%arg1, %dma_wait3A_233] : memref<16x4096xi32, #tpu.memory_space<vmem_shared>> -> memref<1x4096xi32, #tpu.memory_space<vmem_shared>>
      %dma_wait3A_235 = tpu.memref_squeeze %dma_wait3A_234 : memref<1x4096xi32, #tpu.memory_space<vmem_shared>> -> memref<4096xi32, #tpu.memory_space<vmem_shared>>
      tpu.wait_dma2 semaphore(%run_scoped3A : memref<!tpu.dma_semaphore, #tpu.memory_space<semaphore_mem>>) src(%arg5 : memref<4096xi32, #tpu.memory_space<vmem>>) dst(%dma_wait3A_235 : memref<4096xi32, #tpu.memory_space<vmem_shared>>)
      tpu.yield
    }) : () -> ()
    %barrier3A = arith.constant 0 : index
    tpu.barrier barrier_id(%barrier3A)
    %mul3A_47 = arith.constant 2 : i32
    %mul3A_48 = arith.muli %mul3A_47, %select_n3A_30 : i32
    %sub3A_49 = arith.subi %arg1, %mul3A_48 : i32
    %add3A_50 = arith.constant 1 : i32
    %add3A_51 = arith.addi %sub3A_49, %add3A_50 : i32
    "tpu.region"() ({
      %run_scoped3A = tpu.sem_alloc : memref<!tpu.dma_semaphore, #tpu.memory_space<semaphore_mem>>
      %dma_start3A = arith.constant 0 : i32
      %dma_start3A_226 = tpu.memref_slice %arg9[%add3A_51, %dma_start3A] : memref<16x4096xi32, #tpu.memory_space<vmem_shared>> -> memref<1x4096xi32, #tpu.memory_space<vmem_shared>>
      %dma_start3A_227 = tpu.memref_squeeze %dma_start3A_226 : memref<1x4096xi32, #tpu.memory_space<vmem_shared>> -> memref<4096xi32, #tpu.memory_space<vmem_shared>>
      %dma_start3A_228 = arith.constant 0 : i32
      %dma_start3A_229 = tpu.memref_slice %arg9[%add3A_51, %dma_start3A_228] : memref<16x4096xi32, #tpu.memory_space<vmem_shared>> -> memref<1x4096xi32, #tpu.memory_space<vmem_shared>>
      %dma_start3A_230 = tpu.memref_squeeze %dma_start3A_229 : memref<1x4096xi32, #tpu.memory_space<vmem_shared>> -> memref<4096xi32, #tpu.memory_space<vmem_shared>>
      tpu.enqueue_dma source(%dma_start3A_230 : memref<4096xi32, #tpu.memory_space<vmem_shared>>) target(%arg6 : memref<4096xi32, #tpu.memory_space<vmem>>) target_semaphore(%run_scoped3A : memref<!tpu.dma_semaphore, #tpu.memory_space<semaphore_mem>>)
      %dma_wait3A = arith.constant 0 : i32
      %dma_wait3A_231 = tpu.memref_slice %arg9[%add3A_51, %dma_wait3A] : memref<16x4096xi32, #tpu.memory_space<vmem_shared>> -> memref<1x4096xi32, #tpu.memory_space<vmem_shared>>
      %dma_wait3A_232 = tpu.memref_squeeze %dma_wait3A_231 : memref<1x4096xi32, #tpu.memory_space<vmem_shared>> -> memref<4096xi32, #tpu.memory_space<vmem_shared>>
      %dma_wait3A_233 = arith.constant 0 : i32
      %dma_wait3A_234 = tpu.memref_slice %arg9[%add3A_51, %dma_wait3A_233] : memref<16x4096xi32, #tpu.memory_space<vmem_shared>> -> memref<1x4096xi32, #tpu.memory_space<vmem_shared>>
      %dma_wait3A_235 = tpu.memref_squeeze %dma_wait3A_234 : memref<1x4096xi32, #tpu.memory_space<vmem_shared>> -> memref<4096xi32, #tpu.memory_space<vmem_shared>>
      tpu.wait_dma2 semaphore(%run_scoped3A : memref<!tpu.dma_semaphore, #tpu.memory_space<semaphore_mem>>) src(%dma_wait3A_235 : memref<4096xi32, #tpu.memory_space<vmem_shared>>) dst(%arg6 : memref<4096xi32, #tpu.memory_space<vmem>>)
      tpu.yield
    }) : () -> ()
    %scan3A_52 = arith.constant 0 : i32
    %scan3A_53 = arith.constant 0 : i32
    %scan3A_54 = arith.constant 256 : i32
    %scan3A_55 = arith.addi %scan3A_53, %scan3A_54 : i32
    %scan3A_56 = arith.constant 1 : i32
    scf.for %scan3A_226 = %scan3A_53 to %scan3A_55 step %scan3A_56  : i32 {
      %mul3A_227 = arith.constant 16 : i32
      %mul3A_228 = arith.muli %scan3A_226, %mul3A_227 : i32
      %get3A_229 = arith.index_cast %mul3A_228 : i32 to index
      %get3A_230 = tpu.vector_load %arg5[%get3A_229] {strides = array<i32>} : memref<4096xi32, #tpu.memory_space<vmem>>, vector<16xi32>,
      %get3A_231 = arith.index_cast %mul3A_228 : i32 to index
      %get3A_232 = tpu.vector_load %arg6[%get3A_231] {strides = array<i32>} : memref<4096xi32, #tpu.memory_space<vmem>>, vector<16xi32>,
      %add3A_233 = arith.addi %get3A_230, %get3A_232 : vector<16xi32>
      %swap3A_234 = arith.index_cast %mul3A_228 : i32 to index
      %swap3A_235 = tpu.vector_load %arg5[%swap3A_234] {strides = array<i32>} : memref<4096xi32, #tpu.memory_space<vmem>>, vector<16xi32>,
      tpu.vector_store %arg5[%swap3A_234], %add3A_233 {strides = array<i32>} : memref<4096xi32, #tpu.memory_space<vmem>>, vector<16xi32>,
    }
    %scan3A_57 = arith.constant 256 : i32
    %iota3A = tpu.iota {dimensions = array<i32: 0>} : vector<16xi32>
    %scan3A_58 = arith.constant 0 : i32
    %scan3A_59 = arith.constant 0 : i32
    %scan3A_60 = arith.constant 0 : i32
    %scan3A_61 = arith.constant 0 : i32
    %scan3A_62 = arith.constant 0 : i32
    %scan3A_63 = arith.constant 16 : i32
    %scan3A_64 = arith.addi %scan3A_62, %scan3A_63 : i32
    %scan3A_65 = arith.constant 1 : i32
    %scan3A_66:4 = scf.for %scan3A_226 = %scan3A_62 to %scan3A_64 step %scan3A_65 iter_args(%scan3A_227 = %scan3A_58, %scan3A_228 = %scan3A_59, %scan3A_229 = %scan3A_60, %scan3A_230 = %scan3A_61) -> (i32, i32, i32, i32)  : i32 {
      %sub3A_231 = arith.constant 15 : i32
      %sub3A_232 = arith.subi %sub3A_231, %scan3A_226 : i32
      %broadcast_in_dim3A_233 = arith.constant 0 : i32
      %broadcast_in_dim3A_234 = vector.broadcast %broadcast_in_dim3A_233 : i32 to vector<16xi32>
      %mul3A_235 = arith.constant 16 : i32
      %mul3A_236 = arith.muli %sub3A_232, %mul3A_235 : i32
      %add3A_237 = arith.constant 0 : i32
      %add3A_238 = arith.addi %mul3A_236, %add3A_237 : i32
      %mul3A_239 = arith.constant 16 : i32
      %mul3A_240 = arith.muli %add3A_238, %mul3A_239 : i32
      %get3A_241 = arith.index_cast %mul3A_240 : i32 to index
      %get3A_242 = tpu.vector_load %arg5[%get3A_241] {strides = array<i32>} : memref<4096xi32, #tpu.memory_space<vmem>>, vector<16xi32>,
      %add3A_243 = arith.addi %broadcast_in_dim3A_234, %get3A_242 : vector<16xi32>
      %mul3A_244 = arith.constant 16 : i32
      %mul3A_245 = arith.muli %sub3A_232, %mul3A_244 : i32
      %add3A_246 = arith.constant 1 : i32
      %add3A_247 = arith.addi %mul3A_245, %add3A_246 : i32
      %mul3A_248 = arith.constant 16 : i32
      %mul3A_249 = arith.muli %add3A_247, %mul3A_248 : i32
      %get3A_250 = arith.index_cast %mul3A_249 : i32 to index
      %get3A_251 = tpu.vector_load %arg5[%get3A_250] {strides = array<i32>} : memref<4096xi32, #tpu.memory_space<vmem>>, vector<16xi32>,
      %add3A_252 = arith.addi %add3A_243, %get3A_251 : vector<16xi32>
      %mul3A_253 = arith.constant 16 : i32
      %mul3A_254 = arith.muli %sub3A_232, %mul3A_253 : i32
      %add3A_255 = arith.constant 2 : i32
      %add3A_256 = arith.addi %mul3A_254, %add3A_255 : i32
      %mul3A_257 = arith.constant 16 : i32
      %mul3A_258 = arith.muli %add3A_256, %mul3A_257 : i32
      %get3A_259 = arith.index_cast %mul3A_258 : i32 to index
      %get3A_260 = tpu.vector_load %arg5[%get3A_259] {strides = array<i32>} : memref<4096xi32, #tpu.memory_space<vmem>>, vector<16xi32>,
      %add3A_261 = arith.addi %add3A_252, %get3A_260 : vector<16xi32>
      %mul3A_262 = arith.constant 16 : i32
      %mul3A_263 = arith.muli %sub3A_232, %mul3A_262 : i32
      %add3A_264 = arith.constant 3 : i32
      %add3A_265 = arith.addi %mul3A_263, %add3A_264 : i32
      %mul3A_266 = arith.constant 16 : i32
      %mul3A_267 = arith.muli %add3A_265, %mul3A_266 : i32
      %get3A_268 = arith.index_cast %mul3A_267 : i32 to index
      %get3A_269 = tpu.vector_load %arg5[%get3A_268] {strides = array<i32>} : memref<4096xi32, #tpu.memory_space<vmem>>, vector<16xi32>,
      %add3A_270 = arith.addi %add3A_261, %get3A_269 : vector<16xi32>
      %mul3A_271 = arith.constant 16 : i32
      %mul3A_272 = arith.muli %sub3A_232, %mul3A_271 : i32
      %add3A_273 = arith.constant 4 : i32
      %add3A_274 = arith.addi %mul3A_272, %add3A_273 : i32
      %mul3A_275 = arith.constant 16 : i32
      %mul3A_276 = arith.muli %add3A_274, %mul3A_275 : i32
      %get3A_277 = arith.index_cast %mul3A_276 : i32 to index
      %get3A_278 = tpu.vector_load %arg5[%get3A_277] {strides = array<i32>} : memref<4096xi32, #tpu.memory_space<vmem>>, vector<16xi32>,
      %add3A_279 = arith.addi %add3A_270, %get3A_278 : vector<16xi32>
      %mul3A_280 = arith.constant 16 : i32
      %mul3A_281 = arith.muli %sub3A_232, %mul3A_280 : i32
      %add3A_282 = arith.constant 5 : i32
      %add3A_283 = arith.addi %mul3A_281, %add3A_282 : i32
      %mul3A_284 = arith.constant 16 : i32
      %mul3A_285 = arith.muli %add3A_283, %mul3A_284 : i32
      %get3A_286 = arith.index_cast %mul3A_285 : i32 to index
      %get3A_287 = tpu.vector_load %arg5[%get3A_286] {strides = array<i32>} : memref<4096xi32, #tpu.memory_space<vmem>>, vector<16xi32>,
      %add3A_288 = arith.addi %add3A_279, %get3A_287 : vector<16xi32>
      %mul3A_289 = arith.constant 16 : i32
      %mul3A_290 = arith.muli %sub3A_232, %mul3A_289 : i32
      %add3A_291 = arith.constant 6 : i32
      %add3A_292 = arith.addi %mul3A_290, %add3A_291 : i32
      %mul3A_293 = arith.constant 16 : i32
      %mul3A_294 = arith.muli %add3A_292, %mul3A_293 : i32
      %get3A_295 = arith.index_cast %mul3A_294 : i32 to index
      %get3A_296 = tpu.vector_load %arg5[%get3A_295] {strides = array<i32>} : memref<4096xi32, #tpu.memory_space<vmem>>, vector<16xi32>,
      %add3A_297 = arith.addi %add3A_288, %get3A_296 : vector<16xi32>
      %mul3A_298 = arith.constant 16 : i32
      %mul3A_299 = arith.muli %sub3A_232, %mul3A_298 : i32
      %add3A_300 = arith.constant 7 : i32
      %add3A_301 = arith.addi %mul3A_299, %add3A_300 : i32
      %mul3A_302 = arith.constant 16 : i32
      %mul3A_303 = arith.muli %add3A_301, %mul3A_302 : i32
      %get3A_304 = arith.index_cast %mul3A_303 : i32 to index
      %get3A_305 = tpu.vector_load %arg5[%get3A_304] {strides = array<i32>} : memref<4096xi32, #tpu.memory_space<vmem>>, vector<16xi32>,
      %add3A_306 = arith.addi %add3A_297, %get3A_305 : vector<16xi32>
      %mul3A_307 = arith.constant 16 : i32
      %mul3A_308 = arith.muli %sub3A_232, %mul3A_307 : i32
      %add3A_309 = arith.constant 8 : i32
      %add3A_310 = arith.addi %mul3A_308, %add3A_309 : i32
      %mul3A_311 = arith.constant 16 : i32
      %mul3A_312 = arith.muli %add3A_310, %mul3A_311 : i32
      %get3A_313 = arith.index_cast %mul3A_312 : i32 to index
      %get3A_314 = tpu.vector_load %arg5[%get3A_313] {strides = array<i32>} : memref<4096xi32, #tpu.memory_space<vmem>>, vector<16xi32>,
      %add3A_315 = arith.addi %add3A_306, %get3A_314 : vector<16xi32>
      %mul3A_316 = arith.constant 16 : i32
      %mul3A_317 = arith.muli %sub3A_232, %mul3A_316 : i32
      %add3A_318 = arith.constant 9 : i32
      %add3A_319 = arith.addi %mul3A_317, %add3A_318 : i32
      %mul3A_320 = arith.constant 16 : i32
      %mul3A_321 = arith.muli %add3A_319, %mul3A_320 : i32
      %get3A_322 = arith.index_cast %mul3A_321 : i32 to index
      %get3A_323 = tpu.vector_load %arg5[%get3A_322] {strides = array<i32>} : memref<4096xi32, #tpu.memory_space<vmem>>, vector<16xi32>,
      %add3A_324 = arith.addi %add3A_315, %get3A_323 : vector<16xi32>
      %mul3A_325 = arith.constant 16 : i32
      %mul3A_326 = arith.muli %sub3A_232, %mul3A_325 : i32
      %add3A_327 = arith.constant 10 : i32
      %add3A_328 = arith.addi %mul3A_326, %add3A_327 : i32
      %mul3A_329 = arith.constant 16 : i32
      %mul3A_330 = arith.muli %add3A_328, %mul3A_329 : i32
      %get3A_331 = arith.index_cast %mul3A_330 : i32 to index
      %get3A_332 = tpu.vector_load %arg5[%get3A_331] {strides = array<i32>} : memref<4096xi32, #tpu.memory_space<vmem>>, vector<16xi32>,
      %add3A_333 = arith.addi %add3A_324, %get3A_332 : vector<16xi32>
      %mul3A_334 = arith.constant 16 : i32
      %mul3A_335 = arith.muli %sub3A_232, %mul3A_334 : i32
      %add3A_336 = arith.constant 11 : i32
      %add3A_337 = arith.addi %mul3A_335, %add3A_336 : i32
      %mul3A_338 = arith.constant 16 : i32
      %mul3A_339 = arith.muli %add3A_337, %mul3A_338 : i32
      %get3A_340 = arith.index_cast %mul3A_339 : i32 to index
      %get3A_341 = tpu.vector_load %arg5[%get3A_340] {strides = array<i32>} : memref<4096xi32, #tpu.memory_space<vmem>>, vector<16xi32>,
      %add3A_342 = arith.addi %add3A_333, %get3A_341 : vector<16xi32>
      %mul3A_343 = arith.constant 16 : i32
      %mul3A_344 = arith.muli %sub3A_232, %mul3A_343 : i32
      %add3A_345 = arith.constant 12 : i32
      %add3A_346 = arith.addi %mul3A_344, %add3A_345 : i32
      %mul3A_347 = arith.constant 16 : i32
      %mul3A_348 = arith.muli %add3A_346, %mul3A_347 : i32
      %get3A_349 = arith.index_cast %mul3A_348 : i32 to index
      %get3A_350 = tpu.vector_load %arg5[%get3A_349] {strides = array<i32>} : memref<4096xi32, #tpu.memory_space<vmem>>, vector<16xi32>,
      %add3A_351 = arith.addi %add3A_342, %get3A_350 : vector<16xi32>
      %mul3A_352 = arith.constant 16 : i32
      %mul3A_353 = arith.muli %sub3A_232, %mul3A_352 : i32
      %add3A_354 = arith.constant 13 : i32
      %add3A_355 = arith.addi %mul3A_353, %add3A_354 : i32
      %mul3A_356 = arith.constant 16 : i32
      %mul3A_357 = arith.muli %add3A_355, %mul3A_356 : i32
      %get3A_358 = arith.index_cast %mul3A_357 : i32 to index
      %get3A_359 = tpu.vector_load %arg5[%get3A_358] {strides = array<i32>} : memref<4096xi32, #tpu.memory_space<vmem>>, vector<16xi32>,
      %add3A_360 = arith.addi %add3A_351, %get3A_359 : vector<16xi32>
      %mul3A_361 = arith.constant 16 : i32
      %mul3A_362 = arith.muli %sub3A_232, %mul3A_361 : i32
      %add3A_363 = arith.constant 14 : i32
      %add3A_364 = arith.addi %mul3A_362, %add3A_363 : i32
      %mul3A_365 = arith.constant 16 : i32
      %mul3A_366 = arith.muli %add3A_364, %mul3A_365 : i32
      %get3A_367 = arith.index_cast %mul3A_366 : i32 to index
      %get3A_368 = tpu.vector_load %arg5[%get3A_367] {strides = array<i32>} : memref<4096xi32, #tpu.memory_space<vmem>>, vector<16xi32>,
      %add3A_369 = arith.addi %add3A_360, %get3A_368 : vector<16xi32>
      %mul3A_370 = arith.constant 16 : i32
      %mul3A_371 = arith.muli %sub3A_232, %mul3A_370 : i32
      %add3A_372 = arith.constant 15 : i32
      %add3A_373 = arith.addi %mul3A_371, %add3A_372 : i32
      %mul3A_374 = arith.constant 16 : i32
      %mul3A_375 = arith.muli %add3A_373, %mul3A_374 : i32
      %get3A_376 = arith.index_cast %mul3A_375 : i32 to index
      %get3A_377 = tpu.vector_load %arg5[%get3A_376] {strides = array<i32>} : memref<4096xi32, #tpu.memory_space<vmem>>, vector<16xi32>,
      %add3A_378 = arith.addi %add3A_369, %get3A_377 : vector<16xi32>
      %reduce_sum3A = arith.constant true
      %reduce_sum3A_379 = vector.broadcast %reduce_sum3A : i1 to vector<16xi1>
      %reduce_sum3A_380 = tpu.scan <sum>, %add3A_378 masked %reduce_sum3A_379 : vector<16xi32>, vector<16xi1> -> vector<16xi32>
      %reduce_sum3A_381 = vector.extract %reduce_sum3A_380[15] : i32 from vector<16xi32>
      %sub3A_382 = arith.constant 1 : i32
      %sub3A_383 = arith.subi %sub3A_382, %scan3A_230 : i32
      %add3A_384 = arith.addi %scan3A_227, %reduce_sum3A_381 : i32
      %ge3A_385 = arith.constant 1024 : i32
      %ge3A_386 = arith.cmpi sge, %add3A_384, %ge3A_385 : i32
      %jit3A_387 = arith.constant 1 : i32
      %jit3A_388 = arith.constant 0 : i32
      %select_n3A_389 = arith.select %ge3A_386, %jit3A_387, %jit3A_388 : i32
      %mul3A_390 = arith.muli %sub3A_383, %select_n3A_389 : i32
      %add3A_391 = arith.addi %scan3A_227, %reduce_sum3A_381 : i32
      %eq3A_392 = arith.constant 1 : i32
      %eq3A_393 = arith.cmpi eq, %mul3A_390, %eq3A_392 : i32
      %select_n3A_394 = arith.select %eq3A_393, %sub3A_232, %scan3A_228 : i32
      %eq3A_395 = arith.constant 1 : i32
      %eq3A_396 = arith.cmpi eq, %mul3A_390, %eq3A_395 : i32
      %select_n3A_397 = arith.select %eq3A_396, %scan3A_227, %scan3A_229 : i32
      %add3A_398 = arith.addi %scan3A_227, %reduce_sum3A_381 : i32
      %ge3A_399 = arith.constant 1024 : i32
      %ge3A_400 = arith.cmpi sge, %add3A_398, %ge3A_399 : i32
      %jit3A_401 = arith.constant 1 : i32
      %select_n3A_402 = arith.select %ge3A_400, %jit3A_401, %scan3A_230 : i32
      scf.yield %add3A_391, %select_n3A_394, %select_n3A_397, %select_n3A_402 : i32, i32, i32, i32
    }
    %scan3A_67 = arith.constant 16 : i32
    %scan3A_68 = arith.constant 0 : i32
    %scan3A_69 = arith.constant 0 : i32
    %scan3A_70 = arith.constant 0 : i32
    %scan3A_71 = arith.constant 0 : i32
    %scan3A_72 = arith.constant 16 : i32
    %scan3A_73 = arith.addi %scan3A_71, %scan3A_72 : i32
    %scan3A_74 = arith.constant 1 : i32
    %scan3A_75:4 = scf.for %scan3A_226 = %scan3A_71 to %scan3A_73 step %scan3A_74 iter_args(%scan3A_227 = %scan3A_66#2, %scan3A_228 = %scan3A_68, %scan3A_229 = %scan3A_69, %scan3A_230 = %scan3A_70) -> (i32, i32, i32, i32)  : i32 {
      %mul3A_231 = arith.constant 16 : i32
      %mul3A_232 = arith.muli %scan3A_66#1, %mul3A_231 : i32
      %sub3A_233 = arith.constant 15 : i32
      %sub3A_234 = arith.subi %sub3A_233, %scan3A_226 : i32
      %add3A_235 = arith.addi %mul3A_232, %sub3A_234 : i32
      %mul3A_236 = arith.constant 16 : i32
      %mul3A_237 = arith.muli %add3A_235, %mul3A_236 : i32
      %get3A_238 = arith.index_cast %mul3A_237 : i32 to index
      %get3A_239 = tpu.vector_load %arg5[%get3A_238] {strides = array<i32>} : memref<4096xi32, #tpu.memory_space<vmem>>, vector<16xi32>,
      %reduce_sum3A = arith.constant true
      %reduce_sum3A_240 = vector.broadcast %reduce_sum3A : i1 to vector<16xi1>
      %reduce_sum3A_241 = tpu.scan <sum>, %get3A_239 masked %reduce_sum3A_240 : vector<16xi32>, vector<16xi1> -> vector<16xi32>
      %reduce_sum3A_242 = vector.extract %reduce_sum3A_241[15] : i32 from vector<16xi32>
      %sub3A_243 = arith.constant 1 : i32
      %sub3A_244 = arith.subi %sub3A_243, %scan3A_230 : i32
      %add3A_245 = arith.addi %scan3A_227, %reduce_sum3A_242 : i32
      %ge3A_246 = arith.constant 1024 : i32
      %ge3A_247 = arith.cmpi sge, %add3A_245, %ge3A_246 : i32
      %jit3A_248 = arith.constant 1 : i32
      %jit3A_249 = arith.constant 0 : i32
      %select_n3A_250 = arith.select %ge3A_247, %jit3A_248, %jit3A_249 : i32
      %mul3A_251 = arith.muli %sub3A_244, %select_n3A_250 : i32
      %add3A_252 = arith.addi %scan3A_227, %reduce_sum3A_242 : i32
      %eq3A_253 = arith.constant 1 : i32
      %eq3A_254 = arith.cmpi eq, %mul3A_251, %eq3A_253 : i32
      %select_n3A_255 = arith.select %eq3A_254, %add3A_235, %scan3A_228 : i32
      %eq3A_256 = arith.constant 1 : i32
      %eq3A_257 = arith.cmpi eq, %mul3A_251, %eq3A_256 : i32
      %select_n3A_258 = arith.select %eq3A_257, %scan3A_227, %scan3A_229 : i32
      %add3A_259 = arith.addi %scan3A_227, %reduce_sum3A_242 : i32
      %ge3A_260 = arith.constant 1024 : i32
      %ge3A_261 = arith.cmpi sge, %add3A_259, %ge3A_260 : i32
      %jit3A_262 = arith.constant 1 : i32
      %select_n3A_263 = arith.select %ge3A_261, %jit3A_262, %scan3A_230 : i32
      scf.yield %add3A_252, %select_n3A_255, %select_n3A_258, %select_n3A_263 : i32, i32, i32, i32
    }
    %scan3A_76 = arith.constant 16 : i32
    %mul3A_77 = arith.constant 16 : i32
    %mul3A_78 = arith.muli %scan3A_75#1, %mul3A_77 : i32
    %get3A = arith.index_cast %mul3A_78 : i32 to index
    %get3A_79 = tpu.vector_load %arg5[%get3A] {strides = array<i32>} : memref<4096xi32, #tpu.memory_space<vmem>>, vector<16xi32>,
    %rev3A = arith.constant 15 : i32
    %rev3A_80 = vector.broadcast %rev3A : i32 to vector<16xi32>
    %rev3A_81 = tpu.iota {dimensions = array<i32: 0>} : vector<16xi32>
    %rev3A_82 = arith.subi %rev3A_80, %rev3A_81 : vector<16xi32>
    %rev3A_83 = tpu.dynamic_gather %get3A_79[%rev3A_82] in [0] : vector<16xi32>, vector<16xi32> -> vector<16xi32>
    %broadcast_in_dim3A_84 = arith.constant true
    %broadcast_in_dim3A_85 = vector.broadcast %broadcast_in_dim3A_84 : i1 to vector<16xi1>
    %masked_cumsum3A = tpu.scan <sum>, %rev3A_83 masked %broadcast_in_dim3A_85 : vector<16xi32>, vector<16xi1> -> vector<16xi32>
    %sub3A_86 = arith.constant 1024 : i32
    %sub3A_87 = arith.subi %sub3A_86, %scan3A_75#2 : i32
    %ge3A = vector.broadcast %sub3A_87 : i32 to vector<16xi32>
    %ge3A_88 = arith.cmpi sge, %masked_cumsum3A, %ge3A : vector<16xi32>
    %jit3A_89 = arith.constant 16 : i32
    %broadcast_in_dim3A_90 = vector.broadcast %jit3A_89 : i32 to vector<16xi32>
    %select_n3A_91 = arith.select %ge3A_88, %iota3A, %broadcast_in_dim3A_90 : vector<16xi1>, vector<16xi32>
    %reduce_min3A = arith.constant true
    %reduce_min3A_92 = vector.broadcast %reduce_min3A : i1 to vector<16xi1>
    %reduce_min3A_93 = arith.constant -2147483648 : i32
    %reduce_min3A_94 = vector.broadcast %reduce_min3A_93 : i32 to vector<16xi32>
    %reduce_min3A_95 = arith.xori %select_n3A_91, %reduce_min3A_94 : vector<16xi32>
    %reduce_min3A_96 = tpu.scan <min>, %reduce_min3A_95 masked %reduce_min3A_92 : vector<16xi32>, vector<16xi1> -> vector<16xi32>
    %reduce_min3A_97 = arith.xori %reduce_min3A_96, %reduce_min3A_94 : vector<16xi32>
    %reduce_min3A_98 = vector.extract %reduce_min3A_97[15] : i32 from vector<16xi32>
    %sub3A_99 = arith.constant 15 : i32
    %sub3A_100 = arith.subi %sub3A_99, %reduce_min3A_98 : i32
    %eq3A_101 = vector.broadcast %reduce_min3A_98 : i32 to vector<16xi32>
    %eq3A_102 = arith.cmpi eq, %iota3A, %eq3A_101 : vector<16xi32>
    %jit3A_103 = arith.constant 0 : i32
    %broadcast_in_dim3A_104 = vector.broadcast %jit3A_103 : i32 to vector<16xi32>
    %select_n3A_105 = arith.select %eq3A_102, %masked_cumsum3A, %broadcast_in_dim3A_104 : vector<16xi1>, vector<16xi32>
    %reduce_max3A = arith.constant true
    %reduce_max3A_106 = vector.broadcast %reduce_max3A : i1 to vector<16xi1>
    %reduce_max3A_107 = arith.constant -2147483648 : i32
    %reduce_max3A_108 = vector.broadcast %reduce_max3A_107 : i32 to vector<16xi32>
    %reduce_max3A_109 = arith.xori %select_n3A_105, %reduce_max3A_108 : vector<16xi32>
    %reduce_max3A_110 = tpu.scan <max>, %reduce_max3A_109 masked %reduce_max3A_106 : vector<16xi32>, vector<16xi1> -> vector<16xi32>
    %reduce_max3A_111 = arith.xori %reduce_max3A_110, %reduce_max3A_108 : vector<16xi32>
    %reduce_max3A_112 = vector.extract %reduce_max3A_111[15] : i32 from vector<16xi32>
    %add3A_113 = arith.addi %scan3A_75#2, %reduce_max3A_112 : i32
    %eq3A_114 = vector.broadcast %sub3A_100 : i32 to vector<16xi32>
    %eq3A_115 = arith.cmpi eq, %iota3A, %eq3A_114 : vector<16xi32>
    %jit3A_116 = arith.constant 0 : i32
    %broadcast_in_dim3A_117 = vector.broadcast %jit3A_116 : i32 to vector<16xi32>
    %select_n3A_118 = arith.select %eq3A_115, %get3A_79, %broadcast_in_dim3A_117 : vector<16xi1>, vector<16xi32>
    %reduce_max3A_119 = arith.constant true
    %reduce_max3A_120 = vector.broadcast %reduce_max3A_119 : i1 to vector<16xi1>
    %reduce_max3A_121 = arith.constant -2147483648 : i32
    %reduce_max3A_122 = vector.broadcast %reduce_max3A_121 : i32 to vector<16xi32>
    %reduce_max3A_123 = arith.xori %select_n3A_118, %reduce_max3A_122 : vector<16xi32>
    %reduce_max3A_124 = tpu.scan <max>, %reduce_max3A_123 masked %reduce_max3A_120 : vector<16xi32>, vector<16xi1> -> vector<16xi32>
    %reduce_max3A_125 = arith.xori %reduce_max3A_124, %reduce_max3A_122 : vector<16xi32>
    %reduce_max3A_126 = vector.extract %reduce_max3A_125[15] : i32 from vector<16xi32>
    %mul3A_127 = arith.constant 16 : i32
    %mul3A_128 = arith.muli %scan3A_75#1, %mul3A_127 : i32
    %add3A_129 = arith.addi %mul3A_128, %sub3A_100 : i32
    %sub3A_130 = arith.subi %add3A_113, %reduce_max3A_126 : i32
    %scan3A_131 = arith.constant 0 : i32
    %scan3A_132 = arith.constant 0 : i32
    %scan3A_133 = arith.constant 64 : i32
    %scan3A_134 = arith.addi %scan3A_132, %scan3A_133 : i32
    %scan3A_135 = arith.constant 1 : i32
    %scan3A_136 = scf.for %scan3A_226 = %scan3A_132 to %scan3A_134 step %scan3A_135 iter_args(%scan3A_227 = %scan3A_131) -> (i32)  : i32 {
      %mul3A_228 = arith.constant 16 : i32
      %mul3A_229 = arith.muli %scan3A_226, %mul3A_228 : i32
      %add3A_230 = arith.constant 0 : i32
      %add3A_231 = arith.addi %mul3A_229, %add3A_230 : i32
      %mul3A_232 = arith.constant 16 : i32
      %mul3A_233 = arith.muli %add3A_231, %mul3A_232 : i32
      %get3A_234 = arith.index_cast %mul3A_233 : i32 to index
      %get3A_235 = tpu.vector_load %arg4[%get3A_234] {strides = array<i32>} : memref<16384xi32, #tpu.memory_space<vmem>>, vector<16xi32>,
      %shift_right_logical3A = arith.constant 20 : i32
      %shift_right_logical3A_236 = vector.broadcast %shift_right_logical3A : i32 to vector<16xi32>
      %shift_right_logical3A_237 = arith.shrui %get3A_235, %shift_right_logical3A_236 : vector<16xi32>
      %eq3A_238 = vector.broadcast %add3A_129 : i32 to vector<16xi32>
      %eq3A_239 = arith.cmpi eq, %shift_right_logical3A_237, %eq3A_238 : vector<16xi32>
      %all_reduce_population_count3A = tpu.all_reduce %eq3A_239 {dim = 0 : i64, kind = #tpu.reduction_kind<sum>} : vector<16xi1> -> vector<16xi32>
      %slice3A_240 = vector.extract_strided_slice %all_reduce_population_count3A {offsets = [0], sizes = [1], strides = [1]} : vector<16xi32> to vector<1xi32>
      %squeeze3A_241 = vector.extract %slice3A_240[0] : i32 from vector<1xi32>
      %swap3A_242 = arith.index_cast %scan3A_227 : i32 to index
      %swap3A_243 = tpu.vector_load %arg7[%swap3A_242] masked %eq3A_239 {strides = array<i32>} : memref<33024xi32, #tpu.memory_space<vmem>>, vector<16xi32>, vector<16xi1>
      tpu.vector_store %arg7[%swap3A_242], %get3A_235 masked %eq3A_239 {strides = array<i32>} : memref<33024xi32, #tpu.memory_space<vmem>>, vector<16xi32>, vector<16xi1>
      %add3A_244 = arith.addi %scan3A_227, %squeeze3A_241 : i32
      %mul3A_245 = arith.constant 16 : i32
      %mul3A_246 = arith.muli %scan3A_226, %mul3A_245 : i32
      %add3A_247 = arith.constant 1 : i32
      %add3A_248 = arith.addi %mul3A_246, %add3A_247 : i32
      %mul3A_249 = arith.constant 16 : i32
      %mul3A_250 = arith.muli %add3A_248, %mul3A_249 : i32
      %get3A_251 = arith.index_cast %mul3A_250 : i32 to index
      %get3A_252 = tpu.vector_load %arg4[%get3A_251] {strides = array<i32>} : memref<16384xi32, #tpu.memory_space<vmem>>, vector<16xi32>,
      %shift_right_logical3A_253 = arith.constant 20 : i32
      %shift_right_logical3A_254 = vector.broadcast %shift_right_logical3A_253 : i32 to vector<16xi32>
      %shift_right_logical3A_255 = arith.shrui %get3A_252, %shift_right_logical3A_254 : vector<16xi32>
      %eq3A_256 = vector.broadcast %add3A_129 : i32 to vector<16xi32>
      %eq3A_257 = arith.cmpi eq, %shift_right_logical3A_255, %eq3A_256 : vector<16xi32>
      %all_reduce_population_count3A_258 = tpu.all_reduce %eq3A_257 {dim = 0 : i64, kind = #tpu.reduction_kind<sum>} : vector<16xi1> -> vector<16xi32>
      %slice3A_259 = vector.extract_strided_slice %all_reduce_population_count3A_258 {offsets = [0], sizes = [1], strides = [1]} : vector<16xi32> to vector<1xi32>
      %squeeze3A_260 = vector.extract %slice3A_259[0] : i32 from vector<1xi32>
      %swap3A_261 = arith.index_cast %add3A_244 : i32 to index
      %swap3A_262 = tpu.vector_load %arg7[%swap3A_261] masked %eq3A_257 {strides = array<i32>} : memref<33024xi32, #tpu.memory_space<vmem>>, vector<16xi32>, vector<16xi1>
      tpu.vector_store %arg7[%swap3A_261], %get3A_252 masked %eq3A_257 {strides = array<i32>} : memref<33024xi32, #tpu.memory_space<vmem>>, vector<16xi32>, vector<16xi1>
      %add3A_263 = arith.addi %add3A_244, %squeeze3A_260 : i32
      %mul3A_264 = arith.constant 16 : i32
      %mul3A_265 = arith.muli %scan3A_226, %mul3A_264 : i32
      %add3A_266 = arith.constant 2 : i32
      %add3A_267 = arith.addi %mul3A_265, %add3A_266 : i32
      %mul3A_268 = arith.constant 16 : i32
      %mul3A_269 = arith.muli %add3A_267, %mul3A_268 : i32
      %get3A_270 = arith.index_cast %mul3A_269 : i32 to index
      %get3A_271 = tpu.vector_load %arg4[%get3A_270] {strides = array<i32>} : memref<16384xi32, #tpu.memory_space<vmem>>, vector<16xi32>,
      %shift_right_logical3A_272 = arith.constant 20 : i32
      %shift_right_logical3A_273 = vector.broadcast %shift_right_logical3A_272 : i32 to vector<16xi32>
      %shift_right_logical3A_274 = arith.shrui %get3A_271, %shift_right_logical3A_273 : vector<16xi32>
      %eq3A_275 = vector.broadcast %add3A_129 : i32 to vector<16xi32>
      %eq3A_276 = arith.cmpi eq, %shift_right_logical3A_274, %eq3A_275 : vector<16xi32>
      %all_reduce_population_count3A_277 = tpu.all_reduce %eq3A_276 {dim = 0 : i64, kind = #tpu.reduction_kind<sum>} : vector<16xi1> -> vector<16xi32>
      %slice3A_278 = vector.extract_strided_slice %all_reduce_population_count3A_277 {offsets = [0], sizes = [1], strides = [1]} : vector<16xi32> to vector<1xi32>
      %squeeze3A_279 = vector.extract %slice3A_278[0] : i32 from vector<1xi32>
      %swap3A_280 = arith.index_cast %add3A_263 : i32 to index
      %swap3A_281 = tpu.vector_load %arg7[%swap3A_280] masked %eq3A_276 {strides = array<i32>} : memref<33024xi32, #tpu.memory_space<vmem>>, vector<16xi32>, vector<16xi1>
      tpu.vector_store %arg7[%swap3A_280], %get3A_271 masked %eq3A_276 {strides = array<i32>} : memref<33024xi32, #tpu.memory_space<vmem>>, vector<16xi32>, vector<16xi1>
      %add3A_282 = arith.addi %add3A_263, %squeeze3A_279 : i32
      %mul3A_283 = arith.constant 16 : i32
      %mul3A_284 = arith.muli %scan3A_226, %mul3A_283 : i32
      %add3A_285 = arith.constant 3 : i32
      %add3A_286 = arith.addi %mul3A_284, %add3A_285 : i32
      %mul3A_287 = arith.constant 16 : i32
      %mul3A_288 = arith.muli %add3A_286, %mul3A_287 : i32
      %get3A_289 = arith.index_cast %mul3A_288 : i32 to index
      %get3A_290 = tpu.vector_load %arg4[%get3A_289] {strides = array<i32>} : memref<16384xi32, #tpu.memory_space<vmem>>, vector<16xi32>,
      %shift_right_logical3A_291 = arith.constant 20 : i32
      %shift_right_logical3A_292 = vector.broadcast %shift_right_logical3A_291 : i32 to vector<16xi32>
      %shift_right_logical3A_293 = arith.shrui %get3A_290, %shift_right_logical3A_292 : vector<16xi32>
      %eq3A_294 = vector.broadcast %add3A_129 : i32 to vector<16xi32>
      %eq3A_295 = arith.cmpi eq, %shift_right_logical3A_293, %eq3A_294 : vector<16xi32>
      %all_reduce_population_count3A_296 = tpu.all_reduce %eq3A_295 {dim = 0 : i64, kind = #tpu.reduction_kind<sum>} : vector<16xi1> -> vector<16xi32>
      %slice3A_297 = vector.extract_strided_slice %all_reduce_population_count3A_296 {offsets = [0], sizes = [1], strides = [1]} : vector<16xi32> to vector<1xi32>
      %squeeze3A_298 = vector.extract %slice3A_297[0] : i32 from vector<1xi32>
      %swap3A_299 = arith.index_cast %add3A_282 : i32 to index
      %swap3A_300 = tpu.vector_load %arg7[%swap3A_299] masked %eq3A_295 {strides = array<i32>} : memref<33024xi32, #tpu.memory_space<vmem>>, vector<16xi32>, vector<16xi1>
      tpu.vector_store %arg7[%swap3A_299], %get3A_290 masked %eq3A_295 {strides = array<i32>} : memref<33024xi32, #tpu.memory_space<vmem>>, vector<16xi32>, vector<16xi1>
      %add3A_301 = arith.addi %add3A_282, %squeeze3A_298 : i32
      %mul3A_302 = arith.constant 16 : i32
      %mul3A_303 = arith.muli %scan3A_226, %mul3A_302 : i32
      %add3A_304 = arith.constant 4 : i32
      %add3A_305 = arith.addi %mul3A_303, %add3A_304 : i32
      %mul3A_306 = arith.constant 16 : i32
      %mul3A_307 = arith.muli %add3A_305, %mul3A_306 : i32
      %get3A_308 = arith.index_cast %mul3A_307 : i32 to index
      %get3A_309 = tpu.vector_load %arg4[%get3A_308] {strides = array<i32>} : memref<16384xi32, #tpu.memory_space<vmem>>, vector<16xi32>,
      %shift_right_logical3A_310 = arith.constant 20 : i32
      %shift_right_logical3A_311 = vector.broadcast %shift_right_logical3A_310 : i32 to vector<16xi32>
      %shift_right_logical3A_312 = arith.shrui %get3A_309, %shift_right_logical3A_311 : vector<16xi32>
      %eq3A_313 = vector.broadcast %add3A_129 : i32 to vector<16xi32>
      %eq3A_314 = arith.cmpi eq, %shift_right_logical3A_312, %eq3A_313 : vector<16xi32>
      %all_reduce_population_count3A_315 = tpu.all_reduce %eq3A_314 {dim = 0 : i64, kind = #tpu.reduction_kind<sum>} : vector<16xi1> -> vector<16xi32>
      %slice3A_316 = vector.extract_strided_slice %all_reduce_population_count3A_315 {offsets = [0], sizes = [1], strides = [1]} : vector<16xi32> to vector<1xi32>
      %squeeze3A_317 = vector.extract %slice3A_316[0] : i32 from vector<1xi32>
      %swap3A_318 = arith.index_cast %add3A_301 : i32 to index
      %swap3A_319 = tpu.vector_load %arg7[%swap3A_318] masked %eq3A_314 {strides = array<i32>} : memref<33024xi32, #tpu.memory_space<vmem>>, vector<16xi32>, vector<16xi1>
      tpu.vector_store %arg7[%swap3A_318], %get3A_309 masked %eq3A_314 {strides = array<i32>} : memref<33024xi32, #tpu.memory_space<vmem>>, vector<16xi32>, vector<16xi1>
      %add3A_320 = arith.addi %add3A_301, %squeeze3A_317 : i32
      %mul3A_321 = arith.constant 16 : i32
      %mul3A_322 = arith.muli %scan3A_226, %mul3A_321 : i32
      %add3A_323 = arith.constant 5 : i32
      %add3A_324 = arith.addi %mul3A_322, %add3A_323 : i32
      %mul3A_325 = arith.constant 16 : i32
      %mul3A_326 = arith.muli %add3A_324, %mul3A_325 : i32
      %get3A_327 = arith.index_cast %mul3A_326 : i32 to index
      %get3A_328 = tpu.vector_load %arg4[%get3A_327] {strides = array<i32>} : memref<16384xi32, #tpu.memory_space<vmem>>, vector<16xi32>,
      %shift_right_logical3A_329 = arith.constant 20 : i32
      %shift_right_logical3A_330 = vector.broadcast %shift_right_logical3A_329 : i32 to vector<16xi32>
      %shift_right_logical3A_331 = arith.shrui %get3A_328, %shift_right_logical3A_330 : vector<16xi32>
      %eq3A_332 = vector.broadcast %add3A_129 : i32 to vector<16xi32>
      %eq3A_333 = arith.cmpi eq, %shift_right_logical3A_331, %eq3A_332 : vector<16xi32>
      %all_reduce_population_count3A_334 = tpu.all_reduce %eq3A_333 {dim = 0 : i64, kind = #tpu.reduction_kind<sum>} : vector<16xi1> -> vector<16xi32>
      %slice3A_335 = vector.extract_strided_slice %all_reduce_population_count3A_334 {offsets = [0], sizes = [1], strides = [1]} : vector<16xi32> to vector<1xi32>
      %squeeze3A_336 = vector.extract %slice3A_335[0] : i32 from vector<1xi32>
      %swap3A_337 = arith.index_cast %add3A_320 : i32 to index
      %swap3A_338 = tpu.vector_load %arg7[%swap3A_337] masked %eq3A_333 {strides = array<i32>} : memref<33024xi32, #tpu.memory_space<vmem>>, vector<16xi32>, vector<16xi1>
      tpu.vector_store %arg7[%swap3A_337], %get3A_328 masked %eq3A_333 {strides = array<i32>} : memref<33024xi32, #tpu.memory_space<vmem>>, vector<16xi32>, vector<16xi1>
      %add3A_339 = arith.addi %add3A_320, %squeeze3A_336 : i32
      %mul3A_340 = arith.constant 16 : i32
      %mul3A_341 = arith.muli %scan3A_226, %mul3A_340 : i32
      %add3A_342 = arith.constant 6 : i32
      %add3A_343 = arith.addi %mul3A_341, %add3A_342 : i32
      %mul3A_344 = arith.constant 16 : i32
      %mul3A_345 = arith.muli %add3A_343, %mul3A_344 : i32
      %get3A_346 = arith.index_cast %mul3A_345 : i32 to index
      %get3A_347 = tpu.vector_load %arg4[%get3A_346] {strides = array<i32>} : memref<16384xi32, #tpu.memory_space<vmem>>, vector<16xi32>,
      %shift_right_logical3A_348 = arith.constant 20 : i32
      %shift_right_logical3A_349 = vector.broadcast %shift_right_logical3A_348 : i32 to vector<16xi32>
      %shift_right_logical3A_350 = arith.shrui %get3A_347, %shift_right_logical3A_349 : vector<16xi32>
      %eq3A_351 = vector.broadcast %add3A_129 : i32 to vector<16xi32>
      %eq3A_352 = arith.cmpi eq, %shift_right_logical3A_350, %eq3A_351 : vector<16xi32>
      %all_reduce_population_count3A_353 = tpu.all_reduce %eq3A_352 {dim = 0 : i64, kind = #tpu.reduction_kind<sum>} : vector<16xi1> -> vector<16xi32>
      %slice3A_354 = vector.extract_strided_slice %all_reduce_population_count3A_353 {offsets = [0], sizes = [1], strides = [1]} : vector<16xi32> to vector<1xi32>
      %squeeze3A_355 = vector.extract %slice3A_354[0] : i32 from vector<1xi32>
      %swap3A_356 = arith.index_cast %add3A_339 : i32 to index
      %swap3A_357 = tpu.vector_load %arg7[%swap3A_356] masked %eq3A_352 {strides = array<i32>} : memref<33024xi32, #tpu.memory_space<vmem>>, vector<16xi32>, vector<16xi1>
      tpu.vector_store %arg7[%swap3A_356], %get3A_347 masked %eq3A_352 {strides = array<i32>} : memref<33024xi32, #tpu.memory_space<vmem>>, vector<16xi32>, vector<16xi1>
      %add3A_358 = arith.addi %add3A_339, %squeeze3A_355 : i32
      %mul3A_359 = arith.constant 16 : i32
      %mul3A_360 = arith.muli %scan3A_226, %mul3A_359 : i32
      %add3A_361 = arith.constant 7 : i32
      %add3A_362 = arith.addi %mul3A_360, %add3A_361 : i32
      %mul3A_363 = arith.constant 16 : i32
      %mul3A_364 = arith.muli %add3A_362, %mul3A_363 : i32
      %get3A_365 = arith.index_cast %mul3A_364 : i32 to index
      %get3A_366 = tpu.vector_load %arg4[%get3A_365] {strides = array<i32>} : memref<16384xi32, #tpu.memory_space<vmem>>, vector<16xi32>,
      %shift_right_logical3A_367 = arith.constant 20 : i32
      %shift_right_logical3A_368 = vector.broadcast %shift_right_logical3A_367 : i32 to vector<16xi32>
      %shift_right_logical3A_369 = arith.shrui %get3A_366, %shift_right_logical3A_368 : vector<16xi32>
      %eq3A_370 = vector.broadcast %add3A_129 : i32 to vector<16xi32>
      %eq3A_371 = arith.cmpi eq, %shift_right_logical3A_369, %eq3A_370 : vector<16xi32>
      %all_reduce_population_count3A_372 = tpu.all_reduce %eq3A_371 {dim = 0 : i64, kind = #tpu.reduction_kind<sum>} : vector<16xi1> -> vector<16xi32>
      %slice3A_373 = vector.extract_strided_slice %all_reduce_population_count3A_372 {offsets = [0], sizes = [1], strides = [1]} : vector<16xi32> to vector<1xi32>
      %squeeze3A_374 = vector.extract %slice3A_373[0] : i32 from vector<1xi32>
      %swap3A_375 = arith.index_cast %add3A_358 : i32 to index
      %swap3A_376 = tpu.vector_load %arg7[%swap3A_375] masked %eq3A_371 {strides = array<i32>} : memref<33024xi32, #tpu.memory_space<vmem>>, vector<16xi32>, vector<16xi1>
      tpu.vector_store %arg7[%swap3A_375], %get3A_366 masked %eq3A_371 {strides = array<i32>} : memref<33024xi32, #tpu.memory_space<vmem>>, vector<16xi32>, vector<16xi1>
      %add3A_377 = arith.addi %add3A_358, %squeeze3A_374 : i32
      %mul3A_378 = arith.constant 16 : i32
      %mul3A_379 = arith.muli %scan3A_226, %mul3A_378 : i32
      %add3A_380 = arith.constant 8 : i32
      %add3A_381 = arith.addi %mul3A_379, %add3A_380 : i32
      %mul3A_382 = arith.constant 16 : i32
      %mul3A_383 = arith.muli %add3A_381, %mul3A_382 : i32
      %get3A_384 = arith.index_cast %mul3A_383 : i32 to index
      %get3A_385 = tpu.vector_load %arg4[%get3A_384] {strides = array<i32>} : memref<16384xi32, #tpu.memory_space<vmem>>, vector<16xi32>,
      %shift_right_logical3A_386 = arith.constant 20 : i32
      %shift_right_logical3A_387 = vector.broadcast %shift_right_logical3A_386 : i32 to vector<16xi32>
      %shift_right_logical3A_388 = arith.shrui %get3A_385, %shift_right_logical3A_387 : vector<16xi32>
      %eq3A_389 = vector.broadcast %add3A_129 : i32 to vector<16xi32>
      %eq3A_390 = arith.cmpi eq, %shift_right_logical3A_388, %eq3A_389 : vector<16xi32>
      %all_reduce_population_count3A_391 = tpu.all_reduce %eq3A_390 {dim = 0 : i64, kind = #tpu.reduction_kind<sum>} : vector<16xi1> -> vector<16xi32>
      %slice3A_392 = vector.extract_strided_slice %all_reduce_population_count3A_391 {offsets = [0], sizes = [1], strides = [1]} : vector<16xi32> to vector<1xi32>
      %squeeze3A_393 = vector.extract %slice3A_392[0] : i32 from vector<1xi32>
      %swap3A_394 = arith.index_cast %add3A_377 : i32 to index
      %swap3A_395 = tpu.vector_load %arg7[%swap3A_394] masked %eq3A_390 {strides = array<i32>} : memref<33024xi32, #tpu.memory_space<vmem>>, vector<16xi32>, vector<16xi1>
      tpu.vector_store %arg7[%swap3A_394], %get3A_385 masked %eq3A_390 {strides = array<i32>} : memref<33024xi32, #tpu.memory_space<vmem>>, vector<16xi32>, vector<16xi1>
      %add3A_396 = arith.addi %add3A_377, %squeeze3A_393 : i32
      %mul3A_397 = arith.constant 16 : i32
      %mul3A_398 = arith.muli %scan3A_226, %mul3A_397 : i32
      %add3A_399 = arith.constant 9 : i32
      %add3A_400 = arith.addi %mul3A_398, %add3A_399 : i32
      %mul3A_401 = arith.constant 16 : i32
      %mul3A_402 = arith.muli %add3A_400, %mul3A_401 : i32
      %get3A_403 = arith.index_cast %mul3A_402 : i32 to index
      %get3A_404 = tpu.vector_load %arg4[%get3A_403] {strides = array<i32>} : memref<16384xi32, #tpu.memory_space<vmem>>, vector<16xi32>,
      %shift_right_logical3A_405 = arith.constant 20 : i32
      %shift_right_logical3A_406 = vector.broadcast %shift_right_logical3A_405 : i32 to vector<16xi32>
      %shift_right_logical3A_407 = arith.shrui %get3A_404, %shift_right_logical3A_406 : vector<16xi32>
      %eq3A_408 = vector.broadcast %add3A_129 : i32 to vector<16xi32>
      %eq3A_409 = arith.cmpi eq, %shift_right_logical3A_407, %eq3A_408 : vector<16xi32>
      %all_reduce_population_count3A_410 = tpu.all_reduce %eq3A_409 {dim = 0 : i64, kind = #tpu.reduction_kind<sum>} : vector<16xi1> -> vector<16xi32>
      %slice3A_411 = vector.extract_strided_slice %all_reduce_population_count3A_410 {offsets = [0], sizes = [1], strides = [1]} : vector<16xi32> to vector<1xi32>
      %squeeze3A_412 = vector.extract %slice3A_411[0] : i32 from vector<1xi32>
      %swap3A_413 = arith.index_cast %add3A_396 : i32 to index
      %swap3A_414 = tpu.vector_load %arg7[%swap3A_413] masked %eq3A_409 {strides = array<i32>} : memref<33024xi32, #tpu.memory_space<vmem>>, vector<16xi32>, vector<16xi1>
      tpu.vector_store %arg7[%swap3A_413], %get3A_404 masked %eq3A_409 {strides = array<i32>} : memref<33024xi32, #tpu.memory_space<vmem>>, vector<16xi32>, vector<16xi1>
      %add3A_415 = arith.addi %add3A_396, %squeeze3A_412 : i32
      %mul3A_416 = arith.constant 16 : i32
      %mul3A_417 = arith.muli %scan3A_226, %mul3A_416 : i32
      %add3A_418 = arith.constant 10 : i32
      %add3A_419 = arith.addi %mul3A_417, %add3A_418 : i32
      %mul3A_420 = arith.constant 16 : i32
      %mul3A_421 = arith.muli %add3A_419, %mul3A_420 : i32
      %get3A_422 = arith.index_cast %mul3A_421 : i32 to index
      %get3A_423 = tpu.vector_load %arg4[%get3A_422] {strides = array<i32>} : memref<16384xi32, #tpu.memory_space<vmem>>, vector<16xi32>,
      %shift_right_logical3A_424 = arith.constant 20 : i32
      %shift_right_logical3A_425 = vector.broadcast %shift_right_logical3A_424 : i32 to vector<16xi32>
      %shift_right_logical3A_426 = arith.shrui %get3A_423, %shift_right_logical3A_425 : vector<16xi32>
      %eq3A_427 = vector.broadcast %add3A_129 : i32 to vector<16xi32>
      %eq3A_428 = arith.cmpi eq, %shift_right_logical3A_426, %eq3A_427 : vector<16xi32>
      %all_reduce_population_count3A_429 = tpu.all_reduce %eq3A_428 {dim = 0 : i64, kind = #tpu.reduction_kind<sum>} : vector<16xi1> -> vector<16xi32>
      %slice3A_430 = vector.extract_strided_slice %all_reduce_population_count3A_429 {offsets = [0], sizes = [1], strides = [1]} : vector<16xi32> to vector<1xi32>
      %squeeze3A_431 = vector.extract %slice3A_430[0] : i32 from vector<1xi32>
      %swap3A_432 = arith.index_cast %add3A_415 : i32 to index
      %swap3A_433 = tpu.vector_load %arg7[%swap3A_432] masked %eq3A_428 {strides = array<i32>} : memref<33024xi32, #tpu.memory_space<vmem>>, vector<16xi32>, vector<16xi1>
      tpu.vector_store %arg7[%swap3A_432], %get3A_423 masked %eq3A_428 {strides = array<i32>} : memref<33024xi32, #tpu.memory_space<vmem>>, vector<16xi32>, vector<16xi1>
      %add3A_434 = arith.addi %add3A_415, %squeeze3A_431 : i32
      %mul3A_435 = arith.constant 16 : i32
      %mul3A_436 = arith.muli %scan3A_226, %mul3A_435 : i32
      %add3A_437 = arith.constant 11 : i32
      %add3A_438 = arith.addi %mul3A_436, %add3A_437 : i32
      %mul3A_439 = arith.constant 16 : i32
      %mul3A_440 = arith.muli %add3A_438, %mul3A_439 : i32
      %get3A_441 = arith.index_cast %mul3A_440 : i32 to index
      %get3A_442 = tpu.vector_load %arg4[%get3A_441] {strides = array<i32>} : memref<16384xi32, #tpu.memory_space<vmem>>, vector<16xi32>,
      %shift_right_logical3A_443 = arith.constant 20 : i32
      %shift_right_logical3A_444 = vector.broadcast %shift_right_logical3A_443 : i32 to vector<16xi32>
      %shift_right_logical3A_445 = arith.shrui %get3A_442, %shift_right_logical3A_444 : vector<16xi32>
      %eq3A_446 = vector.broadcast %add3A_129 : i32 to vector<16xi32>
      %eq3A_447 = arith.cmpi eq, %shift_right_logical3A_445, %eq3A_446 : vector<16xi32>
      %all_reduce_population_count3A_448 = tpu.all_reduce %eq3A_447 {dim = 0 : i64, kind = #tpu.reduction_kind<sum>} : vector<16xi1> -> vector<16xi32>
      %slice3A_449 = vector.extract_strided_slice %all_reduce_population_count3A_448 {offsets = [0], sizes = [1], strides = [1]} : vector<16xi32> to vector<1xi32>
      %squeeze3A_450 = vector.extract %slice3A_449[0] : i32 from vector<1xi32>
      %swap3A_451 = arith.index_cast %add3A_434 : i32 to index
      %swap3A_452 = tpu.vector_load %arg7[%swap3A_451] masked %eq3A_447 {strides = array<i32>} : memref<33024xi32, #tpu.memory_space<vmem>>, vector<16xi32>, vector<16xi1>
      tpu.vector_store %arg7[%swap3A_451], %get3A_442 masked %eq3A_447 {strides = array<i32>} : memref<33024xi32, #tpu.memory_space<vmem>>, vector<16xi32>, vector<16xi1>
      %add3A_453 = arith.addi %add3A_434, %squeeze3A_450 : i32
      %mul3A_454 = arith.constant 16 : i32
      %mul3A_455 = arith.muli %scan3A_226, %mul3A_454 : i32
      %add3A_456 = arith.constant 12 : i32
      %add3A_457 = arith.addi %mul3A_455, %add3A_456 : i32
      %mul3A_458 = arith.constant 16 : i32
      %mul3A_459 = arith.muli %add3A_457, %mul3A_458 : i32
      %get3A_460 = arith.index_cast %mul3A_459 : i32 to index
      %get3A_461 = tpu.vector_load %arg4[%get3A_460] {strides = array<i32>} : memref<16384xi32, #tpu.memory_space<vmem>>, vector<16xi32>,
      %shift_right_logical3A_462 = arith.constant 20 : i32
      %shift_right_logical3A_463 = vector.broadcast %shift_right_logical3A_462 : i32 to vector<16xi32>
      %shift_right_logical3A_464 = arith.shrui %get3A_461, %shift_right_logical3A_463 : vector<16xi32>
      %eq3A_465 = vector.broadcast %add3A_129 : i32 to vector<16xi32>
      %eq3A_466 = arith.cmpi eq, %shift_right_logical3A_464, %eq3A_465 : vector<16xi32>
      %all_reduce_population_count3A_467 = tpu.all_reduce %eq3A_466 {dim = 0 : i64, kind = #tpu.reduction_kind<sum>} : vector<16xi1> -> vector<16xi32>
      %slice3A_468 = vector.extract_strided_slice %all_reduce_population_count3A_467 {offsets = [0], sizes = [1], strides = [1]} : vector<16xi32> to vector<1xi32>
      %squeeze3A_469 = vector.extract %slice3A_468[0] : i32 from vector<1xi32>
      %swap3A_470 = arith.index_cast %add3A_453 : i32 to index
      %swap3A_471 = tpu.vector_load %arg7[%swap3A_470] masked %eq3A_466 {strides = array<i32>} : memref<33024xi32, #tpu.memory_space<vmem>>, vector<16xi32>, vector<16xi1>
      tpu.vector_store %arg7[%swap3A_470], %get3A_461 masked %eq3A_466 {strides = array<i32>} : memref<33024xi32, #tpu.memory_space<vmem>>, vector<16xi32>, vector<16xi1>
      %add3A_472 = arith.addi %add3A_453, %squeeze3A_469 : i32
      %mul3A_473 = arith.constant 16 : i32
      %mul3A_474 = arith.muli %scan3A_226, %mul3A_473 : i32
      %add3A_475 = arith.constant 13 : i32
      %add3A_476 = arith.addi %mul3A_474, %add3A_475 : i32
      %mul3A_477 = arith.constant 16 : i32
      %mul3A_478 = arith.muli %add3A_476, %mul3A_477 : i32
      %get3A_479 = arith.index_cast %mul3A_478 : i32 to index
      %get3A_480 = tpu.vector_load %arg4[%get3A_479] {strides = array<i32>} : memref<16384xi32, #tpu.memory_space<vmem>>, vector<16xi32>,
      %shift_right_logical3A_481 = arith.constant 20 : i32
      %shift_right_logical3A_482 = vector.broadcast %shift_right_logical3A_481 : i32 to vector<16xi32>
      %shift_right_logical3A_483 = arith.shrui %get3A_480, %shift_right_logical3A_482 : vector<16xi32>
      %eq3A_484 = vector.broadcast %add3A_129 : i32 to vector<16xi32>
      %eq3A_485 = arith.cmpi eq, %shift_right_logical3A_483, %eq3A_484 : vector<16xi32>
      %all_reduce_population_count3A_486 = tpu.all_reduce %eq3A_485 {dim = 0 : i64, kind = #tpu.reduction_kind<sum>} : vector<16xi1> -> vector<16xi32>
      %slice3A_487 = vector.extract_strided_slice %all_reduce_population_count3A_486 {offsets = [0], sizes = [1], strides = [1]} : vector<16xi32> to vector<1xi32>
      %squeeze3A_488 = vector.extract %slice3A_487[0] : i32 from vector<1xi32>
      %swap3A_489 = arith.index_cast %add3A_472 : i32 to index
      %swap3A_490 = tpu.vector_load %arg7[%swap3A_489] masked %eq3A_485 {strides = array<i32>} : memref<33024xi32, #tpu.memory_space<vmem>>, vector<16xi32>, vector<16xi1>
      tpu.vector_store %arg7[%swap3A_489], %get3A_480 masked %eq3A_485 {strides = array<i32>} : memref<33024xi32, #tpu.memory_space<vmem>>, vector<16xi32>, vector<16xi1>
      %add3A_491 = arith.addi %add3A_472, %squeeze3A_488 : i32
      %mul3A_492 = arith.constant 16 : i32
      %mul3A_493 = arith.muli %scan3A_226, %mul3A_492 : i32
      %add3A_494 = arith.constant 14 : i32
      %add3A_495 = arith.addi %mul3A_493, %add3A_494 : i32
      %mul3A_496 = arith.constant 16 : i32
      %mul3A_497 = arith.muli %add3A_495, %mul3A_496 : i32
      %get3A_498 = arith.index_cast %mul3A_497 : i32 to index
      %get3A_499 = tpu.vector_load %arg4[%get3A_498] {strides = array<i32>} : memref<16384xi32, #tpu.memory_space<vmem>>, vector<16xi32>,
      %shift_right_logical3A_500 = arith.constant 20 : i32
      %shift_right_logical3A_501 = vector.broadcast %shift_right_logical3A_500 : i32 to vector<16xi32>
      %shift_right_logical3A_502 = arith.shrui %get3A_499, %shift_right_logical3A_501 : vector<16xi32>
      %eq3A_503 = vector.broadcast %add3A_129 : i32 to vector<16xi32>
      %eq3A_504 = arith.cmpi eq, %shift_right_logical3A_502, %eq3A_503 : vector<16xi32>
      %all_reduce_population_count3A_505 = tpu.all_reduce %eq3A_504 {dim = 0 : i64, kind = #tpu.reduction_kind<sum>} : vector<16xi1> -> vector<16xi32>
      %slice3A_506 = vector.extract_strided_slice %all_reduce_population_count3A_505 {offsets = [0], sizes = [1], strides = [1]} : vector<16xi32> to vector<1xi32>
      %squeeze3A_507 = vector.extract %slice3A_506[0] : i32 from vector<1xi32>
      %swap3A_508 = arith.index_cast %add3A_491 : i32 to index
      %swap3A_509 = tpu.vector_load %arg7[%swap3A_508] masked %eq3A_504 {strides = array<i32>} : memref<33024xi32, #tpu.memory_space<vmem>>, vector<16xi32>, vector<16xi1>
      tpu.vector_store %arg7[%swap3A_508], %get3A_499 masked %eq3A_504 {strides = array<i32>} : memref<33024xi32, #tpu.memory_space<vmem>>, vector<16xi32>, vector<16xi1>
      %add3A_510 = arith.addi %add3A_491, %squeeze3A_507 : i32
      %mul3A_511 = arith.constant 16 : i32
      %mul3A_512 = arith.muli %scan3A_226, %mul3A_511 : i32
      %add3A_513 = arith.constant 15 : i32
      %add3A_514 = arith.addi %mul3A_512, %add3A_513 : i32
      %mul3A_515 = arith.constant 16 : i32
      %mul3A_516 = arith.muli %add3A_514, %mul3A_515 : i32
      %get3A_517 = arith.index_cast %mul3A_516 : i32 to index
      %get3A_518 = tpu.vector_load %arg4[%get3A_517] {strides = array<i32>} : memref<16384xi32, #tpu.memory_space<vmem>>, vector<16xi32>,
      %shift_right_logical3A_519 = arith.constant 20 : i32
      %shift_right_logical3A_520 = vector.broadcast %shift_right_logical3A_519 : i32 to vector<16xi32>
      %shift_right_logical3A_521 = arith.shrui %get3A_518, %shift_right_logical3A_520 : vector<16xi32>
      %eq3A_522 = vector.broadcast %add3A_129 : i32 to vector<16xi32>
      %eq3A_523 = arith.cmpi eq, %shift_right_logical3A_521, %eq3A_522 : vector<16xi32>
      %all_reduce_population_count3A_524 = tpu.all_reduce %eq3A_523 {dim = 0 : i64, kind = #tpu.reduction_kind<sum>} : vector<16xi1> -> vector<16xi32>
      %slice3A_525 = vector.extract_strided_slice %all_reduce_population_count3A_524 {offsets = [0], sizes = [1], strides = [1]} : vector<16xi32> to vector<1xi32>
      %squeeze3A_526 = vector.extract %slice3A_525[0] : i32 from vector<1xi32>
      %swap3A_527 = arith.index_cast %add3A_510 : i32 to index
      %swap3A_528 = tpu.vector_load %arg7[%swap3A_527] masked %eq3A_523 {strides = array<i32>} : memref<33024xi32, #tpu.memory_space<vmem>>, vector<16xi32>, vector<16xi1>
      tpu.vector_store %arg7[%swap3A_527], %get3A_518 masked %eq3A_523 {strides = array<i32>} : memref<33024xi32, #tpu.memory_space<vmem>>, vector<16xi32>, vector<16xi1>
      %add3A_529 = arith.addi %add3A_510, %squeeze3A_526 : i32
      scf.yield %add3A_529 : i32
    }
    %scan3A_137 = arith.constant 64 : i32
    %broadcast_in_dim3A_138 = arith.constant 0 : i32
    %broadcast_in_dim3A_139 = vector.broadcast %broadcast_in_dim3A_138 : i32 to vector<16xi32>
    %swap3A = arith.index_cast %scan3A_136 : i32 to index
    %swap3A_140 = tpu.vector_load %arg7[%swap3A] {strides = array<i32>} : memref<33024xi32, #tpu.memory_space<vmem>>, vector<16xi32>,
    tpu.vector_store %arg7[%swap3A], %broadcast_in_dim3A_139 {strides = array<i32>} : memref<33024xi32, #tpu.memory_space<vmem>>, vector<16xi32>,
    "tpu.region"() ({
      %run_scoped3A = tpu.sem_alloc : memref<!tpu.dma_semaphore, #tpu.memory_space<semaphore_mem>>
      %dma_start3A = arith.constant 0 : i32
      %dma_start3A_226 = tpu.memref_slice %arg7[%dma_start3A] : memref<33024xi32, #tpu.memory_space<vmem>> -> memref<16512xi32, #tpu.memory_space<vmem>>
      %dma_start3A_227 = arith.constant 0 : i32
      %dma_start3A_228 = tpu.memref_slice %arg10[%arg1, %dma_start3A_227] : memref<16x16512xi32, #tpu.memory_space<vmem_shared>> -> memref<1x16512xi32, #tpu.memory_space<vmem_shared>>
      %dma_start3A_229 = tpu.memref_squeeze %dma_start3A_228 : memref<1x16512xi32, #tpu.memory_space<vmem_shared>> -> memref<16512xi32, #tpu.memory_space<vmem_shared>>
      %dma_start3A_230 = arith.constant 0 : i32
      %dma_start3A_231 = tpu.memref_slice %arg10[%arg1, %dma_start3A_230] : memref<16x16512xi32, #tpu.memory_space<vmem_shared>> -> memref<1x16512xi32, #tpu.memory_space<vmem_shared>>
      %dma_start3A_232 = tpu.memref_squeeze %dma_start3A_231 : memref<1x16512xi32, #tpu.memory_space<vmem_shared>> -> memref<16512xi32, #tpu.memory_space<vmem_shared>>
      %dma_start3A_233 = arith.constant 0 : i32
      %dma_start3A_234 = tpu.memref_slice %arg7[%dma_start3A_233] : memref<33024xi32, #tpu.memory_space<vmem>> -> memref<16512xi32, #tpu.memory_space<vmem>>
      tpu.enqueue_dma source(%dma_start3A_234 : memref<16512xi32, #tpu.memory_space<vmem>>) target(%dma_start3A_232 : memref<16512xi32, #tpu.memory_space<vmem_shared>>) target_semaphore(%run_scoped3A : memref<!tpu.dma_semaphore, #tpu.memory_space<semaphore_mem>>)
      %dma_wait3A = arith.constant 0 : i32
      %dma_wait3A_235 = tpu.memref_slice %arg7[%dma_wait3A] : memref<33024xi32, #tpu.memory_space<vmem>> -> memref<16512xi32, #tpu.memory_space<vmem>>
      %dma_wait3A_236 = arith.constant 0 : i32
      %dma_wait3A_237 = tpu.memref_slice %arg10[%arg1, %dma_wait3A_236] : memref<16x16512xi32, #tpu.memory_space<vmem_shared>> -> memref<1x16512xi32, #tpu.memory_space<vmem_shared>>
      %dma_wait3A_238 = tpu.memref_squeeze %dma_wait3A_237 : memref<1x16512xi32, #tpu.memory_space<vmem_shared>> -> memref<16512xi32, #tpu.memory_space<vmem_shared>>
      %dma_wait3A_239 = arith.constant 0 : i32
      %dma_wait3A_240 = tpu.memref_slice %arg10[%arg1, %dma_wait3A_239] : memref<16x16512xi32, #tpu.memory_space<vmem_shared>> -> memref<1x16512xi32, #tpu.memory_space<vmem_shared>>
      %dma_wait3A_241 = tpu.memref_squeeze %dma_wait3A_240 : memref<1x16512xi32, #tpu.memory_space<vmem_shared>> -> memref<16512xi32, #tpu.memory_space<vmem_shared>>
      %dma_wait3A_242 = arith.constant 0 : i32
      %dma_wait3A_243 = tpu.memref_slice %arg7[%dma_wait3A_242] : memref<33024xi32, #tpu.memory_space<vmem>> -> memref<16512xi32, #tpu.memory_space<vmem>>
      tpu.wait_dma2 semaphore(%run_scoped3A : memref<!tpu.dma_semaphore, #tpu.memory_space<semaphore_mem>>) src(%dma_wait3A_243 : memref<16512xi32, #tpu.memory_space<vmem>>) dst(%dma_wait3A_241 : memref<16512xi32, #tpu.memory_space<vmem_shared>>)
      tpu.yield
    }) : () -> ()
    %add3A_141 = vector.broadcast %scan3A_136 : i32 to vector<16xi32>
    %add3A_142 = arith.addi %add3A_141, %broadcast_in_dim3A_31 : vector<16xi32>
    %swap3A_143 = arith.constant 0 : index
    %swap3A_144 = tpu.vector_load %arg8[%swap3A_143] {strides = array<i32>} : memref<128xi32, #tpu.memory_space<vmem>>, vector<16xi32>,
    tpu.vector_store %arg8[%swap3A_143], %add3A_142 {strides = array<i32>} : memref<128xi32, #tpu.memory_space<vmem>>, vector<16xi32>,
    "tpu.region"() ({
      %run_scoped3A = tpu.sem_alloc : memref<!tpu.dma_semaphore, #tpu.memory_space<semaphore_mem>>
      %dma_start3A = arith.constant 0 : i32
      %dma_start3A_226 = tpu.memref_slice %arg11[%arg1, %dma_start3A] : memref<16x128xi32, #tpu.memory_space<vmem_shared>> -> memref<1x128xi32, #tpu.memory_space<vmem_shared>>
      %dma_start3A_227 = tpu.memref_squeeze %dma_start3A_226 : memref<1x128xi32, #tpu.memory_space<vmem_shared>> -> memref<128xi32, #tpu.memory_space<vmem_shared>>
      %dma_start3A_228 = arith.constant 0 : i32
      %dma_start3A_229 = tpu.memref_slice %arg11[%arg1, %dma_start3A_228] : memref<16x128xi32, #tpu.memory_space<vmem_shared>> -> memref<1x128xi32, #tpu.memory_space<vmem_shared>>
      %dma_start3A_230 = tpu.memref_squeeze %dma_start3A_229 : memref<1x128xi32, #tpu.memory_space<vmem_shared>> -> memref<128xi32, #tpu.memory_space<vmem_shared>>
      tpu.enqueue_dma source(%arg8 : memref<128xi32, #tpu.memory_space<vmem>>) target(%dma_start3A_230 : memref<128xi32, #tpu.memory_space<vmem_shared>>) target_semaphore(%run_scoped3A : memref<!tpu.dma_semaphore, #tpu.memory_space<semaphore_mem>>)
      %dma_wait3A = arith.constant 0 : i32
      %dma_wait3A_231 = tpu.memref_slice %arg11[%arg1, %dma_wait3A] : memref<16x128xi32, #tpu.memory_space<vmem_shared>> -> memref<1x128xi32, #tpu.memory_space<vmem_shared>>
      %dma_wait3A_232 = tpu.memref_squeeze %dma_wait3A_231 : memref<1x128xi32, #tpu.memory_space<vmem_shared>> -> memref<128xi32, #tpu.memory_space<vmem_shared>>
      %dma_wait3A_233 = arith.constant 0 : i32
      %dma_wait3A_234 = tpu.memref_slice %arg11[%arg1, %dma_wait3A_233] : memref<16x128xi32, #tpu.memory_space<vmem_shared>> -> memref<1x128xi32, #tpu.memory_space<vmem_shared>>
      %dma_wait3A_235 = tpu.memref_squeeze %dma_wait3A_234 : memref<1x128xi32, #tpu.memory_space<vmem_shared>> -> memref<128xi32, #tpu.memory_space<vmem_shared>>
      tpu.wait_dma2 semaphore(%run_scoped3A : memref<!tpu.dma_semaphore, #tpu.memory_space<semaphore_mem>>) src(%arg8 : memref<128xi32, #tpu.memory_space<vmem>>) dst(%dma_wait3A_235 : memref<128xi32, #tpu.memory_space<vmem_shared>>)
      tpu.yield
    }) : () -> ()
    %barrier3A_145 = arith.constant 0 : index
    tpu.barrier barrier_id(%barrier3A_145)
    %mul3A_146 = arith.constant 2 : i32
    %mul3A_147 = arith.muli %mul3A_146, %select_n3A_30 : i32
    %sub3A_148 = arith.subi %arg1, %mul3A_147 : i32
    %add3A_149 = arith.constant 1 : i32
    %add3A_150 = arith.addi %sub3A_148, %add3A_149 : i32
    "tpu.region"() ({
      %run_scoped3A = tpu.sem_alloc : memref<!tpu.dma_semaphore, #tpu.memory_space<semaphore_mem>>
      %dma_start3A = arith.constant 0 : i32
      %dma_start3A_226 = tpu.memref_slice %arg11[%add3A_150, %dma_start3A] : memref<16x128xi32, #tpu.memory_space<vmem_shared>> -> memref<1x128xi32, #tpu.memory_space<vmem_shared>>
      %dma_start3A_227 = tpu.memref_squeeze %dma_start3A_226 : memref<1x128xi32, #tpu.memory_space<vmem_shared>> -> memref<128xi32, #tpu.memory_space<vmem_shared>>
      %dma_start3A_228 = arith.constant 0 : i32
      %dma_start3A_229 = tpu.memref_slice %arg11[%add3A_150, %dma_start3A_228] : memref<16x128xi32, #tpu.memory_space<vmem_shared>> -> memref<1x128xi32, #tpu.memory_space<vmem_shared>>
      %dma_start3A_230 = tpu.memref_squeeze %dma_start3A_229 : memref<1x128xi32, #tpu.memory_space<vmem_shared>> -> memref<128xi32, #tpu.memory_space<vmem_shared>>
      tpu.enqueue_dma source(%dma_start3A_230 : memref<128xi32, #tpu.memory_space<vmem_shared>>) target(%arg8 : memref<128xi32, #tpu.memory_space<vmem>>) target_semaphore(%run_scoped3A : memref<!tpu.dma_semaphore, #tpu.memory_space<semaphore_mem>>)
      %dma_wait3A = arith.constant 0 : i32
      %dma_wait3A_231 = tpu.memref_slice %arg11[%add3A_150, %dma_wait3A] : memref<16x128xi32, #tpu.memory_space<vmem_shared>> -> memref<1x128xi32, #tpu.memory_space<vmem_shared>>
      %dma_wait3A_232 = tpu.memref_squeeze %dma_wait3A_231 : memref<1x128xi32, #tpu.memory_space<vmem_shared>> -> memref<128xi32, #tpu.memory_space<vmem_shared>>
      %dma_wait3A_233 = arith.constant 0 : i32
      %dma_wait3A_234 = tpu.memref_slice %arg11[%add3A_150, %dma_wait3A_233] : memref<16x128xi32, #tpu.memory_space<vmem_shared>> -> memref<1x128xi32, #tpu.memory_space<vmem_shared>>
      %dma_wait3A_235 = tpu.memref_squeeze %dma_wait3A_234 : memref<1x128xi32, #tpu.memory_space<vmem_shared>> -> memref<128xi32, #tpu.memory_space<vmem_shared>>
      tpu.wait_dma2 semaphore(%run_scoped3A : memref<!tpu.dma_semaphore, #tpu.memory_space<semaphore_mem>>) src(%dma_wait3A_235 : memref<128xi32, #tpu.memory_space<vmem_shared>>) dst(%arg8 : memref<128xi32, #tpu.memory_space<vmem>>)
      tpu.yield
    }) : () -> ()
    %barrier3A_151 = arith.constant 0 : index
    tpu.barrier barrier_id(%barrier3A_151)
    %mul3A_152 = arith.constant 2 : i32
    %mul3A_153 = arith.muli %mul3A_152, %select_n3A_30 : i32
    %sub3A_154 = arith.subi %arg1, %mul3A_153 : i32
    %add3A_155 = arith.constant 1 : i32
    %add3A_156 = arith.addi %sub3A_154, %add3A_155 : i32
    "tpu.region"() ({
      %run_scoped3A = tpu.sem_alloc : memref<!tpu.dma_semaphore, #tpu.memory_space<semaphore_mem>>
      %dma_start3A = arith.constant 16512 : i32
      %dma_start3A_226 = tpu.memref_slice %arg7[%dma_start3A] : memref<33024xi32, #tpu.memory_space<vmem>> -> memref<16512xi32, #tpu.memory_space<vmem>>
      %dma_start3A_227 = arith.constant 0 : i32
      %dma_start3A_228 = tpu.memref_slice %arg10[%add3A_156, %dma_start3A_227] : memref<16x16512xi32, #tpu.memory_space<vmem_shared>> -> memref<1x16512xi32, #tpu.memory_space<vmem_shared>>
      %dma_start3A_229 = tpu.memref_squeeze %dma_start3A_228 : memref<1x16512xi32, #tpu.memory_space<vmem_shared>> -> memref<16512xi32, #tpu.memory_space<vmem_shared>>
      %dma_start3A_230 = arith.constant 16512 : i32
      %dma_start3A_231 = tpu.memref_slice %arg7[%dma_start3A_230] : memref<33024xi32, #tpu.memory_space<vmem>> -> memref<16512xi32, #tpu.memory_space<vmem>>
      %dma_start3A_232 = arith.constant 0 : i32
      %dma_start3A_233 = tpu.memref_slice %arg10[%add3A_156, %dma_start3A_232] : memref<16x16512xi32, #tpu.memory_space<vmem_shared>> -> memref<1x16512xi32, #tpu.memory_space<vmem_shared>>
      %dma_start3A_234 = tpu.memref_squeeze %dma_start3A_233 : memref<1x16512xi32, #tpu.memory_space<vmem_shared>> -> memref<16512xi32, #tpu.memory_space<vmem_shared>>
      tpu.enqueue_dma source(%dma_start3A_234 : memref<16512xi32, #tpu.memory_space<vmem_shared>>) target(%dma_start3A_231 : memref<16512xi32, #tpu.memory_space<vmem>>) target_semaphore(%run_scoped3A : memref<!tpu.dma_semaphore, #tpu.memory_space<semaphore_mem>>)
      %dma_wait3A = arith.constant 16512 : i32
      %dma_wait3A_235 = tpu.memref_slice %arg7[%dma_wait3A] : memref<33024xi32, #tpu.memory_space<vmem>> -> memref<16512xi32, #tpu.memory_space<vmem>>
      %dma_wait3A_236 = arith.constant 0 : i32
      %dma_wait3A_237 = tpu.memref_slice %arg10[%add3A_156, %dma_wait3A_236] : memref<16x16512xi32, #tpu.memory_space<vmem_shared>> -> memref<1x16512xi32, #tpu.memory_space<vmem_shared>>
      %dma_wait3A_238 = tpu.memref_squeeze %dma_wait3A_237 : memref<1x16512xi32, #tpu.memory_space<vmem_shared>> -> memref<16512xi32, #tpu.memory_space<vmem_shared>>
      %dma_wait3A_239 = arith.constant 16512 : i32
      %dma_wait3A_240 = tpu.memref_slice %arg7[%dma_wait3A_239] : memref<33024xi32, #tpu.memory_space<vmem>> -> memref<16512xi32, #tpu.memory_space<vmem>>
      %dma_wait3A_241 = arith.constant 0 : i32
      %dma_wait3A_242 = tpu.memref_slice %arg10[%add3A_156, %dma_wait3A_241] : memref<16x16512xi32, #tpu.memory_space<vmem_shared>> -> memref<1x16512xi32, #tpu.memory_space<vmem_shared>>
      %dma_wait3A_243 = tpu.memref_squeeze %dma_wait3A_242 : memref<1x16512xi32, #tpu.memory_space<vmem_shared>> -> memref<16512xi32, #tpu.memory_space<vmem_shared>>
      tpu.wait_dma2 semaphore(%run_scoped3A : memref<!tpu.dma_semaphore, #tpu.memory_space<semaphore_mem>>) src(%dma_wait3A_243 : memref<16512xi32, #tpu.memory_space<vmem_shared>>) dst(%dma_wait3A_240 : memref<16512xi32, #tpu.memory_space<vmem>>)
      tpu.yield
    }) : () -> ()
    %get3A_157 = arith.constant 0 : index
    %get3A_158 = tpu.vector_load %arg8[%get3A_157] {strides = array<i32>} : memref<128xi32, #tpu.memory_space<vmem>>, vector<16xi32>,
    %slice3A = vector.extract_strided_slice %get3A_158 {offsets = [0], sizes = [1], strides = [1]} : vector<16xi32> to vector<1xi32>
    %squeeze3A = vector.extract %slice3A[0] : i32 from vector<1xi32>
    %add3A_159 = arith.constant 15 : i32
    %add3A_160 = arith.addi %scan3A_136, %add3A_159 : i32
    %jit3A_161 = arith.constant 16 : i32
    %div3A_162 = arith.divsi %add3A_160, %jit3A_161 : i32
    %sign3A_163 = arith.constant 0 : i32
    %sign3A_164 = arith.cmpi sgt, %add3A_160, %sign3A_163 : i32
    %sign3A_165 = arith.extui %sign3A_164 : i1 to i32
    %sign3A_166 = arith.constant 0 : i32
    %sign3A_167 = arith.cmpi slt, %add3A_160, %sign3A_166 : i32
    %sign3A_168 = arith.extui %sign3A_167 : i1 to i32
    %sign3A_169 = arith.subi %sign3A_165, %sign3A_168 : i32
    %sign3A_170 = arith.constant 0 : i32
    %sign3A_171 = arith.cmpi sgt, %jit3A_161, %sign3A_170 : i32
    %sign3A_172 = arith.extui %sign3A_171 : i1 to i32
    %sign3A_173 = arith.constant 0 : i32
    %sign3A_174 = arith.cmpi slt, %jit3A_161, %sign3A_173 : i32
    %sign3A_175 = arith.extui %sign3A_174 : i1 to i32
    %sign3A_176 = arith.subi %sign3A_172, %sign3A_175 : i32
    %ne3A_177 = arith.cmpi ne, %sign3A_169, %sign3A_176 : i32
    %rem3A_178 = arith.remsi %add3A_160, %jit3A_161 : i32
    %ne3A_179 = arith.constant 0 : i32
    %ne3A_180 = arith.cmpi ne, %rem3A_178, %ne3A_179 : i32
    %and3A_181 = arith.andi %ne3A_177, %ne3A_180 : i1
    %sub3A_182 = arith.constant 1 : i32
    %sub3A_183 = arith.subi %div3A_162, %sub3A_182 : i32
    %select_n3A_184 = arith.select %and3A_181, %sub3A_183, %div3A_162 : i32
    %add3A_185 = arith.constant 15 : i32
    %add3A_186 = arith.addi %squeeze3A, %add3A_185 : i32
    %jit3A_187 = arith.constant 16 : i32
    %div3A_188 = arith.divsi %add3A_186, %jit3A_187 : i32
    %sign3A_189 = arith.constant 0 : i32
    %sign3A_190 = arith.cmpi sgt, %add3A_186, %sign3A_189 : i32
    %sign3A_191 = arith.extui %sign3A_190 : i1 to i32
    %sign3A_192 = arith.constant 0 : i32
    %sign3A_193 = arith.cmpi slt, %add3A_186, %sign3A_192 : i32
    %sign3A_194 = arith.extui %sign3A_193 : i1 to i32
    %sign3A_195 = arith.subi %sign3A_191, %sign3A_194 : i32
    %sign3A_196 = arith.constant 0 : i32
    %sign3A_197 = arith.cmpi sgt, %jit3A_187, %sign3A_196 : i32
    %sign3A_198 = arith.extui %sign3A_197 : i1 to i32
    %sign3A_199 = arith.constant 0 : i32
    %sign3A_200 = arith.cmpi slt, %jit3A_187, %sign3A_199 : i32
    %sign3A_201 = arith.extui %sign3A_200 : i1 to i32
    %sign3A_202 = arith.subi %sign3A_198, %sign3A_201 : i32
    %ne3A_203 = arith.cmpi ne, %sign3A_195, %sign3A_202 : i32
    %rem3A_204 = arith.remsi %add3A_186, %jit3A_187 : i32
    %ne3A_205 = arith.constant 0 : i32
    %ne3A_206 = arith.cmpi ne, %rem3A_204, %ne3A_205 : i32
    %and3A_207 = arith.andi %ne3A_203, %ne3A_206 : i1
    %sub3A_208 = arith.constant 1 : i32
    %sub3A_209 = arith.subi %div3A_188, %sub3A_208 : i32
    %select_n3A_210 = arith.select %and3A_207, %sub3A_209, %div3A_188 : i32
    %shift_left3A = arith.constant 20 : i32
    %shift_left3A_211 = arith.shli %add3A_129, %shift_left3A : i32
    %scan3A_212 = arith.constant 0 : i32
    %scan3A_213 = arith.constant 20 : i32
    %scan3A_214 = arith.addi %scan3A_212, %scan3A_213 : i32
    %scan3A_215 = arith.constant 1 : i32
    %scan3A_216 = scf.for %scan3A_226 = %scan3A_212 to %scan3A_214 step %scan3A_215 iter_args(%scan3A_227 = %shift_left3A_211) -> (i32)  : i32 {
      %sub3A_228 = arith.constant 19 : i32
      %sub3A_229 = arith.subi %sub3A_228, %scan3A_226 : i32
      %shift_left3A_230 = arith.constant 1 : i32
      %shift_left3A_231 = arith.shli %shift_left3A_230, %sub3A_229 : i32
      %or3A = arith.ori %scan3A_227, %shift_left3A_231 : i32
      %broadcast_in_dim3A_232 = arith.constant 0 : i32
      %broadcast_in_dim3A_233 = vector.broadcast %broadcast_in_dim3A_232 : i32 to vector<16xi32>
      %while3A = arith.constant 0 : i32
      %while3A_234 = arith.subi %select_n3A_184, %while3A : i32
      %while3A_235 = arith.addi %while3A, %while3A_234 : i32
      %while3A_236 = arith.constant 1 : i32
      %while3A_237 = arith.divsi %while3A_234, %while3A_236 : i32
      %while3A_238 = arith.muli %while3A_237, %while3A_236 : i32
      %while3A_239 = arith.addi %while3A, %while3A_238 : i32
      %while3A_240 = arith.constant 1 : i32
      %while3A_241 = scf.for %while3A_262 = %while3A to %while3A_239 step %while3A_240 iter_args(%while3A_263 = %broadcast_in_dim3A_233) -> (vector<16xi32>)  : i32 {
        %mul3A_264 = arith.constant 16 : i32
        %mul3A_265 = arith.muli %while3A_262, %mul3A_264 : i32
        %get3A_266 = arith.index_cast %mul3A_265 : i32 to index
        %get3A_267 = tpu.vector_load %arg7[%get3A_266] {strides = array<i32>} : memref<33024xi32, #tpu.memory_space<vmem>>, vector<16xi32>,
        %ge3A_268 = vector.broadcast %or3A : i32 to vector<16xi32>
        %ge3A_269 = arith.cmpi uge, %get3A_267, %ge3A_268 : vector<16xi32>
        %jit3A_270 = arith.constant 1 : i32
        %jit3A_271 = arith.constant 0 : i32
        %broadcast_in_dim3A_272 = vector.broadcast %jit3A_270 : i32 to vector<16xi32>
        %broadcast_in_dim3A_273 = vector.broadcast %jit3A_271 : i32 to vector<16xi32>
        %select_n3A_274 = arith.select %ge3A_269, %broadcast_in_dim3A_272, %broadcast_in_dim3A_273 : vector<16xi1>, vector<16xi32>
        %add3A_275 = arith.addi %while3A_263, %select_n3A_274 : vector<16xi32>
        scf.yield %add3A_275 : vector<16xi32>
      }
      %while3A_242 = arith.constant 1 : i32
      %while3A_243 = scf.for %while3A_262 = %while3A_239 to %while3A_235 step %while3A_242 iter_args(%while3A_263 = %while3A_241) -> (vector<16xi32>)  : i32 {
        %mul3A_264 = arith.constant 16 : i32
        %mul3A_265 = arith.muli %while3A_262, %mul3A_264 : i32
        %get3A_266 = arith.index_cast %mul3A_265 : i32 to index
        %get3A_267 = tpu.vector_load %arg7[%get3A_266] {strides = array<i32>} : memref<33024xi32, #tpu.memory_space<vmem>>, vector<16xi32>,
        %ge3A_268 = vector.broadcast %or3A : i32 to vector<16xi32>
        %ge3A_269 = arith.cmpi uge, %get3A_267, %ge3A_268 : vector<16xi32>
        %jit3A_270 = arith.constant 1 : i32
        %jit3A_271 = arith.constant 0 : i32
        %broadcast_in_dim3A_272 = vector.broadcast %jit3A_270 : i32 to vector<16xi32>
        %broadcast_in_dim3A_273 = vector.broadcast %jit3A_271 : i32 to vector<16xi32>
        %select_n3A_274 = arith.select %ge3A_269, %broadcast_in_dim3A_272, %broadcast_in_dim3A_273 : vector<16xi1>, vector<16xi32>
        %add3A_275 = arith.addi %while3A_263, %select_n3A_274 : vector<16xi32>
        scf.yield %add3A_275 : vector<16xi32>
      }
      %while3A_244 = arith.constant 0 : i32
      %while3A_245 = arith.subi %select_n3A_210, %while3A_244 : i32
      %while3A_246 = arith.addi %while3A_244, %while3A_245 : i32
      %while3A_247 = arith.constant 1 : i32
      %while3A_248 = arith.divsi %while3A_245, %while3A_247 : i32
      %while3A_249 = arith.muli %while3A_248, %while3A_247 : i32
      %while3A_250 = arith.addi %while3A_244, %while3A_249 : i32
      %while3A_251 = arith.constant 1 : i32
      %while3A_252 = scf.for %while3A_262 = %while3A_244 to %while3A_250 step %while3A_251 iter_args(%while3A_263 = %while3A_243) -> (vector<16xi32>)  : i32 {
        %mul3A_264 = arith.constant 16 : i32
        %mul3A_265 = arith.muli %while3A_262, %mul3A_264 : i32
        %add3A_266 = arith.constant 16512 : i32
        %add3A_267 = arith.addi %add3A_266, %mul3A_265 : i32
        %get3A_268 = arith.index_cast %add3A_267 : i32 to index
        %get3A_269 = tpu.vector_load %arg7[%get3A_268] {strides = array<i32>} : memref<33024xi32, #tpu.memory_space<vmem>>, vector<16xi32>,
        %ge3A_270 = vector.broadcast %or3A : i32 to vector<16xi32>
        %ge3A_271 = arith.cmpi uge, %get3A_269, %ge3A_270 : vector<16xi32>
        %jit3A_272 = arith.constant 1 : i32
        %jit3A_273 = arith.constant 0 : i32
        %broadcast_in_dim3A_274 = vector.broadcast %jit3A_272 : i32 to vector<16xi32>
        %broadcast_in_dim3A_275 = vector.broadcast %jit3A_273 : i32 to vector<16xi32>
        %select_n3A_276 = arith.select %ge3A_271, %broadcast_in_dim3A_274, %broadcast_in_dim3A_275 : vector<16xi1>, vector<16xi32>
        %add3A_277 = arith.addi %while3A_263, %select_n3A_276 : vector<16xi32>
        scf.yield %add3A_277 : vector<16xi32>
      }
      %while3A_253 = arith.constant 1 : i32
      %while3A_254 = scf.for %while3A_262 = %while3A_250 to %while3A_246 step %while3A_253 iter_args(%while3A_263 = %while3A_252) -> (vector<16xi32>)  : i32 {
        %mul3A_264 = arith.constant 16 : i32
        %mul3A_265 = arith.muli %while3A_262, %mul3A_264 : i32
        %add3A_266 = arith.constant 16512 : i32
        %add3A_267 = arith.addi %add3A_266, %mul3A_265 : i32
        %get3A_268 = arith.index_cast %add3A_267 : i32 to index
        %get3A_269 = tpu.vector_load %arg7[%get3A_268] {strides = array<i32>} : memref<33024xi32, #tpu.memory_space<vmem>>, vector<16xi32>,
        %ge3A_270 = vector.broadcast %or3A : i32 to vector<16xi32>
        %ge3A_271 = arith.cmpi uge, %get3A_269, %ge3A_270 : vector<16xi32>
        %jit3A_272 = arith.constant 1 : i32
        %jit3A_273 = arith.constant 0 : i32
        %broadcast_in_dim3A_274 = vector.broadcast %jit3A_272 : i32 to vector<16xi32>
        %broadcast_in_dim3A_275 = vector.broadcast %jit3A_273 : i32 to vector<16xi32>
        %select_n3A_276 = arith.select %ge3A_271, %broadcast_in_dim3A_274, %broadcast_in_dim3A_275 : vector<16xi1>, vector<16xi32>
        %add3A_277 = arith.addi %while3A_263, %select_n3A_276 : vector<16xi32>
        scf.yield %add3A_277 : vector<16xi32>
      }
      %reduce_sum3A = arith.constant true
      %reduce_sum3A_255 = vector.broadcast %reduce_sum3A : i1 to vector<16xi1>
      %reduce_sum3A_256 = tpu.scan <sum>, %while3A_254 masked %reduce_sum3A_255 : vector<16xi32>, vector<16xi1> -> vector<16xi32>
      %reduce_sum3A_257 = vector.extract %reduce_sum3A_256[15] : i32 from vector<16xi32>
      %add3A_258 = arith.addi %reduce_sum3A_257, %sub3A_130 : i32
      %ge3A_259 = arith.constant 1024 : i32
      %ge3A_260 = arith.cmpi sge, %add3A_258, %ge3A_259 : i32
      %select_n3A_261 = arith.select %ge3A_260, %or3A, %scan3A_227 : i32
      scf.yield %select_n3A_261 : i32
    }
    %scan3A_217 = arith.constant 20 : i32
    %scan3A_218 = arith.constant 0 : i32
    %scan3A_219 = arith.constant 0 : i32
    %scan3A_220 = arith.constant 64 : i32
    %scan3A_221 = arith.addi %scan3A_219, %scan3A_220 : i32
    %scan3A_222 = arith.constant 1 : i32
    scf.for %scan3A_226 = %scan3A_219 to %scan3A_221 step %scan3A_222  : i32 {
      %mul3A_227 = arith.constant 16 : i32
      %mul3A_228 = arith.muli %scan3A_226, %mul3A_227 : i32
      %add3A_229 = arith.constant 0 : i32
      %add3A_230 = arith.addi %mul3A_228, %add3A_229 : i32
      %mul3A_231 = arith.constant 16 : i32
      %mul3A_232 = arith.muli %add3A_230, %mul3A_231 : i32
      %get3A_233 = arith.index_cast %mul3A_232 : i32 to index
      %get3A_234 = tpu.vector_load %arg4[%get3A_233] {strides = array<i32>} : memref<16384xi32, #tpu.memory_space<vmem>>, vector<16xi32>,
      %ge3A_235 = vector.broadcast %scan3A_216 : i32 to vector<16xi32>
      %ge3A_236 = arith.cmpi uge, %get3A_234, %ge3A_235 : vector<16xi32>
      %jit3A_237 = arith.constant 1065353216 : i32
      %jit3A_238 = arith.constant 0 : i32
      %broadcast_in_dim3A_239 = vector.broadcast %jit3A_237 : i32 to vector<16xi32>
      %broadcast_in_dim3A_240 = vector.broadcast %jit3A_238 : i32 to vector<16xi32>
      %select_n3A_241 = arith.select %ge3A_236, %broadcast_in_dim3A_239, %broadcast_in_dim3A_240 : vector<16xi1>, vector<16xi32>
      %swap3A_242 = arith.index_cast %mul3A_232 : i32 to index
      %swap3A_243 = tpu.vector_load %arg4[%swap3A_242] {strides = array<i32>} : memref<16384xi32, #tpu.memory_space<vmem>>, vector<16xi32>,
      tpu.vector_store %arg4[%swap3A_242], %select_n3A_241 {strides = array<i32>} : memref<16384xi32, #tpu.memory_space<vmem>>, vector<16xi32>,
      %mul3A_244 = arith.constant 16 : i32
      %mul3A_245 = arith.muli %scan3A_226, %mul3A_244 : i32
      %add3A_246 = arith.constant 1 : i32
      %add3A_247 = arith.addi %mul3A_245, %add3A_246 : i32
      %mul3A_248 = arith.constant 16 : i32
      %mul3A_249 = arith.muli %add3A_247, %mul3A_248 : i32
      %get3A_250 = arith.index_cast %mul3A_249 : i32 to index
      %get3A_251 = tpu.vector_load %arg4[%get3A_250] {strides = array<i32>} : memref<16384xi32, #tpu.memory_space<vmem>>, vector<16xi32>,
      %ge3A_252 = vector.broadcast %scan3A_216 : i32 to vector<16xi32>
      %ge3A_253 = arith.cmpi uge, %get3A_251, %ge3A_252 : vector<16xi32>
      %jit3A_254 = arith.constant 1065353216 : i32
      %jit3A_255 = arith.constant 0 : i32
      %broadcast_in_dim3A_256 = vector.broadcast %jit3A_254 : i32 to vector<16xi32>
      %broadcast_in_dim3A_257 = vector.broadcast %jit3A_255 : i32 to vector<16xi32>
      %select_n3A_258 = arith.select %ge3A_253, %broadcast_in_dim3A_256, %broadcast_in_dim3A_257 : vector<16xi1>, vector<16xi32>
      %swap3A_259 = arith.index_cast %mul3A_249 : i32 to index
      %swap3A_260 = tpu.vector_load %arg4[%swap3A_259] {strides = array<i32>} : memref<16384xi32, #tpu.memory_space<vmem>>, vector<16xi32>,
      tpu.vector_store %arg4[%swap3A_259], %select_n3A_258 {strides = array<i32>} : memref<16384xi32, #tpu.memory_space<vmem>>, vector<16xi32>,
      %mul3A_261 = arith.constant 16 : i32
      %mul3A_262 = arith.muli %scan3A_226, %mul3A_261 : i32
      %add3A_263 = arith.constant 2 : i32
      %add3A_264 = arith.addi %mul3A_262, %add3A_263 : i32
      %mul3A_265 = arith.constant 16 : i32
      %mul3A_266 = arith.muli %add3A_264, %mul3A_265 : i32
      %get3A_267 = arith.index_cast %mul3A_266 : i32 to index
      %get3A_268 = tpu.vector_load %arg4[%get3A_267] {strides = array<i32>} : memref<16384xi32, #tpu.memory_space<vmem>>, vector<16xi32>,
      %ge3A_269 = vector.broadcast %scan3A_216 : i32 to vector<16xi32>
      %ge3A_270 = arith.cmpi uge, %get3A_268, %ge3A_269 : vector<16xi32>
      %jit3A_271 = arith.constant 1065353216 : i32
      %jit3A_272 = arith.constant 0 : i32
      %broadcast_in_dim3A_273 = vector.broadcast %jit3A_271 : i32 to vector<16xi32>
      %broadcast_in_dim3A_274 = vector.broadcast %jit3A_272 : i32 to vector<16xi32>
      %select_n3A_275 = arith.select %ge3A_270, %broadcast_in_dim3A_273, %broadcast_in_dim3A_274 : vector<16xi1>, vector<16xi32>
      %swap3A_276 = arith.index_cast %mul3A_266 : i32 to index
      %swap3A_277 = tpu.vector_load %arg4[%swap3A_276] {strides = array<i32>} : memref<16384xi32, #tpu.memory_space<vmem>>, vector<16xi32>,
      tpu.vector_store %arg4[%swap3A_276], %select_n3A_275 {strides = array<i32>} : memref<16384xi32, #tpu.memory_space<vmem>>, vector<16xi32>,
      %mul3A_278 = arith.constant 16 : i32
      %mul3A_279 = arith.muli %scan3A_226, %mul3A_278 : i32
      %add3A_280 = arith.constant 3 : i32
      %add3A_281 = arith.addi %mul3A_279, %add3A_280 : i32
      %mul3A_282 = arith.constant 16 : i32
      %mul3A_283 = arith.muli %add3A_281, %mul3A_282 : i32
      %get3A_284 = arith.index_cast %mul3A_283 : i32 to index
      %get3A_285 = tpu.vector_load %arg4[%get3A_284] {strides = array<i32>} : memref<16384xi32, #tpu.memory_space<vmem>>, vector<16xi32>,
      %ge3A_286 = vector.broadcast %scan3A_216 : i32 to vector<16xi32>
      %ge3A_287 = arith.cmpi uge, %get3A_285, %ge3A_286 : vector<16xi32>
      %jit3A_288 = arith.constant 1065353216 : i32
      %jit3A_289 = arith.constant 0 : i32
      %broadcast_in_dim3A_290 = vector.broadcast %jit3A_288 : i32 to vector<16xi32>
      %broadcast_in_dim3A_291 = vector.broadcast %jit3A_289 : i32 to vector<16xi32>
      %select_n3A_292 = arith.select %ge3A_287, %broadcast_in_dim3A_290, %broadcast_in_dim3A_291 : vector<16xi1>, vector<16xi32>
      %swap3A_293 = arith.index_cast %mul3A_283 : i32 to index
      %swap3A_294 = tpu.vector_load %arg4[%swap3A_293] {strides = array<i32>} : memref<16384xi32, #tpu.memory_space<vmem>>, vector<16xi32>,
      tpu.vector_store %arg4[%swap3A_293], %select_n3A_292 {strides = array<i32>} : memref<16384xi32, #tpu.memory_space<vmem>>, vector<16xi32>,
      %mul3A_295 = arith.constant 16 : i32
      %mul3A_296 = arith.muli %scan3A_226, %mul3A_295 : i32
      %add3A_297 = arith.constant 4 : i32
      %add3A_298 = arith.addi %mul3A_296, %add3A_297 : i32
      %mul3A_299 = arith.constant 16 : i32
      %mul3A_300 = arith.muli %add3A_298, %mul3A_299 : i32
      %get3A_301 = arith.index_cast %mul3A_300 : i32 to index
      %get3A_302 = tpu.vector_load %arg4[%get3A_301] {strides = array<i32>} : memref<16384xi32, #tpu.memory_space<vmem>>, vector<16xi32>,
      %ge3A_303 = vector.broadcast %scan3A_216 : i32 to vector<16xi32>
      %ge3A_304 = arith.cmpi uge, %get3A_302, %ge3A_303 : vector<16xi32>
      %jit3A_305 = arith.constant 1065353216 : i32
      %jit3A_306 = arith.constant 0 : i32
      %broadcast_in_dim3A_307 = vector.broadcast %jit3A_305 : i32 to vector<16xi32>
      %broadcast_in_dim3A_308 = vector.broadcast %jit3A_306 : i32 to vector<16xi32>
      %select_n3A_309 = arith.select %ge3A_304, %broadcast_in_dim3A_307, %broadcast_in_dim3A_308 : vector<16xi1>, vector<16xi32>
      %swap3A_310 = arith.index_cast %mul3A_300 : i32 to index
      %swap3A_311 = tpu.vector_load %arg4[%swap3A_310] {strides = array<i32>} : memref<16384xi32, #tpu.memory_space<vmem>>, vector<16xi32>,
      tpu.vector_store %arg4[%swap3A_310], %select_n3A_309 {strides = array<i32>} : memref<16384xi32, #tpu.memory_space<vmem>>, vector<16xi32>,
      %mul3A_312 = arith.constant 16 : i32
      %mul3A_313 = arith.muli %scan3A_226, %mul3A_312 : i32
      %add3A_314 = arith.constant 5 : i32
      %add3A_315 = arith.addi %mul3A_313, %add3A_314 : i32
      %mul3A_316 = arith.constant 16 : i32
      %mul3A_317 = arith.muli %add3A_315, %mul3A_316 : i32
      %get3A_318 = arith.index_cast %mul3A_317 : i32 to index
      %get3A_319 = tpu.vector_load %arg4[%get3A_318] {strides = array<i32>} : memref<16384xi32, #tpu.memory_space<vmem>>, vector<16xi32>,
      %ge3A_320 = vector.broadcast %scan3A_216 : i32 to vector<16xi32>
      %ge3A_321 = arith.cmpi uge, %get3A_319, %ge3A_320 : vector<16xi32>
      %jit3A_322 = arith.constant 1065353216 : i32
      %jit3A_323 = arith.constant 0 : i32
      %broadcast_in_dim3A_324 = vector.broadcast %jit3A_322 : i32 to vector<16xi32>
      %broadcast_in_dim3A_325 = vector.broadcast %jit3A_323 : i32 to vector<16xi32>
      %select_n3A_326 = arith.select %ge3A_321, %broadcast_in_dim3A_324, %broadcast_in_dim3A_325 : vector<16xi1>, vector<16xi32>
      %swap3A_327 = arith.index_cast %mul3A_317 : i32 to index
      %swap3A_328 = tpu.vector_load %arg4[%swap3A_327] {strides = array<i32>} : memref<16384xi32, #tpu.memory_space<vmem>>, vector<16xi32>,
      tpu.vector_store %arg4[%swap3A_327], %select_n3A_326 {strides = array<i32>} : memref<16384xi32, #tpu.memory_space<vmem>>, vector<16xi32>,
      %mul3A_329 = arith.constant 16 : i32
      %mul3A_330 = arith.muli %scan3A_226, %mul3A_329 : i32
      %add3A_331 = arith.constant 6 : i32
      %add3A_332 = arith.addi %mul3A_330, %add3A_331 : i32
      %mul3A_333 = arith.constant 16 : i32
      %mul3A_334 = arith.muli %add3A_332, %mul3A_333 : i32
      %get3A_335 = arith.index_cast %mul3A_334 : i32 to index
      %get3A_336 = tpu.vector_load %arg4[%get3A_335] {strides = array<i32>} : memref<16384xi32, #tpu.memory_space<vmem>>, vector<16xi32>,
      %ge3A_337 = vector.broadcast %scan3A_216 : i32 to vector<16xi32>
      %ge3A_338 = arith.cmpi uge, %get3A_336, %ge3A_337 : vector<16xi32>
      %jit3A_339 = arith.constant 1065353216 : i32
      %jit3A_340 = arith.constant 0 : i32
      %broadcast_in_dim3A_341 = vector.broadcast %jit3A_339 : i32 to vector<16xi32>
      %broadcast_in_dim3A_342 = vector.broadcast %jit3A_340 : i32 to vector<16xi32>
      %select_n3A_343 = arith.select %ge3A_338, %broadcast_in_dim3A_341, %broadcast_in_dim3A_342 : vector<16xi1>, vector<16xi32>
      %swap3A_344 = arith.index_cast %mul3A_334 : i32 to index
      %swap3A_345 = tpu.vector_load %arg4[%swap3A_344] {strides = array<i32>} : memref<16384xi32, #tpu.memory_space<vmem>>, vector<16xi32>,
      tpu.vector_store %arg4[%swap3A_344], %select_n3A_343 {strides = array<i32>} : memref<16384xi32, #tpu.memory_space<vmem>>, vector<16xi32>,
      %mul3A_346 = arith.constant 16 : i32
      %mul3A_347 = arith.muli %scan3A_226, %mul3A_346 : i32
      %add3A_348 = arith.constant 7 : i32
      %add3A_349 = arith.addi %mul3A_347, %add3A_348 : i32
      %mul3A_350 = arith.constant 16 : i32
      %mul3A_351 = arith.muli %add3A_349, %mul3A_350 : i32
      %get3A_352 = arith.index_cast %mul3A_351 : i32 to index
      %get3A_353 = tpu.vector_load %arg4[%get3A_352] {strides = array<i32>} : memref<16384xi32, #tpu.memory_space<vmem>>, vector<16xi32>,
      %ge3A_354 = vector.broadcast %scan3A_216 : i32 to vector<16xi32>
      %ge3A_355 = arith.cmpi uge, %get3A_353, %ge3A_354 : vector<16xi32>
      %jit3A_356 = arith.constant 1065353216 : i32
      %jit3A_357 = arith.constant 0 : i32
      %broadcast_in_dim3A_358 = vector.broadcast %jit3A_356 : i32 to vector<16xi32>
      %broadcast_in_dim3A_359 = vector.broadcast %jit3A_357 : i32 to vector<16xi32>
      %select_n3A_360 = arith.select %ge3A_355, %broadcast_in_dim3A_358, %broadcast_in_dim3A_359 : vector<16xi1>, vector<16xi32>
      %swap3A_361 = arith.index_cast %mul3A_351 : i32 to index
      %swap3A_362 = tpu.vector_load %arg4[%swap3A_361] {strides = array<i32>} : memref<16384xi32, #tpu.memory_space<vmem>>, vector<16xi32>,
      tpu.vector_store %arg4[%swap3A_361], %select_n3A_360 {strides = array<i32>} : memref<16384xi32, #tpu.memory_space<vmem>>, vector<16xi32>,
      %mul3A_363 = arith.constant 16 : i32
      %mul3A_364 = arith.muli %scan3A_226, %mul3A_363 : i32
      %add3A_365 = arith.constant 8 : i32
      %add3A_366 = arith.addi %mul3A_364, %add3A_365 : i32
      %mul3A_367 = arith.constant 16 : i32
      %mul3A_368 = arith.muli %add3A_366, %mul3A_367 : i32
      %get3A_369 = arith.index_cast %mul3A_368 : i32 to index
      %get3A_370 = tpu.vector_load %arg4[%get3A_369] {strides = array<i32>} : memref<16384xi32, #tpu.memory_space<vmem>>, vector<16xi32>,
      %ge3A_371 = vector.broadcast %scan3A_216 : i32 to vector<16xi32>
      %ge3A_372 = arith.cmpi uge, %get3A_370, %ge3A_371 : vector<16xi32>
      %jit3A_373 = arith.constant 1065353216 : i32
      %jit3A_374 = arith.constant 0 : i32
      %broadcast_in_dim3A_375 = vector.broadcast %jit3A_373 : i32 to vector<16xi32>
      %broadcast_in_dim3A_376 = vector.broadcast %jit3A_374 : i32 to vector<16xi32>
      %select_n3A_377 = arith.select %ge3A_372, %broadcast_in_dim3A_375, %broadcast_in_dim3A_376 : vector<16xi1>, vector<16xi32>
      %swap3A_378 = arith.index_cast %mul3A_368 : i32 to index
      %swap3A_379 = tpu.vector_load %arg4[%swap3A_378] {strides = array<i32>} : memref<16384xi32, #tpu.memory_space<vmem>>, vector<16xi32>,
      tpu.vector_store %arg4[%swap3A_378], %select_n3A_377 {strides = array<i32>} : memref<16384xi32, #tpu.memory_space<vmem>>, vector<16xi32>,
      %mul3A_380 = arith.constant 16 : i32
      %mul3A_381 = arith.muli %scan3A_226, %mul3A_380 : i32
      %add3A_382 = arith.constant 9 : i32
      %add3A_383 = arith.addi %mul3A_381, %add3A_382 : i32
      %mul3A_384 = arith.constant 16 : i32
      %mul3A_385 = arith.muli %add3A_383, %mul3A_384 : i32
      %get3A_386 = arith.index_cast %mul3A_385 : i32 to index
      %get3A_387 = tpu.vector_load %arg4[%get3A_386] {strides = array<i32>} : memref<16384xi32, #tpu.memory_space<vmem>>, vector<16xi32>,
      %ge3A_388 = vector.broadcast %scan3A_216 : i32 to vector<16xi32>
      %ge3A_389 = arith.cmpi uge, %get3A_387, %ge3A_388 : vector<16xi32>
      %jit3A_390 = arith.constant 1065353216 : i32
      %jit3A_391 = arith.constant 0 : i32
      %broadcast_in_dim3A_392 = vector.broadcast %jit3A_390 : i32 to vector<16xi32>
      %broadcast_in_dim3A_393 = vector.broadcast %jit3A_391 : i32 to vector<16xi32>
      %select_n3A_394 = arith.select %ge3A_389, %broadcast_in_dim3A_392, %broadcast_in_dim3A_393 : vector<16xi1>, vector<16xi32>
      %swap3A_395 = arith.index_cast %mul3A_385 : i32 to index
      %swap3A_396 = tpu.vector_load %arg4[%swap3A_395] {strides = array<i32>} : memref<16384xi32, #tpu.memory_space<vmem>>, vector<16xi32>,
      tpu.vector_store %arg4[%swap3A_395], %select_n3A_394 {strides = array<i32>} : memref<16384xi32, #tpu.memory_space<vmem>>, vector<16xi32>,
      %mul3A_397 = arith.constant 16 : i32
      %mul3A_398 = arith.muli %scan3A_226, %mul3A_397 : i32
      %add3A_399 = arith.constant 10 : i32
      %add3A_400 = arith.addi %mul3A_398, %add3A_399 : i32
      %mul3A_401 = arith.constant 16 : i32
      %mul3A_402 = arith.muli %add3A_400, %mul3A_401 : i32
      %get3A_403 = arith.index_cast %mul3A_402 : i32 to index
      %get3A_404 = tpu.vector_load %arg4[%get3A_403] {strides = array<i32>} : memref<16384xi32, #tpu.memory_space<vmem>>, vector<16xi32>,
      %ge3A_405 = vector.broadcast %scan3A_216 : i32 to vector<16xi32>
      %ge3A_406 = arith.cmpi uge, %get3A_404, %ge3A_405 : vector<16xi32>
      %jit3A_407 = arith.constant 1065353216 : i32
      %jit3A_408 = arith.constant 0 : i32
      %broadcast_in_dim3A_409 = vector.broadcast %jit3A_407 : i32 to vector<16xi32>
      %broadcast_in_dim3A_410 = vector.broadcast %jit3A_408 : i32 to vector<16xi32>
      %select_n3A_411 = arith.select %ge3A_406, %broadcast_in_dim3A_409, %broadcast_in_dim3A_410 : vector<16xi1>, vector<16xi32>
      %swap3A_412 = arith.index_cast %mul3A_402 : i32 to index
      %swap3A_413 = tpu.vector_load %arg4[%swap3A_412] {strides = array<i32>} : memref<16384xi32, #tpu.memory_space<vmem>>, vector<16xi32>,
      tpu.vector_store %arg4[%swap3A_412], %select_n3A_411 {strides = array<i32>} : memref<16384xi32, #tpu.memory_space<vmem>>, vector<16xi32>,
      %mul3A_414 = arith.constant 16 : i32
      %mul3A_415 = arith.muli %scan3A_226, %mul3A_414 : i32
      %add3A_416 = arith.constant 11 : i32
      %add3A_417 = arith.addi %mul3A_415, %add3A_416 : i32
      %mul3A_418 = arith.constant 16 : i32
      %mul3A_419 = arith.muli %add3A_417, %mul3A_418 : i32
      %get3A_420 = arith.index_cast %mul3A_419 : i32 to index
      %get3A_421 = tpu.vector_load %arg4[%get3A_420] {strides = array<i32>} : memref<16384xi32, #tpu.memory_space<vmem>>, vector<16xi32>,
      %ge3A_422 = vector.broadcast %scan3A_216 : i32 to vector<16xi32>
      %ge3A_423 = arith.cmpi uge, %get3A_421, %ge3A_422 : vector<16xi32>
      %jit3A_424 = arith.constant 1065353216 : i32
      %jit3A_425 = arith.constant 0 : i32
      %broadcast_in_dim3A_426 = vector.broadcast %jit3A_424 : i32 to vector<16xi32>
      %broadcast_in_dim3A_427 = vector.broadcast %jit3A_425 : i32 to vector<16xi32>
      %select_n3A_428 = arith.select %ge3A_423, %broadcast_in_dim3A_426, %broadcast_in_dim3A_427 : vector<16xi1>, vector<16xi32>
      %swap3A_429 = arith.index_cast %mul3A_419 : i32 to index
      %swap3A_430 = tpu.vector_load %arg4[%swap3A_429] {strides = array<i32>} : memref<16384xi32, #tpu.memory_space<vmem>>, vector<16xi32>,
      tpu.vector_store %arg4[%swap3A_429], %select_n3A_428 {strides = array<i32>} : memref<16384xi32, #tpu.memory_space<vmem>>, vector<16xi32>,
      %mul3A_431 = arith.constant 16 : i32
      %mul3A_432 = arith.muli %scan3A_226, %mul3A_431 : i32
      %add3A_433 = arith.constant 12 : i32
      %add3A_434 = arith.addi %mul3A_432, %add3A_433 : i32
      %mul3A_435 = arith.constant 16 : i32
      %mul3A_436 = arith.muli %add3A_434, %mul3A_435 : i32
      %get3A_437 = arith.index_cast %mul3A_436 : i32 to index
      %get3A_438 = tpu.vector_load %arg4[%get3A_437] {strides = array<i32>} : memref<16384xi32, #tpu.memory_space<vmem>>, vector<16xi32>,
      %ge3A_439 = vector.broadcast %scan3A_216 : i32 to vector<16xi32>
      %ge3A_440 = arith.cmpi uge, %get3A_438, %ge3A_439 : vector<16xi32>
      %jit3A_441 = arith.constant 1065353216 : i32
      %jit3A_442 = arith.constant 0 : i32
      %broadcast_in_dim3A_443 = vector.broadcast %jit3A_441 : i32 to vector<16xi32>
      %broadcast_in_dim3A_444 = vector.broadcast %jit3A_442 : i32 to vector<16xi32>
      %select_n3A_445 = arith.select %ge3A_440, %broadcast_in_dim3A_443, %broadcast_in_dim3A_444 : vector<16xi1>, vector<16xi32>
      %swap3A_446 = arith.index_cast %mul3A_436 : i32 to index
      %swap3A_447 = tpu.vector_load %arg4[%swap3A_446] {strides = array<i32>} : memref<16384xi32, #tpu.memory_space<vmem>>, vector<16xi32>,
      tpu.vector_store %arg4[%swap3A_446], %select_n3A_445 {strides = array<i32>} : memref<16384xi32, #tpu.memory_space<vmem>>, vector<16xi32>,
      %mul3A_448 = arith.constant 16 : i32
      %mul3A_449 = arith.muli %scan3A_226, %mul3A_448 : i32
      %add3A_450 = arith.constant 13 : i32
      %add3A_451 = arith.addi %mul3A_449, %add3A_450 : i32
      %mul3A_452 = arith.constant 16 : i32
      %mul3A_453 = arith.muli %add3A_451, %mul3A_452 : i32
      %get3A_454 = arith.index_cast %mul3A_453 : i32 to index
      %get3A_455 = tpu.vector_load %arg4[%get3A_454] {strides = array<i32>} : memref<16384xi32, #tpu.memory_space<vmem>>, vector<16xi32>,
      %ge3A_456 = vector.broadcast %scan3A_216 : i32 to vector<16xi32>
      %ge3A_457 = arith.cmpi uge, %get3A_455, %ge3A_456 : vector<16xi32>
      %jit3A_458 = arith.constant 1065353216 : i32
      %jit3A_459 = arith.constant 0 : i32
      %broadcast_in_dim3A_460 = vector.broadcast %jit3A_458 : i32 to vector<16xi32>
      %broadcast_in_dim3A_461 = vector.broadcast %jit3A_459 : i32 to vector<16xi32>
      %select_n3A_462 = arith.select %ge3A_457, %broadcast_in_dim3A_460, %broadcast_in_dim3A_461 : vector<16xi1>, vector<16xi32>
      %swap3A_463 = arith.index_cast %mul3A_453 : i32 to index
      %swap3A_464 = tpu.vector_load %arg4[%swap3A_463] {strides = array<i32>} : memref<16384xi32, #tpu.memory_space<vmem>>, vector<16xi32>,
      tpu.vector_store %arg4[%swap3A_463], %select_n3A_462 {strides = array<i32>} : memref<16384xi32, #tpu.memory_space<vmem>>, vector<16xi32>,
      %mul3A_465 = arith.constant 16 : i32
      %mul3A_466 = arith.muli %scan3A_226, %mul3A_465 : i32
      %add3A_467 = arith.constant 14 : i32
      %add3A_468 = arith.addi %mul3A_466, %add3A_467 : i32
      %mul3A_469 = arith.constant 16 : i32
      %mul3A_470 = arith.muli %add3A_468, %mul3A_469 : i32
      %get3A_471 = arith.index_cast %mul3A_470 : i32 to index
      %get3A_472 = tpu.vector_load %arg4[%get3A_471] {strides = array<i32>} : memref<16384xi32, #tpu.memory_space<vmem>>, vector<16xi32>,
      %ge3A_473 = vector.broadcast %scan3A_216 : i32 to vector<16xi32>
      %ge3A_474 = arith.cmpi uge, %get3A_472, %ge3A_473 : vector<16xi32>
      %jit3A_475 = arith.constant 1065353216 : i32
      %jit3A_476 = arith.constant 0 : i32
      %broadcast_in_dim3A_477 = vector.broadcast %jit3A_475 : i32 to vector<16xi32>
      %broadcast_in_dim3A_478 = vector.broadcast %jit3A_476 : i32 to vector<16xi32>
      %select_n3A_479 = arith.select %ge3A_474, %broadcast_in_dim3A_477, %broadcast_in_dim3A_478 : vector<16xi1>, vector<16xi32>
      %swap3A_480 = arith.index_cast %mul3A_470 : i32 to index
      %swap3A_481 = tpu.vector_load %arg4[%swap3A_480] {strides = array<i32>} : memref<16384xi32, #tpu.memory_space<vmem>>, vector<16xi32>,
      tpu.vector_store %arg4[%swap3A_480], %select_n3A_479 {strides = array<i32>} : memref<16384xi32, #tpu.memory_space<vmem>>, vector<16xi32>,
      %mul3A_482 = arith.constant 16 : i32
      %mul3A_483 = arith.muli %scan3A_226, %mul3A_482 : i32
      %add3A_484 = arith.constant 15 : i32
      %add3A_485 = arith.addi %mul3A_483, %add3A_484 : i32
      %mul3A_486 = arith.constant 16 : i32
      %mul3A_487 = arith.muli %add3A_485, %mul3A_486 : i32
      %get3A_488 = arith.index_cast %mul3A_487 : i32 to index
      %get3A_489 = tpu.vector_load %arg4[%get3A_488] {strides = array<i32>} : memref<16384xi32, #tpu.memory_space<vmem>>, vector<16xi32>,
      %ge3A_490 = vector.broadcast %scan3A_216 : i32 to vector<16xi32>
      %ge3A_491 = arith.cmpi uge, %get3A_489, %ge3A_490 : vector<16xi32>
      %jit3A_492 = arith.constant 1065353216 : i32
      %jit3A_493 = arith.constant 0 : i32
      %broadcast_in_dim3A_494 = vector.broadcast %jit3A_492 : i32 to vector<16xi32>
      %broadcast_in_dim3A_495 = vector.broadcast %jit3A_493 : i32 to vector<16xi32>
      %select_n3A_496 = arith.select %ge3A_491, %broadcast_in_dim3A_494, %broadcast_in_dim3A_495 : vector<16xi1>, vector<16xi32>
      %swap3A_497 = arith.index_cast %mul3A_487 : i32 to index
      %swap3A_498 = tpu.vector_load %arg4[%swap3A_497] {strides = array<i32>} : memref<16384xi32, #tpu.memory_space<vmem>>, vector<16xi32>,
      tpu.vector_store %arg4[%swap3A_497], %select_n3A_496 {strides = array<i32>} : memref<16384xi32, #tpu.memory_space<vmem>>, vector<16xi32>,
    }
    %scan3A_223 = arith.constant 64 : i32
    %mul3A_224 = arith.constant 16384 : i32
    %mul3A_225 = arith.muli %select_n3A_30, %mul3A_224 : i32
    "tpu.region"() ({
      %run_scoped3A = tpu.sem_alloc : memref<!tpu.dma_semaphore, #tpu.memory_space<semaphore_mem>>
      %dma_start3A = tpu.memref_slice %arg3[%add3A, %mul3A_225] : memref<16x32768xi32, #tpu.memory_space<hbm>> -> memref<1x16384xi32, #tpu.memory_space<hbm>>
      %dma_start3A_226 = tpu.memref_squeeze %dma_start3A : memref<1x16384xi32, #tpu.memory_space<hbm>> -> memref<16384xi32, #tpu.memory_space<hbm>>
      %dma_start3A_227 = tpu.memref_slice %arg3[%add3A, %mul3A_225] : memref<16x32768xi32, #tpu.memory_space<hbm>> -> memref<1x16384xi32, #tpu.memory_space<hbm>>
      %dma_start3A_228 = tpu.memref_squeeze %dma_start3A_227 : memref<1x16384xi32, #tpu.memory_space<hbm>> -> memref<16384xi32, #tpu.memory_space<hbm>>
      tpu.enqueue_dma source(%arg4 : memref<16384xi32, #tpu.memory_space<vmem>>) target(%dma_start3A_228 : memref<16384xi32, #tpu.memory_space<hbm>>) target_semaphore(%run_scoped3A : memref<!tpu.dma_semaphore, #tpu.memory_space<semaphore_mem>>)
      %dma_wait3A = tpu.memref_slice %arg3[%add3A, %mul3A_225] : memref<16x32768xi32, #tpu.memory_space<hbm>> -> memref<1x16384xi32, #tpu.memory_space<hbm>>
      %dma_wait3A_229 = tpu.memref_squeeze %dma_wait3A : memref<1x16384xi32, #tpu.memory_space<hbm>> -> memref<16384xi32, #tpu.memory_space<hbm>>
      %dma_wait3A_230 = tpu.memref_slice %arg3[%add3A, %mul3A_225] : memref<16x32768xi32, #tpu.memory_space<hbm>> -> memref<1x16384xi32, #tpu.memory_space<hbm>>
      %dma_wait3A_231 = tpu.memref_squeeze %dma_wait3A_230 : memref<1x16384xi32, #tpu.memory_space<hbm>> -> memref<16384xi32, #tpu.memory_space<hbm>>
      tpu.wait_dma2 semaphore(%run_scoped3A : memref<!tpu.dma_semaphore, #tpu.memory_space<semaphore_mem>>) src(%arg4 : memref<16384xi32, #tpu.memory_space<vmem>>) dst(%dma_wait3A_231 : memref<16384xi32, #tpu.memory_space<hbm>>)
      tpu.yield
    }) : () -> ()
    return
  }
}

module attributes {stable_mosaic.version = 14 : i64} {
  func.func @_key_body(%arg0: i32, %arg1: memref<1x1x2x128x256xf32, #tpu.memory_space<vmem>>, %arg2: memref<1x1x2x128x256xf32, #tpu.memory_space<vmem>>, %arg3: memref<1x128x256xi32, #tpu.memory_space<vmem>>) attributes {dimension_semantics = [#tpu.dimension_semantics<arbitrary>], iteration_bounds = array<i64: 16>, scalar_prefetch = 0 : i64, scratch_operands = 0 : i64, tpu.core_type = #tpu.core_type<tc>, window_params = [{transform_indices = @transform_0, window_bounds = array<i64: 1, 1, 2, 128, 256>}, {transform_indices = @transform_1, window_bounds = array<i64: 1, 1, 2, 128, 256>}, {transform_indices = @transform_2, window_bounds = array<i64: 1, 128, 256>}]} {
    %get3A = arith.constant 0 : index
    %get3A_0 = arith.constant 0 : index
    %get3A_1 = arith.constant 0 : index
    %get3A_2 = arith.constant 0 : index
    %get3A_3 = arith.constant 0 : index
    %get3A_4 = vector.load %arg1[%get3A, %get3A_0, %get3A_1, %get3A_2, %get3A_3] : memref<1x1x2x128x256xf32, #tpu.memory_space<vmem>>, vector<1x1x2x128x256xf32>
    %get3A_5 = vector.shape_cast %get3A_4 : vector<1x1x2x128x256xf32> to vector<2x128x256xf32>
    %get3A_6 = arith.constant 0 : index
    %get3A_7 = arith.constant 0 : index
    %get3A_8 = arith.constant 0 : index
    %get3A_9 = arith.constant 0 : index
    %get3A_10 = arith.constant 0 : index
    %get3A_11 = vector.load %arg2[%get3A_6, %get3A_7, %get3A_8, %get3A_9, %get3A_10] : memref<1x1x2x128x256xf32, #tpu.memory_space<vmem>>, vector<1x1x2x128x256xf32>
    %get3A_12 = vector.shape_cast %get3A_11 : vector<1x1x2x128x256xf32> to vector<2x128x256xf32>
    %slice3A = vector.extract_strided_slice %get3A_5 {offsets = [0, 0, 0], sizes = [1, 128, 256], strides = [1, 1, 1]} : vector<2x128x256xf32> to vector<1x128x256xf32>
    %squeeze3A = vector.shape_cast %slice3A : vector<1x128x256xf32> to vector<128x256xf32>
    %slice3A_13 = vector.extract_strided_slice %get3A_12 {offsets = [0, 0, 0], sizes = [1, 128, 256], strides = [1, 1, 1]} : vector<2x128x256xf32> to vector<1x128x256xf32>
    %squeeze3A_14 = vector.shape_cast %slice3A_13 : vector<1x128x256xf32> to vector<128x256xf32>
    %sub3A = arith.subf %squeeze3A, %squeeze3A_14 : vector<128x256xf32>
    %slice3A_15 = vector.extract_strided_slice %get3A_5 {offsets = [1, 0, 0], sizes = [1, 128, 256], strides = [1, 1, 1]} : vector<2x128x256xf32> to vector<1x128x256xf32>
    %squeeze3A_16 = vector.shape_cast %slice3A_15 : vector<1x128x256xf32> to vector<128x256xf32>
    %slice3A_17 = vector.extract_strided_slice %get3A_12 {offsets = [1, 0, 0], sizes = [1, 128, 256], strides = [1, 1, 1]} : vector<2x128x256xf32> to vector<1x128x256xf32>
    %squeeze3A_18 = vector.shape_cast %slice3A_17 : vector<1x128x256xf32> to vector<128x256xf32>
    %sub3A_19 = arith.subf %squeeze3A_16, %squeeze3A_18 : vector<128x256xf32>
    %max3A = arith.maximumf %sub3A, %sub3A_19 : vector<128x256xf32>
    %bitcast_convert_type3A = tpu.bitcast %max3A : vector<128x256xf32> -> vector<128x256xi32>
    %ge3A = arith.constant -2147483648 : i32
    %ge3A_20 = vector.broadcast %ge3A : i32 to vector<128x256xi32>
    %ge3A_21 = arith.cmpi uge, %bitcast_convert_type3A, %ge3A_20 : vector<128x256xi32>
    %not3A = arith.constant dense<-1> : vector<128x256xi32>
    %not3A_22 = arith.xori %bitcast_convert_type3A, %not3A : vector<128x256xi32>
    %or3A = arith.constant -2147483648 : i32
    %or3A_23 = vector.broadcast %or3A : i32 to vector<128x256xi32>
    %or3A_24 = arith.ori %bitcast_convert_type3A, %or3A_23 : vector<128x256xi32>
    %select_n3A = arith.select %ge3A_21, %not3A_22, %or3A_24 : vector<128x256xi1>, vector<128x256xi32>
    %swap3A = arith.constant 0 : index
    %swap3A_25 = arith.constant 0 : index
    %swap3A_26 = arith.constant 0 : index
    %swap3A_27 = vector.load %arg3[%swap3A, %swap3A_25, %swap3A_26] : memref<1x128x256xi32, #tpu.memory_space<vmem>>, vector<1x128x256xi32>
    %swap3A_28 = vector.shape_cast %swap3A_27 : vector<1x128x256xi32> to vector<128x256xi32>
    %swap3A_29 = vector.shape_cast %select_n3A : vector<128x256xi32> to vector<1x128x256xi32>
    tpu.vector_store %arg3[%swap3A, %swap3A_25, %swap3A_26], %swap3A_29 {strides = array<i32>} : memref<1x128x256xi32, #tpu.memory_space<vmem>>, vector<1x128x256xi32>,
    return
  }
  func.func @transform_0(%arg0: i32) -> (i32, i32, i32, i32, i32) {
    %jit3A = arith.constant 4 : i32
    %div3A = arith.divsi %arg0, %jit3A : i32
    %sign3A = arith.constant 0 : i32
    %sign3A_0 = arith.cmpi sgt, %arg0, %sign3A : i32
    %sign3A_1 = arith.extui %sign3A_0 : i1 to i32
    %sign3A_2 = arith.constant 0 : i32
    %sign3A_3 = arith.cmpi slt, %arg0, %sign3A_2 : i32
    %sign3A_4 = arith.extui %sign3A_3 : i1 to i32
    %sign3A_5 = arith.subi %sign3A_1, %sign3A_4 : i32
    %sign3A_6 = arith.constant 0 : i32
    %sign3A_7 = arith.cmpi sgt, %jit3A, %sign3A_6 : i32
    %sign3A_8 = arith.extui %sign3A_7 : i1 to i32
    %sign3A_9 = arith.constant 0 : i32
    %sign3A_10 = arith.cmpi slt, %jit3A, %sign3A_9 : i32
    %sign3A_11 = arith.extui %sign3A_10 : i1 to i32
    %sign3A_12 = arith.subi %sign3A_8, %sign3A_11 : i32
    %ne3A = arith.cmpi ne, %sign3A_5, %sign3A_12 : i32
    %rem3A = arith.remsi %arg0, %jit3A : i32
    %ne3A_13 = arith.constant 0 : i32
    %ne3A_14 = arith.cmpi ne, %rem3A, %ne3A_13 : i32
    %and3A = arith.andi %ne3A, %ne3A_14 : i1
    %sub3A = arith.constant 1 : i32
    %sub3A_15 = arith.subi %div3A, %sub3A : i32
    %select_n3A = arith.select %and3A, %sub3A_15, %div3A : i32
    %jit3A_16 = arith.constant 4 : i32
    %eq3A = arith.constant 0 : i32
    %eq3A_17 = arith.cmpi eq, %jit3A_16, %eq3A : i32
    %jit3A_18 = arith.constant 1 : i32
    %select_n3A_19 = arith.select %eq3A_17, %jit3A_18, %jit3A_16 : i32
    %rem3A_20 = arith.remsi %arg0, %select_n3A_19 : i32
    %ne3A_21 = arith.constant 0 : i32
    %ne3A_22 = arith.cmpi ne, %rem3A_20, %ne3A_21 : i32
    %lt3A = arith.constant 0 : i32
    %lt3A_23 = arith.cmpi slt, %rem3A_20, %lt3A : i32
    %lt3A_24 = arith.constant 0 : i32
    %lt3A_25 = arith.cmpi slt, %select_n3A_19, %lt3A_24 : i32
    %ne3A_26 = arith.xori %lt3A_23, %lt3A_25 : i1
    %and3A_27 = arith.andi %ne3A_26, %ne3A_22 : i1
    %add3A = arith.addi %rem3A_20, %select_n3A_19 : i32
    %select_n3A_28 = arith.select %and3A_27, %add3A, %rem3A_20 : i32
    %add3A_29 = arith.constant 1 : i32
    %add3A_30 = arith.addi %select_n3A_28, %add3A_29 : i32
    %c0_i32 = arith.constant 0 : i32
    %c0_i32_31 = arith.constant 0 : i32
    %c0_i32_32 = arith.constant 0 : i32
    %c0_i32_33 = arith.constant 0 : i32
    return %select_n3A, %add3A_30, %c0_i32, %c0_i32_31, %c0_i32_32 : i32, i32, i32, i32, i32
  }
  func.func @transform_1(%arg0: i32) -> (i32, i32, i32, i32, i32) {
    %jit3A = arith.constant 4 : i32
    %div3A = arith.divsi %arg0, %jit3A : i32
    %sign3A = arith.constant 0 : i32
    %sign3A_0 = arith.cmpi sgt, %arg0, %sign3A : i32
    %sign3A_1 = arith.extui %sign3A_0 : i1 to i32
    %sign3A_2 = arith.constant 0 : i32
    %sign3A_3 = arith.cmpi slt, %arg0, %sign3A_2 : i32
    %sign3A_4 = arith.extui %sign3A_3 : i1 to i32
    %sign3A_5 = arith.subi %sign3A_1, %sign3A_4 : i32
    %sign3A_6 = arith.constant 0 : i32
    %sign3A_7 = arith.cmpi sgt, %jit3A, %sign3A_6 : i32
    %sign3A_8 = arith.extui %sign3A_7 : i1 to i32
    %sign3A_9 = arith.constant 0 : i32
    %sign3A_10 = arith.cmpi slt, %jit3A, %sign3A_9 : i32
    %sign3A_11 = arith.extui %sign3A_10 : i1 to i32
    %sign3A_12 = arith.subi %sign3A_8, %sign3A_11 : i32
    %ne3A = arith.cmpi ne, %sign3A_5, %sign3A_12 : i32
    %rem3A = arith.remsi %arg0, %jit3A : i32
    %ne3A_13 = arith.constant 0 : i32
    %ne3A_14 = arith.cmpi ne, %rem3A, %ne3A_13 : i32
    %and3A = arith.andi %ne3A, %ne3A_14 : i1
    %sub3A = arith.constant 1 : i32
    %sub3A_15 = arith.subi %div3A, %sub3A : i32
    %select_n3A = arith.select %and3A, %sub3A_15, %div3A : i32
    %c0_i32 = arith.constant 0 : i32
    %c0_i32_16 = arith.constant 0 : i32
    %c0_i32_17 = arith.constant 0 : i32
    %c0_i32_18 = arith.constant 0 : i32
    %c0_i32_19 = arith.constant 0 : i32
    return %select_n3A, %c0_i32, %c0_i32_16, %c0_i32_17, %c0_i32_18 : i32, i32, i32, i32, i32
  }
  func.func @transform_2(%arg0: i32) -> (i32, i32, i32) {
    %c0_i32 = arith.constant 0 : i32
    %c0_i32_0 = arith.constant 0 : i32
    %c0_i32_1 = arith.constant 0 : i32
    return %arg0, %c0_i32, %c0_i32_0 : i32, i32, i32
  }
}

module attributes {stable_mosaic.version = 14 : i64} {
  func.func @_apply_body(%arg0: i32, %arg1: i32, %arg2: memref<4x5xi32, #tpu.memory_space<smem>>, %arg3: memref<1x64x128x256xf32, #tpu.memory_space<vmem>>, %arg4: memref<1x128x256xf32, #tpu.memory_space<vmem>>, %arg5: memref<1x64x128x256xf32, #tpu.memory_space<vmem>>) attributes {dimension_semantics = [#tpu.dimension_semantics<arbitrary>, #tpu.dimension_semantics<arbitrary>], iteration_bounds = array<i64: 20, 2>, scalar_prefetch = 0 : i64, scratch_operands = 0 : i64, tpu.core_type = #tpu.core_type<tc>, window_params = [{transform_indices = @transform_0, window_bounds = array<i64: 4, 5>}, {transform_indices = @transform_1, window_bounds = array<i64: 1, 64, 128, 256>}, {transform_indices = @transform_2, window_bounds = array<i64: 1, 128, 256>}, {transform_indices = @transform_3, window_bounds = array<i64: 1, 64, 128, 256>}]} {
    %jit3A = arith.constant 5 : i32
    %div3A = arith.divsi %arg0, %jit3A : i32
    %sign3A = arith.constant 0 : i32
    %sign3A_0 = arith.cmpi sgt, %arg0, %sign3A : i32
    %sign3A_1 = arith.extui %sign3A_0 : i1 to i32
    %sign3A_2 = arith.constant 0 : i32
    %sign3A_3 = arith.cmpi slt, %arg0, %sign3A_2 : i32
    %sign3A_4 = arith.extui %sign3A_3 : i1 to i32
    %sign3A_5 = arith.subi %sign3A_1, %sign3A_4 : i32
    %sign3A_6 = arith.constant 0 : i32
    %sign3A_7 = arith.cmpi sgt, %jit3A, %sign3A_6 : i32
    %sign3A_8 = arith.extui %sign3A_7 : i1 to i32
    %sign3A_9 = arith.constant 0 : i32
    %sign3A_10 = arith.cmpi slt, %jit3A, %sign3A_9 : i32
    %sign3A_11 = arith.extui %sign3A_10 : i1 to i32
    %sign3A_12 = arith.subi %sign3A_8, %sign3A_11 : i32
    %ne3A = arith.cmpi ne, %sign3A_5, %sign3A_12 : i32
    %rem3A = arith.remsi %arg0, %jit3A : i32
    %ne3A_13 = arith.constant 0 : i32
    %ne3A_14 = arith.cmpi ne, %rem3A, %ne3A_13 : i32
    %and3A = arith.andi %ne3A, %ne3A_14 : i1
    %sub3A = arith.constant 1 : i32
    %sub3A_15 = arith.subi %div3A, %sub3A : i32
    %select_n3A = arith.select %and3A, %sub3A_15, %div3A : i32
    %mul3A = arith.constant 5 : i32
    %mul3A_16 = arith.muli %select_n3A, %mul3A : i32
    %sub3A_17 = arith.subi %arg0, %mul3A_16 : i32
    %get3A = arith.constant 0 : index
    %get3A_18 = arith.constant 0 : index
    %get3A_19 = arith.constant 0 : index
    %get3A_20 = arith.constant 0 : index
    %get3A_21 = vector.load %arg3[%get3A, %get3A_18, %get3A_19, %get3A_20] : memref<1x64x128x256xf32, #tpu.memory_space<vmem>>, vector<1x64x128x256xf32>
    %get3A_22 = arith.constant 0 : index
    %get3A_23 = arith.constant 0 : index
    %get3A_24 = arith.constant 0 : index
    %get3A_25 = vector.load %arg4[%get3A_22, %get3A_23, %get3A_24] : memref<1x128x256xf32, #tpu.memory_space<vmem>>, vector<1x128x256xf32>
    %get3A_26 = arith.index_cast %select_n3A : i32 to index
    %get3A_27 = arith.index_cast %sub3A_17 : i32 to index
    %get3A_28 = memref.load %arg2[%get3A_26, %get3A_27] : memref<4x5xi32, #tpu.memory_space<smem>>
    %ne3A_29 = arith.constant 0 : i32
    %ne3A_30 = arith.cmpi ne, %get3A_28, %ne3A_29 : i32
    %convert_element_type3A = arith.extui %ne3A_30 : i1 to i32
    %convert_element_type3A_31 = arith.sitofp %convert_element_type3A : i32 to f32
    %eq3A = arith.constant 0 : i32
    %eq3A_32 = arith.cmpi eq, %sub3A_17, %eq3A : i32
    %mul3A_33 = vector.broadcast %convert_element_type3A_31 : f32 to vector<1x128x256xf32>
    %mul3A_34 = arith.mulf %get3A_25, %mul3A_33 : vector<1x128x256xf32>
    %broadcast_in_dim3A = vector.shape_cast %mul3A_34 : vector<1x128x256xf32> to vector<1x1x128x256xf32>
    %mul3A_35 = vector.broadcast %broadcast_in_dim3A : vector<1x1x128x256xf32> to vector<1x64x128x256xf32>
    %mul3A_36 = arith.mulf %get3A_21, %mul3A_35 : vector<1x64x128x256xf32>
    %select_n3A_37 = arith.select %eq3A_32, %get3A_21, %mul3A_36 : vector<1x64x128x256xf32>
    %swap3A = arith.constant 0 : index
    %swap3A_38 = arith.constant 0 : index
    %swap3A_39 = arith.constant 0 : index
    %swap3A_40 = arith.constant 0 : index
    %swap3A_41 = vector.load %arg5[%swap3A, %swap3A_38, %swap3A_39, %swap3A_40] : memref<1x64x128x256xf32, #tpu.memory_space<vmem>>, vector<1x64x128x256xf32>
    tpu.vector_store %arg5[%swap3A, %swap3A_38, %swap3A_39, %swap3A_40], %select_n3A_37 {strides = array<i32>} : memref<1x64x128x256xf32, #tpu.memory_space<vmem>>, vector<1x64x128x256xf32>,
    return
  }
  func.func @transform_0(%arg0: i32, %arg1: i32) -> (i32, i32) {
    %c0_i32 = arith.constant 0 : i32
    %c0_i32_0 = arith.constant 0 : i32
    %c0_i32_1 = arith.constant 0 : i32
    return %c0_i32, %c0_i32_0 : i32, i32
  }
  func.func @transform_1(%arg0: i32, %arg1: i32) -> (i32, i32, i32, i32) {
    %c0_i32 = arith.constant 0 : i32
    %c0_i32_0 = arith.constant 0 : i32
    %c0_i32_1 = arith.constant 0 : i32
    return %arg0, %arg1, %c0_i32, %c0_i32_0 : i32, i32, i32, i32
  }
  func.func @transform_2(%arg0: i32, %arg1: i32) -> (i32, i32, i32) {
    %jit3A = arith.constant 5 : i32
    %div3A = arith.divsi %arg0, %jit3A : i32
    %sign3A = arith.constant 0 : i32
    %sign3A_0 = arith.cmpi sgt, %arg0, %sign3A : i32
    %sign3A_1 = arith.extui %sign3A_0 : i1 to i32
    %sign3A_2 = arith.constant 0 : i32
    %sign3A_3 = arith.cmpi slt, %arg0, %sign3A_2 : i32
    %sign3A_4 = arith.extui %sign3A_3 : i1 to i32
    %sign3A_5 = arith.subi %sign3A_1, %sign3A_4 : i32
    %sign3A_6 = arith.constant 0 : i32
    %sign3A_7 = arith.cmpi sgt, %jit3A, %sign3A_6 : i32
    %sign3A_8 = arith.extui %sign3A_7 : i1 to i32
    %sign3A_9 = arith.constant 0 : i32
    %sign3A_10 = arith.cmpi slt, %jit3A, %sign3A_9 : i32
    %sign3A_11 = arith.extui %sign3A_10 : i1 to i32
    %sign3A_12 = arith.subi %sign3A_8, %sign3A_11 : i32
    %ne3A = arith.cmpi ne, %sign3A_5, %sign3A_12 : i32
    %rem3A = arith.remsi %arg0, %jit3A : i32
    %ne3A_13 = arith.constant 0 : i32
    %ne3A_14 = arith.cmpi ne, %rem3A, %ne3A_13 : i32
    %and3A = arith.andi %ne3A, %ne3A_14 : i1
    %sub3A = arith.constant 1 : i32
    %sub3A_15 = arith.subi %div3A, %sub3A : i32
    %select_n3A = arith.select %and3A, %sub3A_15, %div3A : i32
    %sub3A_16 = arith.subi %arg0, %select_n3A : i32
    %sub3A_17 = arith.constant 1 : i32
    %sub3A_18 = arith.subi %sub3A_16, %sub3A_17 : i32
    %jit3A_19 = arith.constant 0 : i32
    %jit3A_20 = arith.constant 15 : i32
    %max3A = arith.maxsi %jit3A_19, %sub3A_18 : i32
    %min3A = arith.minsi %jit3A_20, %max3A : i32
    %c0_i32 = arith.constant 0 : i32
    %c0_i32_21 = arith.constant 0 : i32
    %c0_i32_22 = arith.constant 0 : i32
    return %min3A, %c0_i32, %c0_i32_21 : i32, i32, i32
  }
  func.func @transform_3(%arg0: i32, %arg1: i32) -> (i32, i32, i32, i32) {
    %c0_i32 = arith.constant 0 : i32
    %c0_i32_0 = arith.constant 0 : i32
    %c0_i32_1 = arith.constant 0 : i32
    return %arg0, %arg1, %c0_i32, %c0_i32_0 : i32, i32, i32, i32
  }
}

</mosaic_0001>

<sc_bundles>
// kernel: kernel.5.cloned.1.call-start
scs
__scs_entry_jumppad:
0x0: {  	(pc) =	sbr.rel $0x88, $3  }
0x1: {  	(tag) =	ssettag $0x0;
	lr =	simm.s32 $0x1  }
0x2: {  	[smem:$0x3F9E] =	sst lr;
	_ =	strace $0xD0000000  }
0x3: {  	_ = 	snop  }
0x4: {  	_ = 	snop  }
0x5: {  	_ = 	snop  }
0x6: {  	_ = 	snop  }
0x7: {  	_ = 	snop  }
__scs_overlays_trampoline_lowered:
0x8: {  	[smem:$0x3FAD] =	sst s0  }
0x9: {  	[smem:$0x3FAE] =	sst s1  }
0xa: {  	[smem:$0x3FAF] =	sst s2  }
0xb: {  	[smem:$0x3FB0] =	sst s3  }
0xc: {  	[smem:$0x3FB1] =	sst s4  }
0xd: {  	[smem:$0x3FB2] =	sst s5  }
0xe: {  	[smem:$0x3FB3] =	sst s6  }
0xf: {  	[smem:$0x3FB4] =	sst s7  }
0x10: {  	[smem:$0x3FB5] =	sst s8  }
0x11: {  	[smem:$0x3FB6] =	sst s9;
	s0 =	simm.s32 @!p0 $0x0  }
0x12: {  	s1 =	sld [smem:$0x3F9C];
	s0 =	simm.s32 @p0 $0x1  }
0x13: {  	[smem:$0x3FB7] =	sst s0;
	s0 =	simm.s32 @!p1 $0x0  }
0x14: {  	s2 =	sld [smem:$0x3F9B];
	s0 =	simm.s32 @p1 $0x1  }
0x15: {  	[smem:$0x3FB8] =	sst s0;
	s0 =	simm.s32 @!p2 $0x0  }
0x16: {  	s3 =	sld [smem:$0x3FDB];
	s0 =	simm.s32 @p2 $0x1  }
0x17: {  	s4 =	simm.s32 $0x1BF5;
	[smem:$0x3FBA] =	sst s0  }
0x18: {  	s0 =	sld [smem:$0x3F9D];
	_ =	swait.ge [sflag:s4], $0x0  }
0x19: {  	s7 =	sld [smem:$0x3F9E]  }
0x1a: {  	s8 =	sadd.s32 $0xFFFFE003, lr  }
0x1b: {  	s9 =	sadd.s32 $0xFFFFFEF7, lr;
	s5 =	simm.s32 $0xFFFFFFFF;
	p2 =	slt.u32 s8, $0xFFFFF086  }
0x1c: {  	p1 =	slt.u32 s9, $0xF7A;
	s5 =	simm.s32 @!p2 $0x0  }
0x1d: {  	s5 =	simm.s32 @p1 $0x1;
	p0 =	seq.s32 s7, s2  }
0x1e: {  	s7 =	smul.u32 @!p0 $0xF7A, s2;
	p2 =	seq.s32 @!p0 s5, $0x0  }
0x1f: {  	s9 =	smul.u32 $0xF7A, s1;
	s8 =	simm.s32 @!p0 $0x1BF5;
	p2 =	por !p2, p0  }
0x20: {  	[sflag:s8] =	ssyncset.s32 @!p0 $0xFFFFF086;
	s6 =	sadd.s32 @!p0 s3, s7;
	s7 =	simm.s32 @!p0 $0x108  }
0x21: {  	s3 =	sadd.s32 s3, s9;
	s6 =	sadd.s32 @!p0 $0x88, s6;
	s7 =	simm.s32 @p2 $0x1082  }
0x22: {  	[simem:s7], [sflag:s8] =	dma.local @!p0 [hbm:s6], $0xF7A  }
0x23: {  	s9 =	sor.u32 $0xD0000000, s2;
	s6 =	simm.s32 $0x108;
	_ =	swait.ge @!p0 [sflag:s8], $0x0  }
0x24: {  	s3 =	sadd.s32 $0x88, s3;
	s6 =	simm.s32 @!p1 $0x1082;
	[sflag:s4] =	ssyncset.s32 $0xFFFFF086  }
0x25: {  	[simem:s6], [sflag:s4] =	dma.local [hbm:s3], $0xF7A  }
0x26: {  	[smem:$0x3F9E] =	sst s1;
	(tag) =	ssettag s2;
	_ =	strace s9  }
0x27: {  	s1 =	sld [smem:$0x3FAE]  }
0x28: {  	s2 =	sld [smem:$0x3FAF]  }
0x29: {  	s4 =	sld [smem:$0x3FB1]  }
0x2a: {  	p0 =	seq.s32 s5, $0x0;
	s5 =	sld [smem:$0x3FB2]  }
0x2b: {  	s6 =	sld [smem:$0x3FB3]  }
0x2c: {  	s7 =	sld [smem:$0x3FB4]  }
0x2d: {  	s3 =	simm.s32 $0x108;
	s8 =	sld [smem:$0x3FB5]  }
0x2e: {  	s3 =	simm.s32 @!p0 $0x1082;
	s9 =	sld [smem:$0x3FB6]  }
0x2f: {  	lr =	sadd.s32 s0, s3;
	s0 =	sld [smem:$0x3FAD]  }
0x30: {  	s3 =	sld [smem:$0x3FB0]  }
0x31: {  	[smem:$0x3FB9] =	sst s10  }
0x32: {  	s10 =	sld [smem:$0x3FB7];
	_ =	sdelay $0x3  }
0x33: {  	p0 =	seq.s32 s10, $0x1;
	s10 =	sld [smem:$0x3FB9];
	_ =	sdelay $0x3  }
0x34: {  	[smem:$0x3FB9] =	sst s10  }
0x35: {  	s10 =	sld [smem:$0x3FB8];
	_ =	sdelay $0x3  }
0x36: {  	p1 =	seq.s32 s10, $0x1;
	s10 =	sld [smem:$0x3FB9];
	_ =	sdelay $0x3  }
0x37: {  	[smem:$0x3FB9] =	sst s10  }
0x38: {  	s10 =	sld [smem:$0x3FBA]  }
0x39: {  	_ = 	snop;
	(pc) =	sbr.ind lr, $3  }
0x3a: {  	_ = 	snop  }
0x3b: {  	_ = 	snop  }
0x3c: {  	p2 =	seq.s32 s10, $0x1;
	s10 =	sld [smem:$0x3FB9]  }
0x3d: {  	_ =	shalt  }
0x3e: {  	_ =	shalt  }
0x3f: {  	_ =	shalt  }
0x40: {  	_ =	shalt  }
0x41: {  	_ =	shalt  }
0x42: {  	_ =	shalt  }
0x43: {  	_ =	shalt  }
0x44: {  	_ =	shalt  }
0x45: {  	_ =	shalt  }
0x46: {  	_ =	shalt  }
0x47: {  	_ =	shalt  }
0x48: {  	_ =	shalt  }
0x49: {  	_ =	shalt  }
0x4a: {  	_ =	shalt  }
0x4b: {  	_ =	shalt  }
0x4c: {  	_ =	shalt  }
0x4d: {  	_ =	shalt  }
0x4e: {  	_ =	shalt  }
0x4f: {  	_ =	shalt  }
0x50: {  	_ =	shalt  }
0x51: {  	_ =	shalt  }
0x52: {  	_ =	shalt  }
0x53: {  	_ =	shalt  }
0x54: {  	_ =	shalt  }
0x55: {  	_ =	shalt  }
0x56: {  	_ =	shalt  }
0x57: {  	_ =	shalt  }
0x58: {  	_ =	shalt  }
0x59: {  	_ =	shalt  }
0x5a: {  	_ =	shalt  }
0x5b: {  	_ =	shalt  }
0x5c: {  	_ =	shalt  }
0x5d: {  	_ =	shalt  }
0x5e: {  	_ =	shalt  }
0x5f: {  	_ =	shalt  }
0x60: {  	_ =	shalt  }
0x61: {  	_ =	shalt  }
0x62: {  	_ =	shalt  }
0x63: {  	_ =	shalt  }
0x64: {  	_ =	shalt  }
0x65: {  	_ =	shalt  }
0x66: {  	_ =	shalt  }
0x67: {  	_ =	shalt  }
0x68: {  	_ =	shalt  }
0x69: {  	_ =	shalt  }
0x6a: {  	_ =	shalt  }
0x6b: {  	_ =	shalt  }
0x6c: {  	_ =	shalt  }
0x6d: {  	_ =	shalt  }
0x6e: {  	_ =	shalt  }
0x6f: {  	_ =	shalt  }
0x70: {  	_ =	shalt  }
0x71: {  	_ =	shalt  }
0x72: {  	_ =	shalt  }
0x73: {  	_ =	shalt  }
0x74: {  	_ =	shalt  }
0x75: {  	_ =	shalt  }
0x76: {  	_ =	shalt  }
0x77: {  	_ =	shalt  }
0x78: {  	_ =	shalt  }
0x79: {  	_ =	shalt  }
0x7a: {  	_ =	shalt  }
0x7b: {  	_ =	shalt  }
0x7c: {  	_ =	shalt  }
0x7d: {  	_ =	shalt  }
0x7e: {  	_ =	shalt  }
0x7f: {  	_ =	shalt  }
0x80: {  	_ =	shalt  }
0x81: {  	_ =	shalt  }
0x82: {  	_ =	shalt  }
0x83: {  	_ =	shalt  }
0x84: {  	_ =	shalt  }
0x85: {  	_ =	shalt  }
0x86: {  	_ =	shalt  }
0x87: {  	_ =	shalt  }
.Lfunc_end0:
.L_simem_size_0:
called_computation_lowered:
.L_overlay_start_0:
0x88: {  	s2 =	sld [smem:$0x3FD9]  }
0x89: {  	s3 =	sld [smem:$0x3FFE];
	_ =	sdelay $0x1  }
0x8a: {  	s1 =	srdreg.scid  }
0x8b: {  	s0 =	sand.u32 $0x1, s1  }
0x8c: {  	s17 =	sshll.u32 s0, $0xA;
	s2 =	sadd.s32 s3, s2  }
0x8d: {  	s2 =	sadd.s32 s2, s17  }
0x8e: {  	[smem:$0x3FC5] =	sst s2  }
0x8f: {  	_ = 	snop  }
0x90: {  	s2 =	sld [smem:$0x3FD0];
	(tm) =	ssettm $0x1  }
0x91: {  	s18 =	sld [smem:$0x3FFB];
	_ =	sdelay $0x3  }
0x92: {  	_ =	strace s18  }
0x93: {  	s3 =	sld [smem:$0x3FFC];
	_ =	sdelay $0x3  }
0x94: {  	_ =	strace s3  }
0x95: {  	s3 =	sld [smem:$0x3FFD];
	_ =	sdelay $0x3  }
0x96: {  	_ =	strace s3  }
0x97: {  	_ =	strace $0x8FFFFFFF  }
0x98: {  	s19 =	sld [smem:$0x3FDB];
	_ =	sdelay $0x1  }
0x99: {  	s4 =	simm.s32 $_scs_section_size  }
0x9a: {  	s5 =	simm.s32 $_size__tile_overlayer_lowered;
	s6 =	simm.s32 $_tile_overlayer_lowered  }
0x9b: {  	s22 =	simm.s32 $0x1BFF;
	s21 =	sshll.u32 s6, $0x1;
	s3 =	sadd.s32 s4, s19  }
0x9c: {  	s7 =	simm.s32 $0x0;
	s20 =	sshll.u32 s5, $0x1;
	s5 =	sadd.s32 s21, s3  }
0x9d: {  	[timem:s7], [sflag:s22] =	dma.local [hbm:s5], s20  }
0x9e: {  	_ =	swait.ge [sflag:s22], s20  }
0x9f: {  	s4 =	ssub.s32 $0x0, s20;
	[sflag:s22] =	ssyncset.done $0x0  }
0xa0: {  	[sflag:s22] =	ssyncadd.s32 s4;
	_ =	sdelay $0x1  }
0xa1: {  	s23 =	simm.s32 $0x1B8B  }
0xa2: {  	_ =	swait.ge [sflag:s23], $0x1  }
0xa3: {  	[sflag:s23] =	ssyncset.done $0x0  }
0xa4: {  	s25 =	simm.s32 $0x1B8E;
	s24 =	sld [smem:$0x3FFE];
	[sflag:s23] =	ssyncadd.s32 $0xFFFFFFFF  }
0xa5: {  	s26 =	simm.s32 $execute0_lowered;
	[smem:$0x3FD2] =	sst s25  }
0xa6: {  	s5 =	sshll.u32 s26, $0x1;
	_ =	strace $0x80000046;
	[dreg:$0x1] =	wrdreg $0xFFFFFFFF  }
0xa7: {  	s28 =	simm.s32 $_size_execute0_lowered;
	s3 =	sadd.s32 s3, s5;
	[dreg:$0x0] =	wrdreg $0x0  }
0xa8: {  	s5 =	sshll.u32 s28, $0x1;
	[dreg:$0x2] =	wrdreg s3  }
0xa9: {  	[dreg:$0x3] =	wrdreg s5  }
0xaa: {  	[dreg:$0x4] =	wrdreg $0xC0  }
0xab: {  	_ =	task [dreg:s7], $0x5FFFF  }
0xac: {  	[dreg:$0x1] =	wrdreg $0xFFFFFFFF  }
0xad: {  	[dreg:$0x0] =	wrdreg $0x60  }
0xae: {  	[dreg:$0x2] =	wrdreg s2  }
0xaf: {  	[dreg:$0x3] =	wrdreg s24  }
0xb0: {  	[dreg:$0x4] =	wrdreg $0x132000  }
0xb1: {  	[dreg:$0x5] =	wrdreg $0xE1800  }
0xb2: {  	[dreg:$0x6] =	wrdreg $0xF1800  }
0xb3: {  	[dreg:$0x7] =	wrdreg $0x9  }
0xb4: {  	_ =	task.clear_ibuf [dreg:s7], $0x8FFFF;
	_ =	strace $0x90000046  }
0xb5: {  	s29 =	simm.s32 $0x9;
	_ =	strace $0x80000048  }
0xb6: {  	_ =	swait.ge [sflag:s29], $0x1  }
0xb7: {  	[sflag:s29] =	ssyncadd.s32 $0xFFFFFFFF  }
0xb8: {  	_ =	strace $0x90000048  }
0xb9: {  	_ =	sfence  }
0xba: {  	s30 =	sld [smem:$0x0];
	_ =	sdelay $0x2  }
0xbb: {  	s31 =	sshll.u32 s1, $0xD;
	s1 =	sshrl.u32 s1, $0x2  }
0xbc: {  	s3 =	sand.u32 $0x4000, s31;
	s1 =	sadd.s32 s1, s30  }
0xbd: {  	s0 =	sor.u32 s3, s0;
	s1 =	sshll.u32 s1, $0x11  }
0xbe: {  	s0 =	sor.u32 s1, s0  }
0xbf: {  	s0 =	sadd.s32 $0x8F2B, s0  }
0xc0: {  	[sflag:s0] =	ssyncadd.remote.s32 $0x1  }
0xc1: {  	_ =	sfence.sel $0xFFFF  }
0xc2: {  	[dreg:$0x0] =	wrdreg $0xFFFFFFFF;
	(pc) =	sbr.abs _section_cstart, $3  }
0xc3: {  	[dreg:$0x1] =	wrdreg $0xFFFFFFFF  }
0xc4: {  	_ =	task.clear_ibuf [dreg:s7], $0x2FFFF;
	_ =	strace $0x9FFFFFFF  }
0xc5: {  	(tm) =	ssettm $0x7FFFFFFF  }
tec
execute0_lowered:
.L_overlay_start_1:
0x0: {  	(tag) =	ssettag $0x1  }
0x1: {  	s0 =	rddreg [dreg:$0x0]  }
0x2: {  	s3 =	rddreg [dreg:$0x1]  }
0x3: {  	s8 =	rddreg [dreg:$0x2]  }
0x4: {  	s4 =	rddreg [dreg:$0x3]  }
0x5: {  	s7 =	rddreg [dreg:$0x4];
	s2 =	simm.s32 $0x0  }
0x6: {  	s5 =	srdreg.scid;
	s1 =	stileid.u32;
	s16 =	simm.s32 $0x5000  }
0x7: {  	s17 =	simm.s32 $0x6000;
	s18 =	simm.s32 $0xE100;
	s19 =	simm.s32 $0xA080  }
0x8: {  	s20 =	simm.s32 $0x80000;
	[smem:$0x7FF] =	sst s2;
	s5 =	sand.u32 $0x1, s5  }
0x9: {  	s6 =	sand.u32 $0x1, s1;
	s11 =	sshll.u32 s1, $0x3;
	s25 =	sshrl.u32 s1, $0x3  }
0xa: {  	s26 =	sshll.u32 s1, $0x7;
	_ =	strace $0x80000047;
	s9 =	sshll.u32 s5, $0xF  }
0xb: {  	s10 =	sshll.u32 s6, $0xE;
	s21 =	sand.u32 $0x70, s11;
	s5 =	ssub.s32 $0x2, s5  }
0xc: {  	s6 =	sshll.u32 s6, $0x1;
	s28 =	sshll.u32 s25, $0xF;
	s13 =	sand.u32 $0x380, s26  }
0xd: {  	s9 =	sor.u32 s9, s10;
	s22 =	sshrl.u32 s5, $0x1;
	s24 =	ssub.s32 s1, s6  }
0xe: {  	s9 =	sor.u32 s21, s9;
	s12 =	ssub.s32 s5, s22;
	s6 =	sadd.s32 $0x1, s24  }
0xf: {  	s5 =	sadd.s32 s28, s4;
	s21 =	simm.s32 $0x0;
	s23 =	sadd.s32 s9, s3  }
0x10: {  	s3 =	sadd.s32 s0, s9;
	s29 =	sshrl.u32 s6, $0x3;
	s15 =	sshll.u32 s6, $0x7  }
0x11: {  	s0 =	smul.u32 $0x81000, s25;
	s30 =	sshll.u32 s6, $0x9;
	s11 =	smax.u32 s12, $0x1  }
0x12: {  	s12 =	simm.s32 $0x80;
	s14 =	sshll.u32 s29, $0x11;
	s15 =	sand.u32 $0x380, s15  }
0x13: {  	s10 =	smul.u32 $0x81000, s29;
	s31 =	sshra.s32 s30, $0x2;
	s14 =	sshra.s32 s14, $0x2  }
0x14: {  	s0 =	sshrl.u32 s0, $0x2;
	s14 =	sadd.s32 s14, s4;
	s4 =	sadd.s32 s13, s5  }
0x15: {  	v0 =	vlaneseq.u32;
	s0 =	sadd.s32 s0, s7;
	s10 =	sshra.s32 s10, $0x2;
	s5 =	sadd.s32 s15, s14  }
0x16: {  	v3 =	vmul.u32 $0xFFFFFFFF, v0;
	s6 =	sadd.s32 s13, s0;
	s10 =	sadd.s32 s10, s7;
	s7 =	sadd.s32 s26, s8  }
0x17: {  	v1 =	vimm.s32 $0x0;
	v2 =	vimm.s32 $0x1;
	s8 =	sadd.s32 s31, s8;
	s13 =	simm.s32 $0x400;
	s14 =	simm.s32 $0x1  }
0x18: {  	v5 =	vimm.s32 $0x3F800000;
	v4 =	vor.u32 $0x80000000, v0;
	v3 =	vadd.s32 $0xF, v3;
	s9 =	sadd.s32 s15, s10;
	s10 =	sadd.s32 $0x800, s23;
	s15 =	simm.s32 $0x4000  }
.LBB2_1:
0x19: {  	s0 =	simm.s32 $0x40;
	s22 =	simm.s32 $0x0  }
.LBB2_2:
0x1a: {  	p0 =	sne.s32 s0, $0x3FC0;
	[tilespmem:s22+$0x4000] =	vst v1;
	s22 =	smov.u32 s0;
	s0 =	sadd.s32 $0x40, s0  }
.Ltmp0:
0x1b: {  	(pc) =	sbr.rel @p0 .LBB2_2-.Ltmp0, $2  }
0x1c: {  	_ =	sdelay $0x2  }
0x1d: {  	s22 =	sshra.s32 s22, $0x2  }
0x1e: {  	[tilespmem:s22+$0x4000] =	vst v1;
	s0 =	simm.s32 $0x0  }
0x1f: {  	[tilespmem:s0], [sflag:$0x1] =	stream.strided.gather [hbm4b:s3+s12], $0x4000, s13, s12, $0x38;
	[tilespmem:$0x13280] =	vst v63  }
0x20: {  	_ =	swait.ge [sflag:s14], $0x4000  }
0x21: {  	[sflag:s14] =	ssyncset.done $0x0  }
0x22: {  	[sflag:s14] =	ssyncadd.s32 $0xFFFFC000  }
.LBB2_4:
0x23: {  	s22 =	sshra.s32 s0, $0x2  }
0x24: {  	v6 =	vld [tilespmem:s22+$0x0];
	_ =	sdelay $0x4  }
0x25: {  	v6 =	vshrl.u32 v6, $0x14;
	_ =	sdelay $0x4  }
0x26: {  	[tilespmem:v6+s15+$0x0] =	vst.idx.add.s32.msk $0xffff, v2  }
0x27: {  	v6 =	vld [tilespmem:s22+$0x10];
	_ =	sdelay $0x4  }
0x28: {  	v6 =	vshrl.u32 v6, $0x14;
	_ =	sdelay $0x4  }
0x29: {  	[tilespmem:v6+s15+$0x0] =	vst.idx.add.s32.msk $0xffff, v2  }
0x2a: {  	v6 =	vld [tilespmem:s22+$0x20];
	_ =	sdelay $0x4  }
0x2b: {  	v6 =	vshrl.u32 v6, $0x14;
	_ =	sdelay $0x4  }
0x2c: {  	[tilespmem:v6+s15+$0x0] =	vst.idx.add.s32.msk $0xffff, v2  }
0x2d: {  	v6 =	vld [tilespmem:s22+$0x30];
	_ =	sdelay $0x4  }
0x2e: {  	v6 =	vshrl.u32 v6, $0x14;
	_ =	sdelay $0x4  }
0x2f: {  	[tilespmem:v6+s15+$0x0] =	vst.idx.add.s32.msk $0xffff, v2  }
0x30: {  	v6 =	vld [tilespmem:s22+$0x40];
	_ =	sdelay $0x4  }
0x31: {  	v6 =	vshrl.u32 v6, $0x14;
	_ =	sdelay $0x4  }
0x32: {  	[tilespmem:v6+s15+$0x0] =	vst.idx.add.s32.msk $0xffff, v2  }
0x33: {  	v6 =	vld [tilespmem:s22+$0x50];
	_ =	sdelay $0x4  }
0x34: {  	v6 =	vshrl.u32 v6, $0x14;
	_ =	sdelay $0x4  }
0x35: {  	[tilespmem:v6+s15+$0x0] =	vst.idx.add.s32.msk $0xffff, v2  }
0x36: {  	v6 =	vld [tilespmem:s22+$0x60];
	_ =	sdelay $0x4  }
0x37: {  	v6 =	vshrl.u32 v6, $0x14;
	_ =	sdelay $0x4  }
0x38: {  	[tilespmem:v6+s15+$0x0] =	vst.idx.add.s32.msk $0xffff, v2  }
0x39: {  	v6 =	vld [tilespmem:s22+$0x70];
	_ =	sdelay $0x4  }
0x3a: {  	v6 =	vshrl.u32 v6, $0x14;
	_ =	sdelay $0x4  }
0x3b: {  	[tilespmem:v6+s15+$0x0] =	vst.idx.add.s32.msk $0xffff, v2  }
0x3c: {  	v6 =	vld [tilespmem:s22+$0x80];
	_ =	sdelay $0x4  }
0x3d: {  	v6 =	vshrl.u32 v6, $0x14;
	_ =	sdelay $0x4  }
0x3e: {  	[tilespmem:v6+s15+$0x0] =	vst.idx.add.s32.msk $0xffff, v2  }
0x3f: {  	v6 =	vld [tilespmem:s22+$0x90];
	_ =	sdelay $0x4  }
0x40: {  	v6 =	vshrl.u32 v6, $0x14;
	_ =	sdelay $0x4  }
0x41: {  	[tilespmem:v6+s15+$0x0] =	vst.idx.add.s32.msk $0xffff, v2  }
0x42: {  	v6 =	vld [tilespmem:s22+$0xA0];
	_ =	sdelay $0x4  }
0x43: {  	v6 =	vshrl.u32 v6, $0x14;
	_ =	sdelay $0x4  }
0x44: {  	[tilespmem:v6+s15+$0x0] =	vst.idx.add.s32.msk $0xffff, v2  }
0x45: {  	v6 =	vld [tilespmem:s22+$0xB0];
	_ =	sdelay $0x4  }
0x46: {  	v6 =	vshrl.u32 v6, $0x14;
	_ =	sdelay $0x4  }
0x47: {  	[tilespmem:v6+s15+$0x0] =	vst.idx.add.s32.msk $0xffff, v2  }
0x48: {  	v6 =	vld [tilespmem:s22+$0xC0];
	_ =	sdelay $0x4  }
0x49: {  	v6 =	vshrl.u32 v6, $0x14;
	_ =	sdelay $0x4  }
0x4a: {  	[tilespmem:v6+s15+$0x0] =	vst.idx.add.s32.msk $0xffff, v2  }
0x4b: {  	v6 =	vld [tilespmem:s22+$0xD0];
	_ =	sdelay $0x4  }
0x4c: {  	v6 =	vshrl.u32 v6, $0x14;
	_ =	sdelay $0x4  }
0x4d: {  	[tilespmem:v6+s15+$0x0] =	vst.idx.add.s32.msk $0xffff, v2  }
0x4e: {  	v6 =	vld [tilespmem:s22+$0xE0];
	_ =	sdelay $0x4  }
0x4f: {  	v6 =	vshrl.u32 v6, $0x14;
	_ =	sdelay $0x4  }
0x50: {  	[tilespmem:v6+s15+$0x0] =	vst.idx.add.s32.msk $0xffff, v2  }
0x51: {  	v6 =	vld [tilespmem:s22+$0xF0];
	_ =	sdelay $0x4  }
0x52: {  	p0 =	sne.s32 s0, $0xFC00;
	v6 =	vshrl.u32 v6, $0x14  }
.Ltmp1:
0x53: {  	_ = 	snop;
	(pc) =	sbr.rel @p0 .LBB2_4-.Ltmp1, $2  }
0x54: {  	_ =	sdelay $0x2  }
0x55: {  	s0 =	sadd.s32 $0x400, s0;
	[tilespmem:v6+s15+$0x0] =	vst.idx.add.s32.msk $0xffff, v2  }
0x56: {  	[spmem:s4] =	stream.strided.scatter [tilespmem:s15], [sflag:$0x1], $0x1000, s13, s12, $0x38;
	[tilespmem:$0x13280] =	vst v63  }
0x57: {  	_ =	swait.ge [sflag:s14], $0x1000  }
0x58: {  	[sflag:s14] =	ssyncset.done $0x0  }
0x59: {  	[sflag:s14] =	ssyncadd.s32 $0xFFFFF000  }
0x5a: {  	p0 =	por $0x0, $0x0;
	[bflag:$0x0] =	sbarrier.arrive $0xFFFF  }
0x5b: {  	[tilespmem:s16], [sflag:$0x1] =	stream.strided.gather [spmem:s5], $0x1000, s13, s12, $0x38;
	[tilespmem:$0x13280] =	vst v63  }
.Ltmp2:
0x5c: {  	_ = 	snop;
	(pc) =	sbr.rel @p0 .LBB2_7-.Ltmp2, $4  }
0x5d: {  	_ =	swait.ge [sflag:s14], $0x1000  }
0x5e: {  	[sflag:s14] =	ssyncset.done $0x0  }
0x5f: {  	s0 =	simm.s32 $0x0;
	[sflag:s14] =	ssyncadd.s32 $0xFFFFF000  }
0x60: {  	s22 =	simm.s32 $0x0;
	s23 =	simm.s32 $0x40;
	v6 =	vld [tilespmem:s0+$0x5000]  }
.LBB2_6:
0x61: {  	p0 =	seq.s32 s23, $0x3FC0;
	v7 =	vld [tilespmem:s0+$0x4000];
	_ =	sdelay $0x1  }
.Ltmp3:
0x62: {  	(pc) =	sbr.rel @!p0 .LBB2_6-.Ltmp3, $3  }
0x63: {  	_ =	sdelay $0x1  }
0x64: {  	s24 =	sshra.s32 s23, $0x2;
	v7 =	vadd.s32 v7, v6  }
0x65: {  	s23 =	sadd.s32 $0x40, s23;
	v6 =	vld [tilespmem:s24+$0x5000];
	[tilespmem:s0+$0x4000] =	vst v7;
	s0 =	smov.u32 s24  }
.LBB2_7:
0x66: {  	v7 =	vld [tilespmem:s0+$0x4000];
	_ =	sdelay $0x4  }
0x67: {  	v6 =	vadd.s32 v7, v6  }
0x68: {  	s25 =	simm.s32 $0x4FF0;
	[tilespmem:s0+$0x4000] =	vst v6  }
0x69: {  	v6 =	vld [tilespmem:s25+$0xFFFFFF10]  }
0x6a: {  	v7 =	vld [tilespmem:s25+$0xFFFFFF20]  }
0x6b: {  	v8 =	vld [tilespmem:s25+$0xFFFFFF30]  }
0x6c: {  	v9 =	vld [tilespmem:s25+$0xFFFFFF40]  }
0x6d: {  	v10 =	vld [tilespmem:s25+$0xFFFFFF50]  }
0x6e: {  	v11 =	vld [tilespmem:s25+$0xFFFFFF60]  }
0x6f: {  	v12 =	vld [tilespmem:s25+$0xFFFFFF70]  }
0x70: {  	v13 =	vld [tilespmem:s25+$0xFFFFFF80]  }
0x71: {  	v53 =	vld [tilespmem:s25+$0xFFFFFFE0]  }
0x72: {  	s26 =	simm.s32 $0x4EF0;
	v54 =	vld [tilespmem:s25+$0xFFFFFFF0];
	v6 =	vadd.s32 v6, v7  }
0x73: {  	v55 =	vld [tilespmem:s26+$0xFFFFFF50];
	v6 =	vadd.s32 v8, v6  }
0x74: {  	v7 =	vld [tilespmem:s25+$0xFFFFFF90];
	v6 =	vadd.s32 v9, v6  }
0x75: {  	v8 =	vld [tilespmem:s25+$0xFFFFFFA0];
	v6 =	vadd.s32 v10, v6  }
0x76: {  	v9 =	vld [tilespmem:s25+$0xFFFFFFB0];
	v6 =	vadd.s32 v11, v6  }
0x77: {  	v10 =	vld [tilespmem:s25+$0xFFFFFFC0];
	v6 =	vadd.s32 v12, v6  }
0x78: {  	v11 =	vld [tilespmem:s25+$0xFFFFFFD0];
	v6 =	vadd.s32 v13, v6  }
0x79: {  	v56 =	vld [tilespmem:s26+$0xFFFFFF60];
	v6 =	vadd.s32 v7, v6  }
0x7a: {  	v7 =	vld [tilespmem:s25+$0x0];
	v6 =	vadd.s32 v8, v6  }
0x7b: {  	v8 =	vld [tilespmem:s26+$0xFFFFFF10];
	v6 =	vadd.s32 v9, v6  }
0x7c: {  	v9 =	vld [tilespmem:s26+$0xFFFFFF20];
	v6 =	vadd.s32 v10, v6  }
0x7d: {  	v10 =	vld [tilespmem:s26+$0xFFFFFF30];
	v6 =	vadd.s32 v11, v6  }
0x7e: {  	v11 =	vld [tilespmem:s26+$0xFFFFFF40];
	v6 =	vadd.s32 v53, v6  }
0x7f: {  	v14 =	vld [tilespmem:s26+$0xFFFFFF90];
	v6 =	vadd.s32 v54, v6  }
0x80: {  	v15 =	vld [tilespmem:s26+$0xFFFFFFA0];
	v6 =	vadd.s32 v7, v6  }
0x81: {  	v7 =	vld [tilespmem:s26+$0xFFFFFF70];
	v8 =	vadd.s32 v8, v9;
	(xrf0) =	vadd.scan.msk.s32 $0xffff, v6  }
0x82: {  	v6 =	vld [tilespmem:s26+$0xFFFFFF80];
	v8 =	vadd.s32 v10, v8  }
0x83: {  	v16 =	vld [tilespmem:s26+$0xFFFFFFB0];
	v8 =	vadd.s32 v11, v8  }
0x84: {  	v17 =	vld [tilespmem:s26+$0xFFFFFFE0];
	v8 =	vadd.s32 v55, v8  }
0x85: {  	v57 =	vld [tilespmem:s26+$0x0];
	v8 =	vadd.s32 v56, v8  }
0x86: {  	v9 =	vld [tilespmem:s26+$0xFFFFFFC0];
	v7 =	vadd.s32 v7, v8  }
0x87: {  	s1 =	simm.s32 $0x4DF0;
	v10 =	vld [tilespmem:s26+$0xFFFFFFD0];
	v6 =	vadd.s32 v6, v7;
	v11, _, _ =	vpop (xrf0)  }
0x88: {  	v8 =	vld [tilespmem:s1+$0xFFFFFF10];
	v6 =	vadd.s32 v14, v6;
	(v2sf) =	vpush v11, $0xF  }
0x89: {  	v11 =	vld [tilespmem:s26+$0xFFFFFFF0];
	v6 =	vadd.s32 v15, v6  }
0x8a: {  	v7 =	vld [tilespmem:s1+$0xFFFFFF20];
	v6 =	vadd.s32 v16, v6  }
0x8b: {  	v58 =	vld [tilespmem:s1+$0xFFFFFF30];
	v6 =	vadd.s32 v9, v6  }
0x8c: {  	v59 =	vld [tilespmem:s1+$0xFFFFFF40];
	v6 =	vadd.s32 v10, v6  }
0x8d: {  	v60 =	vld [tilespmem:s1+$0xFFFFFF50];
	v6 =	vadd.s32 v17, v6  }
0x8e: {  	v9 =	vld [tilespmem:s1+$0xFFFFFF60];
	v6 =	vadd.s32 v11, v6  }
0x8f: {  	v7 =	vadd.s32 v8, v7;
	v8 =	vld [tilespmem:s1+$0xFFFFFF70];
	v6 =	vadd.s32 v57, v6  }
0x90: {  	v10 =	vld [tilespmem:s1+$0xFFFFFF80];
	v7 =	vadd.s32 v58, v7;
	(xrf0) =	vadd.scan.msk.s32 $0xffff, v6  }
0x91: {  	v7 =	vadd.s32 v59, v7;
	v11 =	vld [tilespmem:s1+$0xFFFFFF90]  }
0x92: {  	v7 =	vadd.s32 v60, v7  }
0x93: {  	v61 =	vld [tilespmem:s1+$0xFFFFFFA0];
	v6 =	vadd.s32 v9, v7  }
0x94: {  	v9 =	vld [tilespmem:s1+$0xFFFFFFB0];
	v6 =	vadd.s32 v8, v6  }
0x95: {  	v62 =	vld [tilespmem:s1+$0xFFFFFFC0];
	v6 =	vadd.s32 v10, v6  }
0x96: {  	v10 =	vld [tilespmem:s1+$0xFFFFFFD0];
	v7 =	vadd.s32 v11, v6;
	v11, _, _ =	vpop (xrf0)  }
0x97: {  	s23 =	simm.s32 $0xF;
	s28 =	simm.s32 $0xE;
	v6 =	vld [tilespmem:s1+$0xFFFFFFE0];
	s25 =	spop (v2sf);
	(v2sf) =	vpush v11, $0xF  }
0x98: {  	s24 =	simm.s32 $0xD;
	p1 =	por $0x0, $0x0;
	v8 =	vadd.s32 v61, v7;
	v7 =	vld [tilespmem:s1+$0xFFFFFFF0];
	s26 =	sadd.s32 $0x0, s25  }
0x99: {  	s30 =	simm.s32 $0x4CF0;
	s31 =	simm.s32 $0x0;
	v9 =	vadd.s32 v9, v8;
	v8 =	vld [tilespmem:s1+$0x0];
	p0 =	slt.s32 s26, $0x400  }
0x9a: {  	s0 =	simm.s32 $0xB;
	v63 =	vadd.s32 v62, v9;
	v9 =	vld [tilespmem:s30+$0xFFFFFF10];
	s25 =	simm.s32 $0xC;
	p1 =	por p0, p1  }
0x9b: {  	v10 =	vadd.s32 v10, v63;
	v11 =	vld [tilespmem:s30+$0xFFFFFF20];
	s29 =	smov.u32 s26;
	s23 =	smov.u32 @p1 s22;
	s31 =	smov.u32 @p1 s31  }
.LBB2_8:
0x9c: {  	s1 =	smov.u32 s31;
	s31 =	smov.u32 s23  }
0x9d: {  	p1 =	seq.s32 s0, $0x0;
	v6 =	vadd.s32 v6, v10;
	v12 =	vld [tilespmem:s30+$0xFFFFFF30]  }
0x9e: {  	v6 =	vadd.s32 v7, v6;
	v10 =	vld [tilespmem:s30+$0xFFFFFF40]  }
0x9f: {  	v6 =	vadd.s32 v8, v6;
	v7 =	vld [tilespmem:s30+$0xFFFFFF50]  }
0xa0: {  	v8 =	vld [tilespmem:s30+$0xFFFFFF60];
	(xrf0) =	vadd.scan.msk.s32 $0xffff, v6  }
0xa1: {  	v6 =	vadd.s32 v9, v11;
	v9 =	vld [tilespmem:s30+$0xFFFFFF70]  }
0xa2: {  	v6 =	vadd.s32 v12, v6;
	v11 =	vld [tilespmem:s30+$0xFFFFFF80]  }
0xa3: {  	v6 =	vadd.s32 v10, v6;
	v10 =	vld [tilespmem:s30+$0xFFFFFF90]  }
0xa4: {  	v6 =	vadd.s32 v7, v6;
	v7 =	vld [tilespmem:s30+$0xFFFFFFA0]  }
0xa5: {  	v6 =	vadd.s32 v8, v6;
	v8 =	vld [tilespmem:s30+$0xFFFFFFB0]  }
0xa6: {  	s23 =	spop (v2sf)  }
0xa7: {  	s22 =	simm.s32 @!p0 $0x1;
	v6 =	vadd.s32 v9, v6;
	v12 =	vld [tilespmem:s30+$0xFFFFFFC0];
	v9, _, _ =	vpop (xrf0);
	s29 =	sadd.s32 s29, s23  }
0xa8: {  	p2 =	sne.s32 s22, $0x0;
	v6 =	vadd.s32 v11, v6;
	v13 =	vld [tilespmem:s30+$0xFFFFFFD0];
	(v2sf) =	vpush v9, $0xF;
	p0 =	slt.s32 s29, $0x400  }
.Ltmp4:
0xa9: {  	s23 =	smov.u32 s28;
	v9 =	vadd.s32 v10, v6;
	v6 =	vld [tilespmem:s30+$0xFFFFFFE0];
	p2 =	por p0, p2;
	(pc) =	sbr.rel @!p1 .LBB2_8-.Ltmp4, $4  }
0xaa: {  	v9 =	vadd.s32 v7, v9;
	v7 =	vld [tilespmem:s30+$0xFFFFFFF0];
	s23 =	smov.u32 @p2 s31;
	s31 =	smov.u32 s26  }
0xab: {  	v10 =	vadd.s32 v8, v9;
	v8 =	vld [tilespmem:s30+$0x0];
	s30 =	sadd.s32 $0xFFFFFF00, s30;
	s31 =	smov.u32 @p2 s1  }
0xac: {  	s28 =	smov.u32 s24;
	s24 =	smov.u32 s25;
	s26 =	smov.u32 s29;
	v10 =	vadd.s32 v12, v10;
	v9 =	vld [tilespmem:s30+$0xFFFFFF10]  }
0xad: {  	s25 =	smov.u32 s0;
	s0 =	sadd.s32 $0xFFFFFFFF, s0;
	v10 =	vadd.s32 v13, v10;
	v11 =	vld [tilespmem:s30+$0xFFFFFF20]  }
0xae: {  	v12 =	vld [tilespmem:s30+$0xFFFFFF30]  }
0xaf: {  	v13 =	vld [tilespmem:s30+$0xFFFFFF40]  }
0xb0: {  	v14 =	vld [tilespmem:s30+$0xFFFFFF50]  }
0xb1: {  	v15 =	vld [tilespmem:s30+$0xFFFFFF60]  }
0xb2: {  	v54 =	vld [tilespmem:s30+$0xFFFFFF70];
	v9 =	vadd.s32 v9, v11  }
0xb3: {  	v55 =	vld [tilespmem:s30+$0xFFFFFF80];
	v9 =	vadd.s32 v12, v9  }
0xb4: {  	v56 =	vld [tilespmem:s30+$0xFFFFFF90];
	v9 =	vadd.s32 v13, v9  }
0xb5: {  	v57 =	vld [tilespmem:s30+$0xFFFFFFA0];
	v9 =	vadd.s32 v14, v9  }
0xb6: {  	v58 =	vld [tilespmem:s30+$0xFFFFFFB0];
	v9 =	vadd.s32 v15, v9  }
0xb7: {  	v59 =	vld [tilespmem:s30+$0xFFFFFFC0];
	v9 =	vadd.s32 v54, v9  }
0xb8: {  	v60 =	vld [tilespmem:s30+$0xFFFFFFD0];
	v9 =	vadd.s32 v55, v9  }
0xb9: {  	v61 =	vld [tilespmem:s30+$0xFFFFFFE0];
	v9 =	vadd.s32 v56, v9  }
0xba: {  	v62 =	vld [tilespmem:s30+$0xFFFFFFF0];
	v9 =	vadd.s32 v57, v9  }
0xbb: {  	v63 =	vld [tilespmem:s30+$0x0];
	v9 =	vadd.s32 v58, v9  }
0xbc: {  	v6 =	vadd.s32 v6, v10;
	v9 =	vadd.s32 v59, v9  }
0xbd: {  	v6 =	vadd.s32 v7, v6;
	v7 =	vadd.s32 v60, v9  }
0xbe: {  	v6 =	vadd.s32 v8, v6;
	v7 =	vadd.s32 v61, v7  }
0xbf: {  	(xrf0) =	vadd.scan.msk.s32 $0xffff, v6;
	v6 =	vadd.s32 v62, v7  }
0xc0: {  	v6 =	vadd.s32 v63, v6  }
0xc1: {  	(xrf0) =	vadd.scan.msk.s32 $0xffff, v6;
	_ =	sdelay $0x3  }
0xc2: {  	v6, _, _ =	vpop (xrf0)  }
0xc3: {  	(v2sf) =	vpush v6, $0xF  }
0xc4: {  	v6, _, _ =	vpop (xrf0)  }
0xc5: {  	(v2sf) =	vpush v6, $0xF;
	_ =	sdelay $0x9  }
0xc6: {  	s0 =	spop (v2sf)  }
0xc7: {  	s22 =	simm.s32 @!p0 $0x1;
	s0 =	sadd.s32 s29, s0  }
0xc8: {  	p1 =	sne.s32 s22, $0x0;
	p0 =	slt.s32 s0, $0x400  }
0xc9: {  	p1 =	por p0, p1;
	s1 =	spop (v2sf)  }
0xca: {  	s22 =	simm.s32 @!p0 $0x1;
	s28 =	smov.u32 @p1 s23;
	s23 =	sadd.s32 s0, s1  }
0xcb: {  	p2 =	sne.s32 s22, $0x0;
	p0 =	slt.s32 s23, $0x400;
	s30 =	spop (v2sf)  }
0xcc: {  	s26 =	smov.u32 @p1 s31;
	s22 =	simm.s32 @!p0 $0x1;
	s1 =	sadd.s32 s23, s30  }
0xcd: {  	p0 =	por p0, p2;
	p5 =	sne.s32 s22, $0x0;
	p4 =	slt.s32 s1, $0x400  }
0xce: {  	s24 =	smov.u32 @p0 s28;
	s0 =	smov.u32 @p0 s26;
	p0 =	por p4, p5  }
0xcf: {  	s25 =	smov.u32 @p0 s24  }
0xd0: {  	s26 =	sshll.u32 s25, $0xA  }
0xd1: {  	s23 =	smov.u32 @p0 s0;
	s0 =	sshra.s32 s26, $0x2  }
0xd2: {  	s0 =	sadd.s32 $0x4000, s0  }
0xd3: {  	v6 =	vmov s0;
	_ =	sdelay $0x3  }
0xd4: {  	s30 =	simm.s32 $0xF0  }
0xd5: {  	v7 =	vld.idx.msk [tilespmem:v6+s30+$0x0 ss:$0x1], $0xffff  }
0xd6: {  	s31 =	simm.s32 $0xE0  }
0xd7: {  	v8 =	vld.idx.msk [tilespmem:v6+s31+$0x0 ss:$0x1], $0xffff;
	_ =	sdelay $0x2  }
0xd8: {  	(xrf0) =	vadd.scan.msk.s32 $0xffff, v7;
	_ =	sdelay $0x1  }
0xd9: {  	(xrf0) =	vadd.scan.msk.s32 $0xffff, v8;
	_ =	sdelay $0x3  }
0xda: {  	v7, _, _ =	vpop (xrf0)  }
0xdb: {  	(v2sf) =	vpush v7, $0xF  }
0xdc: {  	s1 =	simm.s32 $0xD0;
	v7, _, _ =	vpop (xrf0)  }
0xdd: {  	s22 =	sshllo.u32 s25, $0x4;
	s25 =	simm.s32 $0xC0;
	(v2sf) =	vpush v7, $0xF;
	v7 =	vld.idx.msk [tilespmem:v6+s1+$0x0 ss:$0x1], $0xffff  }
0xde: {  	v8 =	vld.idx.msk [tilespmem:v6+s25+$0x0 ss:$0x1], $0xffff;
	_ =	sdelay $0x3  }
0xdf: {  	(xrf0) =	vadd.scan.msk.s32 $0xffff, v7  }
0xe0: {  	(xrf0) =	vadd.scan.msk.s32 $0xffff, v8;
	_ =	sdelay $0x4  }
0xe1: {  	v8, _, _ =	vpop (xrf0)  }
0xe2: {  	s26 =	simm.s32 $0xB0;
	(v2sf) =	vpush v8, $0xF;
	v8, _, _ =	vpop (xrf0)  }
0xe3: {  	v7 =	vld.idx.msk [tilespmem:v6+s26+$0x0 ss:$0x1], $0xffff;
	s30 =	spop (v2sf);
	(v2sf) =	vpush v8, $0xF;
	_ =	sdelay $0x3  }
0xe4: {  	p6 =	por $0x0, $0x0;
	s28 =	simm.s32 $0x240;
	s25 =	sadd.s32 s23, s30  }
0xe5: {  	s24 =	simm.s32 $0x0;
	s31 =	simm.s32 $0xA0;
	(xrf0) =	vadd.scan.msk.s32 $0xffff, v7;
	p0 =	slt.s32 s25, $0x400  }
0xe6: {  	s0 =	smov.u32 s22;
	v7 =	vld.idx.msk [tilespmem:v6+s31+$0x0 ss:$0x1], $0xffff;
	s29 =	spop (v2sf);
	p1 =	por p0, p6  }
0xe7: {  	s26 =	smov.u32 s25;
	s0 =	smov.u32 @p1 s24;
	s23 =	smov.u32 @p1 s24  }
.LBB2_10:
0xe8: {  	s1 =	smov.u32 s23;
	s23 =	smov.u32 s0  }
0xe9: {  	s0 =	sshra.s32 s28, $0x2;
	s26 =	sadd.s32 s26, s29;
	p1 =	sne.s32 s28, $0x0  }
0xea: {  	s28 =	sadd.s32 $0xFFFFFFC0, s28;
	s24 =	simm.s32 @!p0 $0x1;
	s22 =	sadd.s32 $0xFFFFFFFF, s22  }
.Ltmp5:
0xeb: {  	p0 =	slt.s32 s26, $0x400;
	p2 =	sne.s32 s24, $0x0;
	(xrf0) =	vadd.scan.msk.s32 $0xffff, v7;
	v7 =	vld.idx.msk [tilespmem:v6+s0+$0x0 ss:$0x1], $0xffff;
	v8, _, _ =	vpop (xrf0);
	(pc) =	sbr.rel @p1 .LBB2_10-.Ltmp5, $4  }
0xec: {  	p2 =	por p0, p2;
	s0 =	smov.u32 s22;
	(v2sf) =	vpush v8, $0xF  }
0xed: {  	s0 =	smov.u32 @p2 s23;
	s23 =	smov.u32 s25  }
0xee: {  	s25 =	smov.u32 s26;
	s23 =	smov.u32 @p2 s1  }
0xef: {  	s29 =	spop (v2sf)  }
0xf0: {  	(xrf0) =	vadd.scan.msk.s32 $0xffff, v7;
	_ =	sdelay $0x3  }
0xf1: {  	v6, _, _ =	vpop (xrf0)  }
0xf2: {  	(v2sf) =	vpush v6, $0xF  }
0xf3: {  	v6, _, _ =	vpop (xrf0)  }
0xf4: {  	(v2sf) =	vpush v6, $0xF;
	_ =	sdelay $0x5  }
0xf5: {  	s1 =	sadd.s32 s26, s29;
	s24 =	simm.s32 @!p0 $0x1  }
0xf6: {  	s31 =	spop (v2sf);
	s22 =	sadd.s32 $0xFFFFFFFF, s22;
	p1 =	slt.s32 s1, $0x400  }
0xf7: {  	p0 =	sne.s32 s24, $0x0;
	s26 =	sadd.s32 s1, s31;
	s28 =	sadd.s32 $0xFFFFFFFF, s22  }
0xf8: {  	p0 =	por p1, p0;
	s24 =	simm.s32 @!p1 $0x1;
	p2 =	slt.s32 s26, $0x400  }
0xf9: {  	s29 =	sadd.s32 $0xFFFFFFFF, s28;
	p1 =	sne.s32 s24, $0x0;
	s22 =	smov.u32 @p0 s0  }
0xfa: {  	s24 =	simm.s32 @!p2 $0x1;
	p1 =	por p2, p1;
	s30 =	spop (v2sf)  }
0xfb: {  	p2 =	sne.s32 s24, $0x0;
	s28 =	smov.u32 @p1 s22;
	s0 =	sadd.s32 s26, s30  }
0xfc: {  	s30 =	sadd.s32 $0xFFFFFFFF, s29;
	p3 =	slt.s32 s0, $0x400;
	s31 =	spop (v2sf)  }
0xfd: {  	p2 =	por p3, p2;
	s24 =	simm.s32 @!p3 $0x1;
	s22 =	sadd.s32 s0, s31  }
0xfe: {  	p4 =	sne.s32 s24, $0x0;
	p3 =	slt.s32 s22, $0x400;
	s31 =	spop (v2sf)  }
0xff: {  	s29 =	smov.u32 @p2 s28;
	s24 =	simm.s32 @!p3 $0x1;
	s31 =	sadd.s32 s22, s31  }
0x100: {  	p3 =	por p3, p4;
	p6 =	sne.s32 s24, $0x0;
	p5 =	slt.s32 s31, $0x400  }
0x101: {  	s24 =	sadd.s32 $0xFFFFFFFF, s30;
	s30 =	smov.u32 @p3 s29;
	p4 =	por p5, p6  }
0x102: {  	s24 =	smov.u32 @p4 s30  }
0x103: {  	s28 =	sshll.u32 s24, $0x4  }
0x104: {  	v6 =	vld [tilespmem:s28+$0x4000];
	_ =	sdelay $0x4  }
0x105: {  	v7 =	vperm.xlane v6, v3;
	_ =	sdelay $0x1  }
0x106: {  	(xrf0) =	vadd.scan.msk.s32 $0xffff, v7  }
0x107: {  	s25 =	smov.u32 @p0 s23  }
0x108: {  	s1 =	smov.u32 @p1 s25  }
0x109: {  	s26 =	smov.u32 @p2 s1  }
0x10a: {  	s0 =	smov.u32 @p3 s26  }
0x10b: {  	s22 =	smov.u32 @p4 s0  }
0x10c: {  	s0 =	ssub.s32 $0x400, s22;
	v7, _, _ =	vpop (xrf0)  }
0x10d: {  	vm0 =	vlt.s32 v7, s0  }
0x10e: {  	v8 =	vsel vm0, $0x80000010, v4  }
0x10f: {  	(xrf0) =	vmin.scan.msk.u32 $0xffff, v8;
	_ =	sdelay $0x5  }
0x110: {  	v8, _, _ =	vpop (xrf0)  }
0x111: {  	(v2sf) =	vpush v8, $0xF;
	_ =	sdelay $0xc  }
0x112: {  	s26 =	simm.s32 $0x0  }
0x113: {  	v9 =	vld [tilespmem:s26+$0x0]  }
0x114: {  	s30 =	spop (v2sf)  }
0x115: {  	s25 =	sxor.u32 $0x80000000, s30  }
0x116: {  	s24 =	ssub.s32 $0xF, s25  }
0x117: {  	s23 =	sadd.s32 s28, s24  }
0x118: {  	v10 =	vshrl.u32 v9, $0x14;
	v8 =	vmov s23  }
0x119: {  	s31 =	simm.s32 $0x0;
	vm12 =	veq.s32 v10, v8  }
0x11a: {  	v10 =	vmpcnt.ones.xlane vm12;
	[tilespmem:s31+$0x6000] =	vst.msk vm12, v9  }
0x11b: {  	v9 =	vld [tilespmem:s26+$0x10]  }
0x11c: {  	(v2sf) =	vpush v10, $0x0;
	_ =	sdelay $0x3  }
0x11d: {  	v10 =	vshrl.u32 v9, $0x14  }
0x11e: {  	vm13 =	veq.s32 v10, v8  }
0x11f: {  	v10 =	vmpcnt.ones.xlane vm13;
	_ =	sdelay $0x1  }
0x120: {  	(v2sf) =	vpush v10, $0x0;
	_ =	sdelay $0x6  }
0x121: {  	s1 =	spop (v2sf)  }
0x122: {  	s0 =	sadd.s32 $0x0, s1  }
0x123: {  	[tilespmem:s0+$0x6000] =	vst.msk vm13, v9  }
0x124: {  	v9 =	vld [tilespmem:s26+$0x20];
	_ =	sdelay $0x4  }
0x125: {  	v10 =	vshrl.u32 v9, $0x14;
	s30 =	spop (v2sf)  }
0x126: {  	s0 =	sadd.s32 s0, s30;
	vm14 =	veq.s32 v10, v8  }
0x127: {  	v10 =	vmpcnt.ones.xlane vm14;
	[tilespmem:s0+$0x6000] =	vst.msk vm14, v9  }
0x128: {  	v9 =	vld [tilespmem:s26+$0x30]  }
0x129: {  	(v2sf) =	vpush v10, $0x0;
	_ =	sdelay $0x3  }
0x12a: {  	v10 =	vshrl.u32 v9, $0x14  }
0x12b: {  	vm15 =	veq.s32 v10, v8  }
0x12c: {  	v10 =	vmpcnt.ones.xlane vm15;
	_ =	sdelay $0x1  }
0x12d: {  	(v2sf) =	vpush v10, $0x0;
	_ =	sdelay $0x6  }
0x12e: {  	s31 =	spop (v2sf)  }
0x12f: {  	s0 =	sadd.s32 s0, s31  }
0x130: {  	[tilespmem:s0+$0x6000] =	vst.msk vm15, v9  }
0x131: {  	v9 =	vld [tilespmem:s26+$0x40];
	_ =	sdelay $0x4  }
0x132: {  	v10 =	vshrl.u32 v9, $0x14;
	s30 =	spop (v2sf)  }
0x133: {  	s0 =	sadd.s32 s0, s30;
	vm4 =	veq.s32 v10, v8  }
0x134: {  	v10 =	vmpcnt.ones.xlane vm4;
	[tilespmem:s0+$0x6000] =	vst.msk vm4, v9  }
0x135: {  	v9 =	vld [tilespmem:s26+$0x50]  }
0x136: {  	(v2sf) =	vpush v10, $0x0;
	_ =	sdelay $0x3  }
0x137: {  	v10 =	vshrl.u32 v9, $0x14  }
0x138: {  	vm5 =	veq.s32 v10, v8  }
0x139: {  	v10 =	vmpcnt.ones.xlane vm5;
	_ =	sdelay $0x1  }
0x13a: {  	(v2sf) =	vpush v10, $0x0;
	_ =	sdelay $0x6  }
0x13b: {  	s31 =	spop (v2sf)  }
0x13c: {  	s0 =	sadd.s32 s0, s31  }
0x13d: {  	[tilespmem:s0+$0x6000] =	vst.msk vm5, v9  }
0x13e: {  	v9 =	vld [tilespmem:s26+$0x60];
	_ =	sdelay $0x4  }
0x13f: {  	v10 =	vshrl.u32 v9, $0x14;
	s30 =	spop (v2sf)  }
0x140: {  	s0 =	sadd.s32 s0, s30;
	vm6 =	veq.s32 v10, v8  }
0x141: {  	v10 =	vmpcnt.ones.xlane vm6;
	[tilespmem:s0+$0x6000] =	vst.msk vm6, v9  }
0x142: {  	v9 =	vld [tilespmem:s26+$0x70]  }
0x143: {  	(v2sf) =	vpush v10, $0x0;
	_ =	sdelay $0x3  }
0x144: {  	v10 =	vshrl.u32 v9, $0x14  }
0x145: {  	vm7 =	veq.s32 v10, v8  }
0x146: {  	v10 =	vmpcnt.ones.xlane vm7;
	_ =	sdelay $0x1  }
0x147: {  	(v2sf) =	vpush v10, $0x0;
	_ =	sdelay $0x6  }
0x148: {  	s31 =	spop (v2sf)  }
0x149: {  	s0 =	sadd.s32 s0, s31  }
0x14a: {  	[tilespmem:s0+$0x6000] =	vst.msk vm7, v9  }
0x14b: {  	v9 =	vld [tilespmem:s26+$0x80];
	_ =	sdelay $0x4  }
0x14c: {  	v10 =	vshrl.u32 v9, $0x14;
	s30 =	spop (v2sf)  }
0x14d: {  	s0 =	sadd.s32 s0, s30;
	vm8 =	veq.s32 v10, v8  }
0x14e: {  	v10 =	vmpcnt.ones.xlane vm8;
	[tilespmem:s0+$0x6000] =	vst.msk vm8, v9  }
0x14f: {  	v9 =	vld [tilespmem:s26+$0x90]  }
0x150: {  	(v2sf) =	vpush v10, $0x0;
	_ =	sdelay $0x3  }
0x151: {  	v10 =	vshrl.u32 v9, $0x14  }
0x152: {  	vm9 =	veq.s32 v10, v8  }
0x153: {  	v10 =	vmpcnt.ones.xlane vm9;
	_ =	sdelay $0x1  }
0x154: {  	(v2sf) =	vpush v10, $0x0;
	_ =	sdelay $0x6  }
0x155: {  	s31 =	spop (v2sf)  }
0x156: {  	s0 =	sadd.s32 s0, s31  }
0x157: {  	[tilespmem:s0+$0x6000] =	vst.msk vm9, v9  }
0x158: {  	v9 =	vld [tilespmem:s26+$0xA0];
	_ =	sdelay $0x4  }
0x159: {  	v10 =	vshrl.u32 v9, $0x14;
	s30 =	spop (v2sf)  }
0x15a: {  	s0 =	sadd.s32 s0, s30;
	vm10 =	veq.s32 v10, v8  }
0x15b: {  	v10 =	vmpcnt.ones.xlane vm10;
	[tilespmem:s0+$0x6000] =	vst.msk vm10, v9  }
0x15c: {  	v9 =	vld [tilespmem:s26+$0xB0]  }
0x15d: {  	(v2sf) =	vpush v10, $0x0;
	_ =	sdelay $0x3  }
0x15e: {  	v10 =	vshrl.u32 v9, $0x14  }
0x15f: {  	vm11 =	veq.s32 v10, v8  }
0x160: {  	v10 =	vmpcnt.ones.xlane vm11;
	_ =	sdelay $0x1  }
0x161: {  	(v2sf) =	vpush v10, $0x0;
	_ =	sdelay $0x6  }
0x162: {  	s31 =	spop (v2sf)  }
0x163: {  	s0 =	sadd.s32 s0, s31  }
0x164: {  	[tilespmem:s0+$0x6000] =	vst.msk vm11, v9  }
0x165: {  	v9 =	vld [tilespmem:s26+$0xC0];
	_ =	sdelay $0x4  }
0x166: {  	v10 =	vshrl.u32 v9, $0x14;
	s30 =	spop (v2sf)  }
0x167: {  	s0 =	sadd.s32 s0, s30;
	vm12 =	veq.s32 v10, v8  }
0x168: {  	v10 =	vmpcnt.ones.xlane vm12;
	[tilespmem:s0+$0x6000] =	vst.msk vm12, v9  }
0x169: {  	v9 =	vld [tilespmem:s26+$0xD0]  }
0x16a: {  	(v2sf) =	vpush v10, $0x0;
	_ =	sdelay $0x3  }
0x16b: {  	v10 =	vshrl.u32 v9, $0x14  }
0x16c: {  	vm13 =	veq.s32 v10, v8  }
0x16d: {  	v10 =	vmpcnt.ones.xlane vm13;
	_ =	sdelay $0x1  }
0x16e: {  	(v2sf) =	vpush v10, $0x0;
	_ =	sdelay $0x6  }
0x16f: {  	s31 =	spop (v2sf)  }
0x170: {  	s0 =	sadd.s32 s0, s31  }
0x171: {  	[tilespmem:s0+$0x6000] =	vst.msk vm13, v9  }
0x172: {  	v9 =	vld [tilespmem:s26+$0xE0];
	_ =	sdelay $0x4  }
0x173: {  	v10 =	vshrl.u32 v9, $0x14;
	s30 =	spop (v2sf)  }
0x174: {  	s0 =	sadd.s32 s0, s30;
	vm14 =	veq.s32 v10, v8  }
0x175: {  	v10 =	vmpcnt.ones.xlane vm14;
	[tilespmem:s0+$0x6000] =	vst.msk vm14, v9  }
0x176: {  	v9 =	vld [tilespmem:s26+$0xF0]  }
0x177: {  	(v2sf) =	vpush v10, $0x0;
	_ =	sdelay $0x3  }
0x178: {  	v10 =	vshrl.u32 v9, $0x14  }
0x179: {  	vm15 =	veq.s32 v10, v8  }
0x17a: {  	v10 =	vmpcnt.ones.xlane vm15;
	_ =	sdelay $0x1  }
0x17b: {  	(v2sf) =	vpush v10, $0x0;
	_ =	sdelay $0x6  }
0x17c: {  	s31 =	spop (v2sf)  }
0x17d: {  	s0 =	sadd.s32 s0, s31  }
0x17e: {  	s26 =	simm.s32 $0x100;
	[tilespmem:s0+$0x6000] =	vst.msk vm15, v9  }
0x17f: {  	v9 =	vld [tilespmem:s26+$0x0];
	_ =	sdelay $0x4  }
0x180: {  	s28 =	simm.s32 $0x800;
	v10 =	vshrl.u32 v9, $0x14;
	s29 =	spop (v2sf)  }
.LBB2_12:
0x181: {  	p0 =	sne.s32 s28, $0xFC00  }
0x182: {  	vm0 =	veq.s32 v10, v8;
	s0 =	sadd.s32 s0, s29;
	s29 =	smov.u32 s28;
	s28 =	sadd.s32 $0x400, s28  }
0x183: {  	v10 =	vmpcnt.ones.xlane vm0;
	[tilespmem:s0+$0x6000] =	vst.msk vm0, v9  }
0x184: {  	v9 =	vld [tilespmem:s26+$0x10]  }
0x185: {  	(v2sf) =	vpush v10, $0x0;
	_ =	sdelay $0x3  }
0x186: {  	v10 =	vshrl.u32 v9, $0x14  }
0x187: {  	vm0 =	veq.s32 v10, v8  }
0x188: {  	v10 =	vmpcnt.ones.xlane vm0;
	_ =	sdelay $0x1  }
0x189: {  	(v2sf) =	vpush v10, $0x0;
	_ =	sdelay $0x6  }
0x18a: {  	s1 =	spop (v2sf)  }
0x18b: {  	s0 =	sadd.s32 s0, s1  }
0x18c: {  	[tilespmem:s0+$0x6000] =	vst.msk vm0, v9  }
0x18d: {  	v9 =	vld [tilespmem:s26+$0x20];
	_ =	sdelay $0x4  }
0x18e: {  	v10 =	vshrl.u32 v9, $0x14;
	s1 =	spop (v2sf)  }
0x18f: {  	s0 =	sadd.s32 s0, s1;
	vm0 =	veq.s32 v10, v8  }
0x190: {  	v10 =	vmpcnt.ones.xlane vm0;
	[tilespmem:s0+$0x6000] =	vst.msk vm0, v9  }
0x191: {  	v9 =	vld [tilespmem:s26+$0x30]  }
0x192: {  	(v2sf) =	vpush v10, $0x0;
	_ =	sdelay $0x3  }
0x193: {  	v10 =	vshrl.u32 v9, $0x14  }
0x194: {  	vm0 =	veq.s32 v10, v8  }
0x195: {  	v10 =	vmpcnt.ones.xlane vm0;
	_ =	sdelay $0x1  }
0x196: {  	(v2sf) =	vpush v10, $0x0;
	_ =	sdelay $0x6  }
0x197: {  	s1 =	spop (v2sf)  }
0x198: {  	s0 =	sadd.s32 s0, s1  }
0x199: {  	[tilespmem:s0+$0x6000] =	vst.msk vm0, v9  }
0x19a: {  	v9 =	vld [tilespmem:s26+$0x40];
	_ =	sdelay $0x4  }
0x19b: {  	v10 =	vshrl.u32 v9, $0x14;
	s1 =	spop (v2sf)  }
0x19c: {  	s0 =	sadd.s32 s0, s1;
	vm0 =	veq.s32 v10, v8  }
0x19d: {  	v10 =	vmpcnt.ones.xlane vm0;
	[tilespmem:s0+$0x6000] =	vst.msk vm0, v9  }
0x19e: {  	v9 =	vld [tilespmem:s26+$0x50]  }
0x19f: {  	(v2sf) =	vpush v10, $0x0;
	_ =	sdelay $0x3  }
0x1a0: {  	v10 =	vshrl.u32 v9, $0x14  }
0x1a1: {  	vm0 =	veq.s32 v10, v8  }
0x1a2: {  	v10 =	vmpcnt.ones.xlane vm0;
	_ =	sdelay $0x1  }
0x1a3: {  	(v2sf) =	vpush v10, $0x0;
	_ =	sdelay $0x6  }
0x1a4: {  	s1 =	spop (v2sf)  }
0x1a5: {  	s0 =	sadd.s32 s0, s1  }
0x1a6: {  	[tilespmem:s0+$0x6000] =	vst.msk vm0, v9  }
0x1a7: {  	v9 =	vld [tilespmem:s26+$0x60];
	_ =	sdelay $0x4  }
0x1a8: {  	v10 =	vshrl.u32 v9, $0x14;
	s1 =	spop (v2sf)  }
0x1a9: {  	s0 =	sadd.s32 s0, s1;
	vm0 =	veq.s32 v10, v8  }
0x1aa: {  	v10 =	vmpcnt.ones.xlane vm0;
	[tilespmem:s0+$0x6000] =	vst.msk vm0, v9  }
0x1ab: {  	v9 =	vld [tilespmem:s26+$0x70]  }
0x1ac: {  	(v2sf) =	vpush v10, $0x0;
	_ =	sdelay $0x3  }
0x1ad: {  	v10 =	vshrl.u32 v9, $0x14  }
0x1ae: {  	vm0 =	veq.s32 v10, v8  }
0x1af: {  	v10 =	vmpcnt.ones.xlane vm0;
	_ =	sdelay $0x1  }
0x1b0: {  	(v2sf) =	vpush v10, $0x0;
	_ =	sdelay $0x6  }
0x1b1: {  	s1 =	spop (v2sf)  }
0x1b2: {  	s0 =	sadd.s32 s0, s1  }
0x1b3: {  	[tilespmem:s0+$0x6000] =	vst.msk vm0, v9  }
0x1b4: {  	v9 =	vld [tilespmem:s26+$0x80];
	_ =	sdelay $0x4  }
0x1b5: {  	v10 =	vshrl.u32 v9, $0x14;
	s1 =	spop (v2sf)  }
0x1b6: {  	s0 =	sadd.s32 s0, s1;
	vm0 =	veq.s32 v10, v8  }
0x1b7: {  	v10 =	vmpcnt.ones.xlane vm0;
	[tilespmem:s0+$0x6000] =	vst.msk vm0, v9  }
0x1b8: {  	v9 =	vld [tilespmem:s26+$0x90]  }
0x1b9: {  	(v2sf) =	vpush v10, $0x0;
	_ =	sdelay $0x3  }
0x1ba: {  	v10 =	vshrl.u32 v9, $0x14  }
0x1bb: {  	vm0 =	veq.s32 v10, v8  }
0x1bc: {  	v10 =	vmpcnt.ones.xlane vm0;
	_ =	sdelay $0x1  }
0x1bd: {  	(v2sf) =	vpush v10, $0x0;
	_ =	sdelay $0x6  }
0x1be: {  	s1 =	spop (v2sf)  }
0x1bf: {  	s0 =	sadd.s32 s0, s1  }
0x1c0: {  	[tilespmem:s0+$0x6000] =	vst.msk vm0, v9  }
0x1c1: {  	v9 =	vld [tilespmem:s26+$0xA0];
	_ =	sdelay $0x4  }
0x1c2: {  	v10 =	vshrl.u32 v9, $0x14;
	s1 =	spop (v2sf)  }
0x1c3: {  	s0 =	sadd.s32 s0, s1;
	vm0 =	veq.s32 v10, v8  }
0x1c4: {  	v10 =	vmpcnt.ones.xlane vm0;
	[tilespmem:s0+$0x6000] =	vst.msk vm0, v9  }
0x1c5: {  	v9 =	vld [tilespmem:s26+$0xB0]  }
0x1c6: {  	(v2sf) =	vpush v10, $0x0;
	_ =	sdelay $0x3  }
0x1c7: {  	v10 =	vshrl.u32 v9, $0x14  }
0x1c8: {  	vm0 =	veq.s32 v10, v8  }
0x1c9: {  	v10 =	vmpcnt.ones.xlane vm0;
	_ =	sdelay $0x1  }
0x1ca: {  	(v2sf) =	vpush v10, $0x0;
	_ =	sdelay $0x6  }
0x1cb: {  	s1 =	spop (v2sf)  }
0x1cc: {  	s0 =	sadd.s32 s0, s1  }
0x1cd: {  	[tilespmem:s0+$0x6000] =	vst.msk vm0, v9  }
0x1ce: {  	v9 =	vld [tilespmem:s26+$0xC0];
	_ =	sdelay $0x4  }
0x1cf: {  	v10 =	vshrl.u32 v9, $0x14;
	s1 =	spop (v2sf)  }
0x1d0: {  	s0 =	sadd.s32 s0, s1;
	vm0 =	veq.s32 v10, v8  }
0x1d1: {  	v10 =	vmpcnt.ones.xlane vm0;
	[tilespmem:s0+$0x6000] =	vst.msk vm0, v9  }
0x1d2: {  	v9 =	vld [tilespmem:s26+$0xD0]  }
0x1d3: {  	(v2sf) =	vpush v10, $0x0;
	_ =	sdelay $0x3  }
0x1d4: {  	v10 =	vshrl.u32 v9, $0x14  }
0x1d5: {  	vm0 =	veq.s32 v10, v8  }
0x1d6: {  	v10 =	vmpcnt.ones.xlane vm0;
	_ =	sdelay $0x1  }
0x1d7: {  	(v2sf) =	vpush v10, $0x0;
	_ =	sdelay $0x6  }
0x1d8: {  	s1 =	spop (v2sf)  }
0x1d9: {  	s0 =	sadd.s32 s0, s1  }
0x1da: {  	[tilespmem:s0+$0x6000] =	vst.msk vm0, v9  }
0x1db: {  	v9 =	vld [tilespmem:s26+$0xE0];
	_ =	sdelay $0x4  }
0x1dc: {  	v10 =	vshrl.u32 v9, $0x14;
	s1 =	spop (v2sf)  }
0x1dd: {  	s0 =	sadd.s32 s0, s1;
	vm0 =	veq.s32 v10, v8  }
0x1de: {  	v10 =	vmpcnt.ones.xlane vm0;
	[tilespmem:s0+$0x6000] =	vst.msk vm0, v9  }
0x1df: {  	v9 =	vld [tilespmem:s26+$0xF0]  }
0x1e0: {  	(v2sf) =	vpush v10, $0x0;
	_ =	sdelay $0x3  }
0x1e1: {  	v10 =	vshrl.u32 v9, $0x14  }
0x1e2: {  	vm0 =	veq.s32 v10, v8  }
0x1e3: {  	v10 =	vmpcnt.ones.xlane vm0;
	_ =	sdelay $0x1  }
0x1e4: {  	(v2sf) =	vpush v10, $0x0;
	_ =	sdelay $0x6  }
0x1e5: {  	s1 =	spop (v2sf)  }
0x1e6: {  	s0 =	sadd.s32 s0, s1  }
0x1e7: {  	s26 =	sshra.s32 s29, $0x2;
	[tilespmem:s0+$0x6000] =	vst.msk vm0, v9  }
0x1e8: {  	v9 =	vld [tilespmem:s26+$0x0]  }
.Ltmp6:
0x1e9: {  	(pc) =	sbr.rel @p0 .LBB2_12-.Ltmp6, $2  }
0x1ea: {  	_ =	sdelay $0x2  }
0x1eb: {  	v10 =	vshrl.u32 v9, $0x14;
	s29 =	spop (v2sf)  }
0x1ec: {  	vm0 =	veq.s32 v10, v8;
	s0 =	sadd.s32 s0, s29  }
0x1ed: {  	v10 =	vmpcnt.ones.xlane vm0;
	[tilespmem:s0+$0x6000] =	vst.msk vm0, v9  }
0x1ee: {  	v9 =	vld [tilespmem:s26+$0x10]  }
0x1ef: {  	(v2sf) =	vpush v10, $0x0;
	_ =	sdelay $0x3  }
0x1f0: {  	v48 =	vshrl.u32 v9, $0x14  }
0x1f1: {  	vm12 =	veq.s32 v48, v8  }
0x1f2: {  	v10 =	vmpcnt.ones.xlane vm12;
	_ =	sdelay $0x1  }
0x1f3: {  	(v2sf) =	vpush v10, $0x0;
	_ =	sdelay $0x6  }
0x1f4: {  	s1 =	spop (v2sf)  }
0x1f5: {  	s0 =	sadd.s32 s0, s1  }
0x1f6: {  	[tilespmem:s0+$0x6000] =	vst.msk vm12, v9  }
0x1f7: {  	v9 =	vld [tilespmem:s26+$0x20];
	_ =	sdelay $0x4  }
0x1f8: {  	v49 =	vshrl.u32 v9, $0x14;
	s31 =	spop (v2sf)  }
0x1f9: {  	s0 =	sadd.s32 s0, s31;
	vm13 =	veq.s32 v49, v8  }
0x1fa: {  	v10 =	vmpcnt.ones.xlane vm13;
	[tilespmem:s0+$0x6000] =	vst.msk vm13, v9  }
0x1fb: {  	v9 =	vld [tilespmem:s26+$0x30]  }
0x1fc: {  	(v2sf) =	vpush v10, $0x0;
	_ =	sdelay $0x3  }
0x1fd: {  	v50 =	vshrl.u32 v9, $0x14  }
0x1fe: {  	vm14 =	veq.s32 v50, v8  }
0x1ff: {  	v10 =	vmpcnt.ones.xlane vm14;
	_ =	sdelay $0x1  }
0x200: {  	(v2sf) =	vpush v10, $0x0;
	_ =	sdelay $0x6  }
0x201: {  	s28 =	spop (v2sf)  }
0x202: {  	s0 =	sadd.s32 s0, s28  }
0x203: {  	[tilespmem:s0+$0x6000] =	vst.msk vm14, v9  }
0x204: {  	v9 =	vld [tilespmem:s26+$0x40];
	_ =	sdelay $0x4  }
0x205: {  	v51 =	vshrl.u32 v9, $0x14;
	s29 =	spop (v2sf)  }
0x206: {  	s0 =	sadd.s32 s0, s29;
	vm15 =	veq.s32 v51, v8  }
0x207: {  	v10 =	vmpcnt.ones.xlane vm15;
	[tilespmem:s0+$0x6000] =	vst.msk vm15, v9  }
0x208: {  	v9 =	vld [tilespmem:s26+$0x50]  }
0x209: {  	(v2sf) =	vpush v10, $0x0;
	_ =	sdelay $0x3  }
0x20a: {  	v52 =	vshrl.u32 v9, $0x14  }
0x20b: {  	vm4 =	veq.s32 v52, v8  }
0x20c: {  	v10 =	vmpcnt.ones.xlane vm4;
	_ =	sdelay $0x1  }
0x20d: {  	(v2sf) =	vpush v10, $0x0;
	_ =	sdelay $0x6  }
0x20e: {  	s30 =	spop (v2sf)  }
0x20f: {  	s0 =	sadd.s32 s0, s30  }
0x210: {  	[tilespmem:s0+$0x6000] =	vst.msk vm4, v9  }
0x211: {  	v9 =	vld [tilespmem:s26+$0x60];
	_ =	sdelay $0x4  }
0x212: {  	v53 =	vshrl.u32 v9, $0x14;
	s31 =	spop (v2sf)  }
0x213: {  	s0 =	sadd.s32 s0, s31;
	vm5 =	veq.s32 v53, v8  }
0x214: {  	v10 =	vmpcnt.ones.xlane vm5;
	[tilespmem:s0+$0x6000] =	vst.msk vm5, v9  }
0x215: {  	v9 =	vld [tilespmem:s26+$0x70]  }
0x216: {  	(v2sf) =	vpush v10, $0x0;
	_ =	sdelay $0x3  }
0x217: {  	v54 =	vshrl.u32 v9, $0x14  }
0x218: {  	vm6 =	veq.s32 v54, v8  }
0x219: {  	v10 =	vmpcnt.ones.xlane vm6;
	_ =	sdelay $0x1  }
0x21a: {  	(v2sf) =	vpush v10, $0x0;
	_ =	sdelay $0x6  }
0x21b: {  	s28 =	spop (v2sf)  }
0x21c: {  	s0 =	sadd.s32 s0, s28  }
0x21d: {  	[tilespmem:s0+$0x6000] =	vst.msk vm6, v9  }
0x21e: {  	v9 =	vld [tilespmem:s26+$0x80];
	_ =	sdelay $0x4  }
0x21f: {  	v55 =	vshrl.u32 v9, $0x14;
	s29 =	spop (v2sf)  }
0x220: {  	s0 =	sadd.s32 s0, s29;
	vm7 =	veq.s32 v55, v8  }
0x221: {  	v10 =	vmpcnt.ones.xlane vm7;
	[tilespmem:s0+$0x6000] =	vst.msk vm7, v9  }
0x222: {  	v9 =	vld [tilespmem:s26+$0x90]  }
0x223: {  	(v2sf) =	vpush v10, $0x0;
	_ =	sdelay $0x3  }
0x224: {  	v56 =	vshrl.u32 v9, $0x14  }
0x225: {  	vm8 =	veq.s32 v56, v8  }
0x226: {  	v10 =	vmpcnt.ones.xlane vm8;
	_ =	sdelay $0x1  }
0x227: {  	(v2sf) =	vpush v10, $0x0;
	_ =	sdelay $0x6  }
0x228: {  	s30 =	spop (v2sf)  }
0x229: {  	s0 =	sadd.s32 s0, s30  }
0x22a: {  	[tilespmem:s0+$0x6000] =	vst.msk vm8, v9  }
0x22b: {  	v9 =	vld [tilespmem:s26+$0xA0];
	_ =	sdelay $0x4  }
0x22c: {  	v57 =	vshrl.u32 v9, $0x14;
	s31 =	spop (v2sf)  }
0x22d: {  	s0 =	sadd.s32 s0, s31;
	vm9 =	veq.s32 v57, v8  }
0x22e: {  	v10 =	vmpcnt.ones.xlane vm9;
	[tilespmem:s0+$0x6000] =	vst.msk vm9, v9  }
0x22f: {  	v9 =	vld [tilespmem:s26+$0xB0]  }
0x230: {  	(v2sf) =	vpush v10, $0x0;
	_ =	sdelay $0x3  }
0x231: {  	v58 =	vshrl.u32 v9, $0x14  }
0x232: {  	vm10 =	veq.s32 v58, v8  }
0x233: {  	v10 =	vmpcnt.ones.xlane vm10;
	_ =	sdelay $0x1  }
0x234: {  	(v2sf) =	vpush v10, $0x0;
	_ =	sdelay $0x6  }
0x235: {  	s28 =	spop (v2sf)  }
0x236: {  	s0 =	sadd.s32 s0, s28  }
0x237: {  	[tilespmem:s0+$0x6000] =	vst.msk vm10, v9  }
0x238: {  	v9 =	vld [tilespmem:s26+$0xC0];
	_ =	sdelay $0x4  }
0x239: {  	v59 =	vshrl.u32 v9, $0x14;
	s29 =	spop (v2sf)  }
0x23a: {  	s0 =	sadd.s32 s0, s29;
	vm11 =	veq.s32 v59, v8  }
0x23b: {  	v10 =	vmpcnt.ones.xlane vm11;
	[tilespmem:s0+$0x6000] =	vst.msk vm11, v9  }
0x23c: {  	v9 =	vld [tilespmem:s26+$0xD0]  }
0x23d: {  	(v2sf) =	vpush v10, $0x0;
	_ =	sdelay $0x3  }
0x23e: {  	v60 =	vshrl.u32 v9, $0x14  }
0x23f: {  	vm12 =	veq.s32 v60, v8  }
0x240: {  	v10 =	vmpcnt.ones.xlane vm12;
	_ =	sdelay $0x1  }
0x241: {  	(v2sf) =	vpush v10, $0x0;
	_ =	sdelay $0x6  }
0x242: {  	s30 =	spop (v2sf)  }
0x243: {  	s0 =	sadd.s32 s0, s30  }
0x244: {  	[tilespmem:s0+$0x6000] =	vst.msk vm12, v9  }
0x245: {  	v9 =	vld [tilespmem:s26+$0xE0];
	_ =	sdelay $0x4  }
0x246: {  	v61 =	vshrl.u32 v9, $0x14;
	s31 =	spop (v2sf)  }
0x247: {  	s0 =	sadd.s32 s0, s31;
	vm13 =	veq.s32 v61, v8  }
0x248: {  	[tilespmem:s0+$0x6000] =	vst.msk vm13, v9  }
0x249: {  	v9 =	vld [tilespmem:s26+$0xF0]  }
0x24a: {  	v62 =	vmov s25  }
0x24b: {  	v7 =	vxor.u32 $0x80000000, v7;
	v63 =	vmov s24;
	vm1 =	veq.s32 v62, v0  }
0x24c: {  	v6 =	vxor.u32 $0x80000000, v6;
	v7 =	vnsel vm1, $0x80000000, v7;
	vm14 =	veq.s32 v63, v0  }
0x24d: {  	(xrf0) =	vmax.scan.msk.u32 $0xffff, v7;
	v6 =	vnsel vm14, $0x80000000, v6  }
0x24e: {  	(xrf0) =	vmax.scan.msk.u32 $0xffff, v6;
	v6 =	vshrl.u32 v9, $0x14  }
0x24f: {  	v7 =	vmpcnt.ones.xlane vm13;
	vm15 =	veq.s32 v6, v8  }
0x250: {  	v6 =	vmpcnt.ones.xlane vm15;
	_ =	sdelay $0x1  }
0x251: {  	(v2sf) =	vpush v7, $0x0  }
0x252: {  	v7, _, _ =	vpop (xrf0);
	(v2sf) =	vpush v6, $0x0  }
0x253: {  	(v2sf) =	vpush v7, $0xF;
	v6, _, _ =	vpop (xrf0)  }
0x254: {  	(v2sf) =	vpush v6, $0xF;
	_ =	sdelay $0xb  }
0x255: {  	s26 =	spop (v2sf)  }
0x256: {  	s0 =	sadd.s32 s0, s26;
	s28 =	spop (v2sf)  }
0x257: {  	[tilespmem:s0+$0x6000] =	vst.msk vm15, v9;
	s0 =	sadd.s32 s0, s28;
	s29 =	spop (v2sf)  }
0x258: {  	[tilespmem:s0+$0x6000] =	vst v1;
	s30 =	spop (v2sf)  }
0x259: {  	[spmem:s6] =	stream.strided.scatter [tilespmem:s17], [sflag:$0x1], $0x4080, s13, s12, $0x38;
	[tilespmem:$0x13280] =	vst v63  }
0x25a: {  	_ =	swait.ge [sflag:s14], $0x4080  }
0x25b: {  	[sflag:s14] =	ssyncset.done $0x0  }
0x25c: {  	v6 =	vmov s0;
	[sflag:s14] =	ssyncadd.s32 $0xFFFFBF80  }
0x25d: {  	[tilespmem:$0xE100] =	vst v6  }
0x25e: {  	[spmem:s7] =	stream.linear.scatter [tilespmem:s18], [sflag:$0x1], $0x80, $0x38;
	[tilespmem:$0x13280] =	vst v63  }
0x25f: {  	_ =	swait.ge [sflag:s14], $0x80  }
0x260: {  	[sflag:s14] =	ssyncset.done $0x0  }
0x261: {  	[sflag:s14] =	ssyncadd.s32 $0xFFFFFF80  }
0x262: {  	[bflag:$0x0] =	sbarrier.arrive $0xFFFF  }
0x263: {  	[tilespmem:s18], [sflag:$0x1] =	stream.linear.gather [spmem:s8], $0x80, $0x38;
	[tilespmem:$0x13280] =	vst v63  }
0x264: {  	_ =	swait.ge [sflag:s14], $0x80  }
0x265: {  	[sflag:s14] =	ssyncset.done $0x0  }
0x266: {  	[sflag:s14] =	ssyncadd.s32 $0xFFFFFF80  }
0x267: {  	[bflag:$0x0] =	sbarrier.arrive $0xFFFF  }
0x268: {  	[tilespmem:s19], [sflag:$0x1] =	stream.strided.gather [spmem:s9], $0x4080, s13, s12, $0x38;
	[tilespmem:$0x13280] =	vst v63  }
0x269: {  	_ =	swait.ge [sflag:s14], $0x4080  }
0x26a: {  	[sflag:s14] =	ssyncset.done $0x0  }
0x26b: {  	[sflag:s14] =	ssyncadd.s32 $0xFFFFBF80  }
0x26c: {  	v6 =	vld [tilespmem:$0xE100];
	_ =	sdelay $0x4  }
0x26d: {  	(v2sf) =	vpush v6, $0x0;
	_ =	sdelay $0xa  }
0x26e: {  	s0 =	sadd.s32 $0xF, s0  }
0x26f: {  	s1 =	sadd.s32 s29, s22;
	s29 =	sand.u32 $0xF, s0  }
0x270: {  	s28 =	sshra.s32 s0, $0x1F;
	p0 =	slt.s32 s0, $0x1;
	p1 =	sne.s32 s29, $0x0  }
0x271: {  	s31 =	sxor.u32 $0x7FFFFFFF, s30;
	s25 =	sshrl.u32 s28, $0x1C;
	p0 =	por !p0, !p1  }
0x272: {  	s1 =	sadd.s32 s31, s1;
	s0 =	sadd.s32 s25, s0;
	s26 =	spop (v2sf)  }
0x273: {  	s25 =	simm.s32 $0x1;
	s22 =	sadd.s32 $0x80000001, s1;
	s24 =	sadd.s32 $0xF, s26  }
0x274: {  	s0 =	sshra.s32 s0, $0x4;
	p0 =	por !p0, !p0;
	s30 =	sand.u32 $0xF, s24  }
0x275: {  	p6 =	slt.s32 s24, $0x1;
	s31 =	sshra.s32 s24, $0x1F;
	p2 =	sne.s32 s30, $0x0  }
.Ltmp7:
0x276: {  	s1 =	sshrl.u32 s31, $0x1C;
	p1 =	por !p6, !p2;
	(pc) =	sbr.rel .LBB2_14-.Ltmp7, $4  }
0x277: {  	s26 =	simm.s32 $0x1;
	s1 =	sadd.s32 s1, s24;
	p1 =	por !p1, !p1  }
0x278: {  	s25 =	simm.s32 @!p0 $0x0;
	s1 =	sshra.s32 s1, $0x4;
	s26 =	simm.s32 @!p1 $0x0  }
0x279: {  	s23 =	sshll.u32 s23, $0x14;
	s24 =	ssub.s32 s0, s25;
	s25 =	ssub.s32 s1, s26  }
0x27a: {  	p0 =	slt.s32 s24, $0x1;
	s26 =	simm.s32 $0x0;
	p1 =	slt.s32 s25, $0x1  }
.LBB2_18:
0x27b: {  	vm0 =	vge.u32 v8, v6  }
0x27c: {  	v6 =	vsel vm0, $0x1, v1  }
0x27d: {  	v7 =	vadd.s32 v6, v7  }
.LBB2_19:
0x27e: {  	(xrf0) =	vadd.scan.msk.s32 $0xffff, v7;
	_ =	sdelay $0x5  }
0x27f: {  	v6, _, _ =	vpop (xrf0)  }
0x280: {  	(v2sf) =	vpush v6, $0xF;
	_ =	sdelay $0xb  }
0x281: {  	s26 =	sadd.s32 $0x1, s26  }
0x282: {  	p3 =	seq.s32 s26, $0x14  }
.Ltmp8:
0x283: {  	_ = 	snop;
	(pc) =	sbr.rel @p3 .LBB2_20-.Ltmp8, $4  }
0x284: {  	s0 =	spop (v2sf)  }
0x285: {  	s0 =	sadd.s32 s0, s22  }
0x286: {  	p2 =	sgt.s32 s0, $0x3FF  }
0x287: {  	s23 =	smov.u32 @p2 s28  }
.LBB2_14:
.Ltmp9:
0x288: {  	(pc) =	sbr.rel @p0 .LBB2_15-.Ltmp9, $4  }
0x289: {  	_ = 	snop  }
0x28a: {  	s0 =	sshrl.u32 s20, s26  }
0x28b: {  	s28 =	sor.u32 s0, s23  }
0x28c: {  	v7 =	vimm.s32 $0x0;
	v6 =	vmov s28  }
0x28d: {  	s0 =	simm.s32 $0x6000  }
0x28e: {  	p2 =	seq.s32 s24, $0x1;
	v8 =	vld [tilespmem:s0+$0x0]  }
.Ltmp10:
0x28f: {  	_ = 	snop;
	(pc) =	sbr.rel @p2 .LBB2_26-.Ltmp10, $2  }
0x290: {  	_ =	sdelay $0x2  }
0x291: {  	s29 =	simm.s32 $0x6010;
	s0 =	sadd.s32 $0xFFFFFFFF, s24;
	vm0 =	vge.u32 v8, v6  }
.LBB2_25:
0x292: {  	v8 =	vld [tilespmem:s29+$0x0];
	p2 =	seq.s32 s0, $0x1;
	s0 =	sadd.s32 $0xFFFFFFFF, s0;
	v9 =	vsel vm0, $0x1, v1  }
.Ltmp11:
0x293: {  	v7 =	vadd.s32 v9, v7;
	(pc) =	sbr.rel @!p2 .LBB2_25-.Ltmp11, $2  }
0x294: {  	_ =	sdelay $0x2  }
0x295: {  	s29 =	sadd.s32 $0x10, s29;
	vm0 =	vge.u32 v8, v6  }
.LBB2_26:
0x296: {  	v8 =	vsel vm0, $0x1, v1  }
0x297: {  	v7 =	vadd.s32 v8, v7  }
.LBB2_15:
.Ltmp12:
0x298: {  	(pc) =	sbr.rel @p1 .LBB2_19-.Ltmp12, $1  }
0x299: {  	_ =	sdelay $0x3  }
0x29a: {  	s0 =	simm.s32 $0x0  }
0x29b: {  	p2 =	sne.s32 s25, $0x1;
	s1 =	sand.u32 $0xFFFFFFF0, s0  }
.Ltmp13:
0x29c: {  	v8 =	vld [tilespmem:s1+$0xA080];
	(pc) =	sbr.rel @!p2 .LBB2_18-.Ltmp13, $2  }
0x29d: {  	_ =	sdelay $0x2  }
0x29e: {  	s29 =	simm.s32 $0x10;
	s0 =	sadd.s32 $0xFFFFFFFF, s25  }
.LBB2_17:
0x29f: {  	s1 =	sand.u32 $0xFFFFFFF0, s29;
	p2 =	sne.s32 s0, $0x1;
	s0 =	sadd.s32 $0xFFFFFFFF, s0;
	vm0 =	vge.u32 v8, v6  }
.Ltmp14:
0x2a0: {  	v8 =	vld [tilespmem:s1+$0xA080];
	v9 =	vsel vm0, $0x1, v1;
	(pc) =	sbr.rel @p2 .LBB2_17-.Ltmp14, $2  }
0x2a1: {  	v7 =	vadd.s32 v9, v7;
	_ =	sdelay $0x2  }
0x2a2: {  	s29 =	sadd.s32 $0x10, s29  }
.Ltmp15:
0x2a3: {  	_ = 	snop;
	(pc) =	sbr.rel .LBB2_18-.Ltmp15, $1  }
0x2a4: {  	_ =	sdelay $0x3  }
.LBB2_20:
0x2a5: {  	s22 =	simm.s32 $0x0  }
0x2a6: {  	v7 =	vld [tilespmem:s22+$0x0]  }
0x2a7: {  	v8 =	vld [tilespmem:s22+$0x10]  }
0x2a8: {  	v9 =	vld [tilespmem:s22+$0x20]  }
0x2a9: {  	v10 =	vld [tilespmem:s22+$0x30]  }
0x2aa: {  	v6 =	vmov s23;
	v11 =	vld [tilespmem:s22+$0x40]  }
0x2ab: {  	vm0 =	vlt.u32 v7, v6;
	v7 =	vld [tilespmem:s22+$0x50]  }
0x2ac: {  	v13 =	vld [tilespmem:s22+$0x60];
	v12 =	vsel vm0, $0x0, v5;
	vm0 =	vlt.u32 v8, v6  }
0x2ad: {  	[tilespmem:s22+$0x0] =	vst v12;
	v8 =	vsel vm0, $0x0, v5;
	v12 =	vld [tilespmem:s22+$0x70];
	vm0 =	vlt.u32 v9, v6  }
0x2ae: {  	v14 =	vld [tilespmem:s22+$0x80];
	[tilespmem:s22+$0x10] =	vst v8;
	v8 =	vsel vm0, $0x0, v5;
	vm0 =	vlt.u32 v10, v6  }
0x2af: {  	v15 =	vld [tilespmem:s22+$0x90];
	[tilespmem:s22+$0x20] =	vst v8;
	v8 =	vsel vm0, $0x0, v5;
	vm0 =	vlt.u32 v11, v6  }
0x2b0: {  	[tilespmem:s22+$0x30] =	vst v8;
	v9 =	vsel vm0, $0x0, v5;
	v8 =	vld [tilespmem:s22+$0xA0];
	vm0 =	vlt.u32 v7, v6  }
0x2b1: {  	v7 =	vld [tilespmem:s22+$0xB0];
	[tilespmem:s22+$0x40] =	vst v9;
	v9 =	vsel vm0, $0x0, v5;
	vm0 =	vlt.u32 v13, v6  }
0x2b2: {  	[tilespmem:s22+$0x50] =	vst v9;
	v10 =	vsel vm0, $0x0, v5;
	v9 =	vld [tilespmem:s22+$0xC0];
	vm0 =	vlt.u32 v12, v6  }
0x2b3: {  	[tilespmem:s22+$0x60] =	vst v10;
	v11 =	vsel vm0, $0x0, v5;
	v10 =	vld [tilespmem:s22+$0xD0];
	vm0 =	vlt.u32 v14, v6  }
0x2b4: {  	s23 =	simm.s32 $0x400;
	[tilespmem:s22+$0x70] =	vst v11;
	v12 =	vsel vm0, $0x0, v5;
	vm0 =	vlt.u32 v15, v6;
	v11 =	vld [tilespmem:s22+$0xE0]  }
.LBB2_21:
0x2b5: {  	s0 =	sshra.s32 s23, $0x2;
	p0 =	sne.s32 s23, $0xFC00;
	[tilespmem:s22+$0x80] =	vst v12;
	v12 =	vsel vm0, $0x0, v5;
	vm0 =	vlt.u32 v8, v6;
	v8 =	vld [tilespmem:s22+$0xF0]  }
0x2b6: {  	v13 =	vld [tilespmem:s0+$0x0];
	[tilespmem:s22+$0x90] =	vst v12;
	v12 =	vsel vm0, $0x0, v5;
	vm0 =	vlt.u32 v7, v6  }
0x2b7: {  	v7 =	vld [tilespmem:s0+$0x10];
	[tilespmem:s22+$0xA0] =	vst v12;
	v12 =	vsel vm0, $0x0, v5;
	vm0 =	vlt.u32 v9, v6  }
0x2b8: {  	v9 =	vld [tilespmem:s0+$0x20];
	[tilespmem:s22+$0xB0] =	vst v12;
	v12 =	vsel vm0, $0x0, v5;
	vm0 =	vlt.u32 v10, v6  }
0x2b9: {  	v10 =	vld [tilespmem:s0+$0x30];
	[tilespmem:s22+$0xC0] =	vst v12;
	v12 =	vsel vm0, $0x0, v5;
	vm0 =	vlt.u32 v11, v6  }
0x2ba: {  	v11 =	vld [tilespmem:s0+$0x40];
	[tilespmem:s22+$0xD0] =	vst v12;
	v12 =	vsel vm0, $0x0, v5;
	vm0 =	vlt.u32 v8, v6  }
0x2bb: {  	vm1 =	vlt.u32 v13, v6;
	v8 =	vld [tilespmem:s0+$0x50];
	[tilespmem:s22+$0xE0] =	vst v12;
	v12 =	vsel vm0, $0x0, v5  }
0x2bc: {  	v13 =	vsel vm1, $0x0, v5;
	vm0 =	vlt.u32 v7, v6;
	v7 =	vld [tilespmem:s0+$0x60];
	[tilespmem:s22+$0xF0] =	vst v12;
	s22 =	smov.u32 s0  }
0x2bd: {  	[tilespmem:s22+$0x0] =	vst v13;
	v12 =	vsel vm0, $0x0, v5;
	vm0 =	vlt.u32 v9, v6;
	v9 =	vld [tilespmem:s22+$0x70]  }
0x2be: {  	[tilespmem:s22+$0x10] =	vst v12;
	v12 =	vsel vm0, $0x0, v5;
	vm0 =	vlt.u32 v10, v6;
	v10 =	vld [tilespmem:s22+$0x80]  }
0x2bf: {  	[tilespmem:s22+$0x20] =	vst v12;
	v12 =	vsel vm0, $0x0, v5;
	vm0 =	vlt.u32 v11, v6;
	v11 =	vld [tilespmem:s22+$0x90]  }
.Ltmp16:
0x2c0: {  	[tilespmem:s22+$0x30] =	vst v12;
	v12 =	vsel vm0, $0x0, v5;
	vm0 =	vlt.u32 v8, v6;
	v8 =	vld [tilespmem:s22+$0xA0];
	(pc) =	sbr.rel @p0 .LBB2_21-.Ltmp16, $4  }
0x2c1: {  	[tilespmem:s22+$0x40] =	vst v12;
	v12 =	vsel vm0, $0x0, v5;
	vm0 =	vlt.u32 v7, v6;
	v7 =	vld [tilespmem:s22+$0xB0]  }
0x2c2: {  	[tilespmem:s22+$0x50] =	vst v12;
	v12 =	vsel vm0, $0x0, v5;
	vm0 =	vlt.u32 v9, v6;
	v9 =	vld [tilespmem:s22+$0xC0]  }
0x2c3: {  	[tilespmem:s22+$0x60] =	vst v12;
	v12 =	vsel vm0, $0x0, v5;
	vm0 =	vlt.u32 v10, v6;
	v10 =	vld [tilespmem:s22+$0xD0]  }
0x2c4: {  	s23 =	sadd.s32 $0x400, s23;
	[tilespmem:s22+$0x70] =	vst v12;
	v12 =	vsel vm0, $0x0, v5;
	vm0 =	vlt.u32 v11, v6;
	v11 =	vld [tilespmem:s22+$0xE0]  }
0x2c5: {  	[tilespmem:s22+$0x80] =	vst v12;
	v61 =	vsel vm0, $0x0, v5;
	vm10 =	vlt.u32 v8, v6;
	v62 =	vld [tilespmem:s22+$0xF0]  }
0x2c6: {  	[tilespmem:s22+$0x90] =	vst v61;
	v63 =	vsel vm10, $0x0, v5;
	vm11 =	vlt.u32 v7, v6  }
0x2c7: {  	[tilespmem:s22+$0xA0] =	vst v63;
	v7 =	vsel vm11, $0x0, v5;
	vm12 =	vlt.u32 v9, v6  }
0x2c8: {  	[tilespmem:s22+$0xB0] =	vst v7;
	v7 =	vsel vm12, $0x0, v5;
	vm13 =	vlt.u32 v10, v6  }
0x2c9: {  	[tilespmem:s22+$0xC0] =	vst v7;
	v7 =	vsel vm13, $0x0, v5;
	vm14 =	vlt.u32 v11, v6  }
0x2ca: {  	s21 =	sadd.s32 $0x1, s21;
	[tilespmem:s22+$0xD0] =	vst v7;
	v7 =	vsel vm14, $0x0, v5;
	vm15 =	vlt.u32 v62, v6  }
0x2cb: {  	p0 =	sne.s32 s21, s11;
	[tilespmem:s22+$0xE0] =	vst v7;
	v6 =	vsel vm15, $0x0, v5  }
.Ltmp17:
0x2cc: {  	[tilespmem:s22+$0xF0] =	vst v6;
	(pc) =	sbr.rel @p0 .LBB2_1-.Ltmp17, $4  }
0x2cd: {  	[hbm4b:s10+s12] =	stream.strided.scatter [tilespmem:s2], [sflag:$0x1], $0x4000, s13, s12, $0x38;
	[tilespmem:$0x13280] =	vst v63  }
0x2ce: {  	_ =	swait.ge [sflag:s14], $0x4000  }
0x2cf: {  	[sflag:s14] =	ssyncset.done $0x0  }
0x2d0: {  	[sflag:s14] =	ssyncadd.s32 $0xFFFFC000  }
0x2d1: {  	_ =	sfence.sel $0x180000  }
0x2d2: {  	[bflag:$0x0] =	sbarrier.arrive $0xFFFF  }
0x2d3: {  	_ =	strace $0x90000047  }
0x2d4: {  	s0 =	stileid.u32;
	[bflag:$0x2] =	sbarrier.arrive $0xFFFF  }
0x2d5: {  	p0 =	sne.s32 s0, $0x0;
	s0 =	rddreg [dreg:$0x5]  }
0x2d6: {  	s0 =	sadd.s32 @!p0 $0x100000, s0  }
0x2d7: {  	[sflag:s0] =	ssyncadd.tile.s32 @!p0 $0x1;
	_ =	shalt  }
.Lfunc_end2:
_tile_overlayer_lowered:
.L_overlay_start_2:
0x2d8: {  	(tag) =	ssettag $0x2  }
0x2d9: {  	s0 =	rddreg [dreg:$0x0];
	s2 =	stileid.u32  }
0x2da: {  	s1 =	rddreg [dreg:$0x1];
	p0 =	sne.s32 s2, $0x0  }
0x2db: {  	s3 =	rddreg [dreg:$0x2];
	[bflag:$0x3] =	sbarrier.arrive $0xFFFF;
	s2 =	simm.s32 @!p0 $0x1C01  }
0x2dc: {  	[timem:s3], [sflag:s2] =	dma.local @!p0 [hbm:s0], s1  }
0x2dd: {  	s0 =	simm.s32 @!p0 $0x1  }
0x2de: {  	_ =	swait.ge @!p0 [sflag:s0], s1  }
0x2df: {  	s1 =	ssub.s32 @!p0 $0x0, s1;
	[sflag:s0] =	ssyncset.done @!p0 $0x0  }
0x2e0: {  	[sflag:s0] =	ssyncadd.s32 @!p0 s1  }
0x2e1: {  	[bflag:$0x3] =	sbarrier.arrive $0xFFFF  }
0x2e2: {  	_ =	shalt  }

</sc_bundles>
